<compile_context>
chip_gen: v7x
topology: tpu7x:2x2x1
jax: 0.10.2.dev20260603
libtpu: 0.0.44.dev20260713+nightly
codegen_flags: <defaults>
</compile_context>

<pallas_src>
import functools

import jax
import jax.numpy as jnp
from jax import lax
from jax.experimental import pallas as pl
from jax.experimental.pallas import tpu as pltpu
from jax.experimental.pallas import tpu_sc as plsc

N = 10000
D = 128
EPS = 1e-5
L = 16
NC, NS = 2, 16
NW = NC * NS
K = 128
E = 320000
IB = 16
A_CH = 160
B_CH = 0
DA_CH = 80
CH0 = NS * A_CH
TOTCH = NS * (A_CH + B_CH)
EPAD = TOTCH * K
ZR = 64
NPAD = 10240
RPT = NPAD // NS

_mesh = plsc.VectorSubcoreMesh(core_axis_name="c", subcore_axis_name="s")
_sc_params = pltpu.CompilerParams(needs_layout_passes=False)



def _chunk_range(cid, sid, a_ch, b_ch, ch0):
    base = jnp.where(cid == 0, sid * a_ch, ch0 + sid * b_ch)
    nb = jnp.where(cid == 0, a_ch // IB, b_ch // IB)
    return base, nb


@functools.partial(
    pl.kernel,
    out_type=jax.ShapeDtypeStruct((NW, NPAD), jnp.float32),
    mesh=_mesh,
    compiler_params=_sc_params,
    scratch_types=[
        pltpu.VMEM((IB, K), jnp.int32),
        pltpu.VMEM((NPAD,), jnp.float32),
    ],
)
def _deg_kernel(dst_hbm, out_hbm, dst_v, degp):
    cid = lax.axis_index("c")
    sid = lax.axis_index("s")
    wid = sid * NC + cid
    base, nb = _chunk_range(cid, sid, DA_CH, DA_CH, NS * DA_CH)

    def zbody(i, carry):
        degp[pl.ds(i * L, L)] = jnp.zeros((L,), jnp.float32)
        return carry

    lax.fori_loop(0, NPAD // L, zbody, 0)

    def blk_body(b, carry):
        pltpu.sync_copy(dst_hbm.at[pl.ds(base + b * IB, IB)], dst_v)

        def body(t, carry2):
            j = t // (K // L)
            k = t % (K // L)
            idx = dst_v[j, pl.ds(k * L, L)]
            plsc.addupdate_scatter(degp, [idx], jnp.ones((L,), jnp.float32))
            return carry2

        lax.fori_loop(0, IB * (K // L), body, 0)
        return carry

    lax.fori_loop(0, nb, blk_body, 0)
    pltpu.sync_copy(degp, out_hbm.at[wid])


@functools.partial(
    pl.kernel,
    out_type=jax.ShapeDtypeStruct((NC, NPAD, D), jnp.float32),
    mesh=_mesh,
    compiler_params=_sc_params,
    scratch_types=[
        pltpu.VMEM((IB, K), jnp.int32),
        pltpu.VMEM((IB, K), jnp.int32),
        pltpu.VMEM((2, K, D), jnp.float32),
        pltpu.VMEM((ZR, D), jnp.float32),
        pltpu.VMEM_SHARED((NPAD, D), jnp.float32),
        pltpu.SemaphoreType.DMA,
        pltpu.SemaphoreType.DMA,
    ],
)
def _edge_kernel(src_hbm, dst_hbm, u_hbm, acc_out,
                 src_v, dst_v, rows_v, zbuf, acc_sh, sem0, sem1):
    cid = lax.axis_index("c")
    sid = lax.axis_index("s")
    base, nb = _chunk_range(cid, sid, A_CH, B_CH, CH0)

    def zfill(t, carry):
        zbuf[t // (D // L), pl.ds((t % (D // L)) * L, L)] = (
            jnp.zeros((L,), jnp.float32))
        return carry

    lax.fori_loop(0, ZR * (D // L), zfill, 0)

    def zcopy(i, carry):
        pltpu.sync_copy(zbuf, acc_sh.at[pl.ds(sid * RPT + i * ZR, ZR)])
        return carry

    lax.fori_loop(0, RPT // ZR, zcopy, 0)
    plsc.subcore_barrier()

    def blk_body(b, carry):
        pltpu.sync_copy(src_hbm.at[pl.ds(base + b * IB, IB)], src_v)
        pltpu.sync_copy(dst_hbm.at[pl.ds(base + b * IB, IB)], dst_v)
        pltpu.async_copy(u_hbm.at[src_v.at[0]], rows_v.at[0], sem0)

        def pair(p, carry2):
            j0 = 2 * p
            j1 = j0 + 1
            pltpu.async_copy(u_hbm.at[src_v.at[j1]], rows_v.at[1], sem1)
            pltpu.make_async_copy(
                u_hbm.at[src_v.at[j0]], rows_v.at[0], sem0).wait()
            pltpu.sync_copy(rows_v.at[0], acc_sh.at[dst_v.at[j0]], add=True)

            @pl.when(j1 + 1 < IB)
            def _():
                pltpu.async_copy(u_hbm.at[src_v.at[j1 + 1]],
                                 rows_v.at[0], sem0)

            pltpu.make_async_copy(
                u_hbm.at[src_v.at[j1]], rows_v.at[1], sem1).wait()
            pltpu.sync_copy(rows_v.at[1], acc_sh.at[dst_v.at[j1]], add=True)
            return carry2

        lax.fori_loop(0, IB // 2, pair, 0)
        return carry

    lax.fori_loop(0, nb, blk_body, 0)
    plsc.subcore_barrier()

    @pl.when(cid == 0)
    def _():
        pltpu.sync_copy(acc_sh.at[pl.ds(sid * RPT, RPT)],
                        acc_out.at[cid, pl.ds(sid * RPT, RPT)])


@functools.partial(
    pl.kernel,
    out_type=jax.ShapeDtypeStruct((NW, NPAD), jnp.float32),
    mesh=_mesh,
    compiler_params=_sc_params,
    scratch_types=[
        pltpu.VMEM((IB, K), jnp.int32),
        pltpu.VMEM((IB, K), jnp.int32),
        pltpu.VMEM((NPAD,), jnp.float32),
        pltpu.VMEM((NPAD,), jnp.float32),
    ],
)
def _c_kernel(src_hbm, dst_hbm, dinv_hbm, out_hbm, src_v, dst_v, dinv_v, cp):
    cid = lax.axis_index("c")
    sid = lax.axis_index("s")
    wid = sid * NC + cid
    base, nb = _chunk_range(cid, sid, DA_CH, DA_CH, NS * DA_CH)
    pltpu.sync_copy(dinv_hbm, dinv_v)

    def czero(i, carry):
        cp[pl.ds(i * L, L)] = jnp.zeros((L,), jnp.float32)
        return carry

    lax.fori_loop(0, NPAD // L, czero, 0)

    def blk_body(b, carry):
        pltpu.sync_copy(src_hbm.at[pl.ds(base + b * IB, IB)], src_v)
        pltpu.sync_copy(dst_hbm.at[pl.ds(base + b * IB, IB)], dst_v)

        def body(t, carry2):
            j = t // (K // L)
            k = t % (K // L)
            d16 = dst_v[j, pl.ds(k * L, L)]
            s16 = src_v[j, pl.ds(k * L, L)]
            vals = plsc.load_gather(dinv_v, [d16])
            plsc.addupdate_scatter(cp, [s16], vals)
            return carry2

        lax.fori_loop(0, IB * (K // L), body, 0)
        return carry

    lax.fori_loop(0, nb, blk_body, 0)
    pltpu.sync_copy(cp, out_hbm.at[wid])



def _t1_body(degp_ref, x_ref, w1_ref, u1_ref, dinv_ref):
    deg = jnp.sum(degp_ref[...], axis=1, keepdims=True) + 1.0
    dinv = lax.rsqrt(deg)
    dinv_ref[...] = dinv
    h = jnp.dot(x_ref[...], w1_ref[...], preferred_element_type=jnp.float32)
    u1_ref[:N] = h * dinv[:N]
    u1_ref[N:] = jnp.zeros((NPAD - N, D), jnp.float32)


def _t2_body(acc_ref, u_ref, dinv_ref, b_ref, g_ref, be_ref, w2_ref, out_ref):
    dinv = dinv_ref[:N]
    z = (acc_ref[0, :N] + acc_ref[1, :N] + u_ref[:N]) * dinv + b_ref[...]
    m = jnp.mean(z, axis=0, keepdims=True)
    zc = z - m
    v = jnp.mean(zc * zc, axis=0, keepdims=True)
    h = jnp.maximum(zc * lax.rsqrt(v + EPS) * g_ref[...] + be_ref[...], 0.0)
    u2 = jnp.dot(h, w2_ref[...], preferred_element_type=jnp.float32) * dinv
    out_ref[:N] = u2
    out_ref[N:] = jnp.zeros((NPAD - N, D), jnp.float32)


def _t3_body(acc_ref, u_ref, dinv_ref, c_ref, b2_ref, g2_ref, be2_ref,
             w3_ref, b3_ref, out_ref):
    dinv = dinv_ref[:N]
    z = (acc_ref[0, :N] + acc_ref[1, :N] + u_ref[:N]) * dinv + b2_ref[...]
    m = jnp.mean(z, axis=0, keepdims=True)
    zc = z - m
    v = jnp.mean(zc * zc, axis=0, keepdims=True)
    h2 = jnp.maximum(zc * lax.rsqrt(v + EPS) * g2_ref[...] + be2_ref[...], 0.0)
    c = jnp.sum(c_ref[...], axis=1, keepdims=True)[:N]
    w = dinv * (c + dinv)
    s = jnp.sum(h2 * w, axis=0, keepdims=True)
    out_ref[...] = (jnp.dot(s, w3_ref[...],
                            preferred_element_type=jnp.float32) * (1.0 / N)
                    + b3_ref[...])



def kernel(x, edge_index, W1, b1, g1, be1, W2, b2, g2, be2, W3, b3):
    src = edge_index[0]
    dst = edge_index[1]
    padv = jnp.full((EPAD - E,), N, jnp.int32)
    srcp = jnp.concatenate([src, padv]).reshape(TOTCH, K)
    dstp = jnp.concatenate([dst, padv]).reshape(TOTCH, K)

    deg_parts = _deg_kernel(dstp)

    u1, dinv2d = pl.pallas_call(
        _t1_body,
        out_shape=(jax.ShapeDtypeStruct((NPAD, D), jnp.float32),
                   jax.ShapeDtypeStruct((NPAD, 1), jnp.float32)),
    )(deg_parts.T, x, W1)
    dinv1d = dinv2d.reshape(NPAD)

    acc1 = _edge_kernel(srcp, dstp, u1)
    c_parts = _c_kernel(srcp, dstp, dinv1d)

    u2 = pl.pallas_call(
        _t2_body,
        out_shape=jax.ShapeDtypeStruct((NPAD, D), jnp.float32),
    )(acc1, u1, dinv2d, b1.reshape(1, D), g1.reshape(1, D),
      be1.reshape(1, D), W2)

    acc2 = _edge_kernel(srcp, dstp, u2)

    out = pl.pallas_call(
        _t3_body,
        out_shape=jax.ShapeDtypeStruct((1, D), jnp.float32),
    )(acc2, u2, dinv2d, c_parts.T, b2.reshape(1, D), g2.reshape(1, D),
      be2.reshape(1, D), W3, b3.reshape(1, D))
    return out

# --- scband reference (transcript-rebuilt; emitter-appended) ---
"""Pipeline reference for scband-gnnmodel-26182120636599 (READ-ONLY COPY).

The authoritative reference and input builder live on the scoring server;
editing this copy changes nothing except your own understanding.
"""

import jax, jax.numpy as jnp
import numpy as np

N = 10000
E = 320000
D_IN = 128
D_HID = 128
D_OUT = 128
EPS = 1e-5


def _glorot(k, shape):
    scale = jnp.sqrt(6.0 / (shape[0] + shape[1]))
    return jax.random.uniform(k, shape, jnp.float32, -scale, scale)


def setup_inputs(seed: int = 0) -> dict:
    key = jax.random.key(seed)
    ks = jax.random.split(key, 8)
    x = jax.random.normal(ks[0], (N, D_IN), dtype=jnp.float32)
    edge_index = jax.random.randint(ks[1], (2, E), 0, N, dtype=jnp.int32)
    W1 = _glorot(ks[2], (D_IN, D_HID)); b1 = jnp.zeros((D_HID,), jnp.float32)
    g1 = jnp.ones((D_HID,), jnp.float32); be1 = jnp.zeros((D_HID,), jnp.float32)
    W2 = _glorot(ks[3], (D_HID, D_HID)); b2 = jnp.zeros((D_HID,), jnp.float32)
    g2 = jnp.ones((D_HID,), jnp.float32); be2 = jnp.zeros((D_HID,), jnp.float32)
    W3 = _glorot(ks[4], (D_HID, D_OUT)); b3 = jnp.zeros((D_OUT,), jnp.float32)
    return {"x": x, "edge_index": edge_index,
            "W1": W1, "b1": b1, "g1": g1, "be1": be1,
            "W2": W2, "b2": b2, "g2": g2, "be2": be2,
            "W3": W3, "b3": b3}


def _gcn_conv(x, src, dst, W, b):
    # PyG GCNConv: linear -> add self loops -> sym-normalized scatter-add -> bias
    n = x.shape[0]
    h = x @ W
    loop = jnp.arange(n, dtype=src.dtype)
    s = jnp.concatenate([src, loop])
    d = jnp.concatenate([dst, loop])
    deg = jnp.zeros((n,), x.dtype).at[d].add(1.0)
    dinv = jnp.where(deg > 0, jax.lax.rsqrt(deg), 0.0)
    norm = dinv[s] * dinv[d]
    msg = h[s] * norm[:, None]
    agg = jnp.zeros_like(h).at[d].add(msg)
    return agg + b


def _batchnorm(x, g, b):
    # training-mode batch statistics (biased variance), as torch BatchNorm1d
    m = x.mean(axis=0)
    v = x.var(axis=0)
    return (x - m) / jnp.sqrt(v + EPS) * g + b


def reference(x, edge_index, W1, b1, g1, be1, W2, b2, g2, be2, W3, b3):
    src = edge_index[0]
    dst = edge_index[1]
    h = _gcn_conv(x, src, dst, W1, b1)
    h = jax.nn.relu(_batchnorm(h, g1, be1))
    h = _gcn_conv(h, src, dst, W2, b2)
    h = jax.nn.relu(_batchnorm(h, g2, be2))
    h = _gcn_conv(h, src, dst, W3, b3)
    # batch=None path: mean over all nodes
    return h.mean(axis=0, keepdims=True)

if __name__ == "__main__":
    import jax
    _d = setup_inputs()
    print(jax.jit(kernel)(*tuple(_d.values())))

</pallas_src>

<mosaic_0001>
#map = affine_map<(d0, d1) -> (0, 0)>
module attributes {stable_mosaic.version = 14 : i64} {
  func.func @_deg_kernel(%arg0: i32, %arg1: i32, %arg2: memref<2560x128xi32, #tpu.memory_space<hbm>>, %arg3: memref<32x10240xf32, #tpu.memory_space<hbm>>, %arg4: memref<16x128xi32, #tpu.memory_space<vmem>>, %arg5: memref<10240xf32, #tpu.memory_space<vmem>>) attributes {dimension_semantics = [#tpu.dimension_semantics<core_parallel>, #tpu.dimension_semantics<subcore_parallel>], iteration_bounds = array<i64: 2, 16>, scalar_prefetch = 0 : i64, scratch_operands = 2 : i64, tpu.core_type = #tpu.core_type<sc_vector_subcore>, window_params = [{transform_indices = #map}, {transform_indices = #map}]} {
    %mul3A = arith.constant 2 : i32
    %mul3A_0 = arith.muli %arg1, %mul3A : i32
    %add3A = arith.addi %mul3A_0, %arg0 : i32
    %eq3A = arith.constant 0 : i32
    %eq3A_1 = arith.cmpi eq, %arg0, %eq3A : i32
    %mul3A_2 = arith.constant 80 : i32
    %mul3A_3 = arith.muli %arg1, %mul3A_2 : i32
    %mul3A_4 = arith.constant 80 : i32
    %mul3A_5 = arith.muli %arg1, %mul3A_4 : i32
    %add3A_6 = arith.constant 1280 : i32
    %add3A_7 = arith.addi %add3A_6, %mul3A_5 : i32
    %select_n3A = arith.select %eq3A_1, %mul3A_3, %add3A_7 : i32
    %eq3A_8 = arith.constant 0 : i32
    %eq3A_9 = arith.cmpi eq, %arg0, %eq3A_8 : i32
    %jit3A = arith.constant 5 : i32
    %jit3A_10 = arith.constant 5 : i32
    %select_n3A_11 = arith.select %eq3A_9, %jit3A, %jit3A_10 : i32
    %scan3A = arith.constant 0 : i32
    %scan3A_12 = arith.constant 0 : i32
    %scan3A_13 = arith.constant 640 : i32
    %scan3A_14 = arith.addi %scan3A_12, %scan3A_13 : i32
    %scan3A_15 = arith.constant 1 : i32
    scf.for %scan3A_26 = %scan3A_12 to %scan3A_14 step %scan3A_15  : i32 {
      %broadcast_in_dim3A = arith.constant 0.000000e+00 : f32
      %broadcast_in_dim3A_27 = vector.broadcast %broadcast_in_dim3A : f32 to vector<16xf32>
      %mul3A_28 = arith.constant 16 : i32
      %mul3A_29 = arith.muli %scan3A_26, %mul3A_28 : i32
      %swap3A = arith.index_cast %mul3A_29 : i32 to index
      %swap3A_30 = tpu.vector_load %arg5[%swap3A] {strides = array<i32>} : memref<10240xf32, #tpu.memory_space<vmem>>, vector<16xf32>,
      tpu.vector_store %arg5[%swap3A], %broadcast_in_dim3A_27 {strides = array<i32>} : memref<10240xf32, #tpu.memory_space<vmem>>, vector<16xf32>,
    }
    %scan3A_16 = arith.constant 640 : i32
    %while3A = arith.constant 0 : i32
    %while3A_17 = arith.constant 0 : i32
    %while3A_18 = arith.subi %select_n3A_11, %while3A_17 : i32
    %while3A_19 = arith.addi %while3A_17, %while3A_18 : i32
    %while3A_20 = arith.constant 1 : i32
    %while3A_21 = arith.divsi %while3A_18, %while3A_20 : i32
    %while3A_22 = arith.muli %while3A_21, %while3A_20 : i32
    %while3A_23 = arith.addi %while3A_17, %while3A_22 : i32
    %while3A_24 = arith.constant 1 : i32
    scf.for %while3A_26 = %while3A_17 to %while3A_23 step %while3A_24  : i32 {
      %mul3A_27 = arith.constant 16 : i32
      %mul3A_28 = arith.muli %while3A_26, %mul3A_27 : i32
      %add3A_29 = arith.addi %select_n3A, %mul3A_28 : i32
      "tpu.region"() ({
        %run_scoped3A = tpu.sem_alloc : memref<!tpu.dma_semaphore, #tpu.memory_space<semaphore_mem>>
        %dma_start3A = arith.constant 0 : i32
        %dma_start3A_36 = tpu.memref_slice %arg2[%add3A_29, %dma_start3A] : memref<2560x128xi32, #tpu.memory_space<hbm>> -> memref<16x128xi32, #tpu.memory_space<hbm>>
        %dma_start3A_37 = arith.constant 0 : i32
        %dma_start3A_38 = tpu.memref_slice %arg2[%add3A_29, %dma_start3A_37] : memref<2560x128xi32, #tpu.memory_space<hbm>> -> memref<16x128xi32, #tpu.memory_space<hbm>>
        tpu.enqueue_dma source(%dma_start3A_38 : memref<16x128xi32, #tpu.memory_space<hbm>>) target(%arg4 : memref<16x128xi32, #tpu.memory_space<vmem>>) target_semaphore(%run_scoped3A : memref<!tpu.dma_semaphore, #tpu.memory_space<semaphore_mem>>)
        %dma_wait3A = arith.constant 0 : i32
        %dma_wait3A_39 = tpu.memref_slice %arg2[%add3A_29, %dma_wait3A] : memref<2560x128xi32, #tpu.memory_space<hbm>> -> memref<16x128xi32, #tpu.memory_space<hbm>>
        %dma_wait3A_40 = arith.constant 0 : i32
        %dma_wait3A_41 = tpu.memref_slice %arg2[%add3A_29, %dma_wait3A_40] : memref<2560x128xi32, #tpu.memory_space<hbm>> -> memref<16x128xi32, #tpu.memory_space<hbm>>
        tpu.wait_dma2 semaphore(%run_scoped3A : memref<!tpu.dma_semaphore, #tpu.memory_space<semaphore_mem>>) src(%dma_wait3A_41 : memref<16x128xi32, #tpu.memory_space<hbm>>) dst(%arg4 : memref<16x128xi32, #tpu.memory_space<vmem>>)
        tpu.yield
      }) : () -> ()
      %scan3A_30 = arith.constant 0 : i32
      %scan3A_31 = arith.constant 0 : i32
      %scan3A_32 = arith.constant 128 : i32
      %scan3A_33 = arith.addi %scan3A_31, %scan3A_32 : i32
      %scan3A_34 = arith.constant 1 : i32
      scf.for %scan3A_36 = %scan3A_31 to %scan3A_33 step %scan3A_34  : i32 {
        %jit3A_37 = arith.constant 8 : i32
        %div3A = arith.divsi %scan3A_36, %jit3A_37 : i32
        %sign3A = arith.constant 0 : i32
        %sign3A_38 = arith.cmpi sgt, %scan3A_36, %sign3A : i32
        %sign3A_39 = arith.extui %sign3A_38 : i1 to i32
        %sign3A_40 = arith.constant 0 : i32
        %sign3A_41 = arith.cmpi slt, %scan3A_36, %sign3A_40 : i32
        %sign3A_42 = arith.extui %sign3A_41 : i1 to i32
        %sign3A_43 = arith.subi %sign3A_39, %sign3A_42 : i32
        %sign3A_44 = arith.constant 0 : i32
        %sign3A_45 = arith.cmpi sgt, %jit3A_37, %sign3A_44 : i32
        %sign3A_46 = arith.extui %sign3A_45 : i1 to i32
        %sign3A_47 = arith.constant 0 : i32
        %sign3A_48 = arith.cmpi slt, %jit3A_37, %sign3A_47 : i32
        %sign3A_49 = arith.extui %sign3A_48 : i1 to i32
        %sign3A_50 = arith.subi %sign3A_46, %sign3A_49 : i32
        %ne3A = arith.cmpi ne, %sign3A_43, %sign3A_50 : i32
        %rem3A = arith.remsi %scan3A_36, %jit3A_37 : i32
        %ne3A_51 = arith.constant 0 : i32
        %ne3A_52 = arith.cmpi ne, %rem3A, %ne3A_51 : i32
        %and3A = arith.andi %ne3A, %ne3A_52 : i1
        %sub3A = arith.constant 1 : i32
        %sub3A_53 = arith.subi %div3A, %sub3A : i32
        %select_n3A_54 = arith.select %and3A, %sub3A_53, %div3A : i32
        %jit3A_55 = arith.constant 8 : i32
        %eq3A_56 = arith.constant 0 : i32
        %eq3A_57 = arith.cmpi eq, %jit3A_55, %eq3A_56 : i32
        %jit3A_58 = arith.constant 1 : i32
        %select_n3A_59 = arith.select %eq3A_57, %jit3A_58, %jit3A_55 : i32
        %rem3A_60 = arith.remsi %scan3A_36, %select_n3A_59 : i32
        %ne3A_61 = arith.constant 0 : i32
        %ne3A_62 = arith.cmpi ne, %rem3A_60, %ne3A_61 : i32
        %lt3A = arith.constant 0 : i32
        %lt3A_63 = arith.cmpi slt, %rem3A_60, %lt3A : i32
        %lt3A_64 = arith.constant 0 : i32
        %lt3A_65 = arith.cmpi slt, %select_n3A_59, %lt3A_64 : i32
        %ne3A_66 = arith.xori %lt3A_63, %lt3A_65 : i1
        %and3A_67 = arith.andi %ne3A_66, %ne3A_62 : i1
        %add3A_68 = arith.addi %rem3A_60, %select_n3A_59 : i32
        %select_n3A_69 = arith.select %and3A_67, %add3A_68, %rem3A_60 : i32
        %mul3A_70 = arith.constant 16 : i32
        %mul3A_71 = arith.muli %select_n3A_69, %mul3A_70 : i32
        %get3A = arith.index_cast %select_n3A_54 : i32 to index
        %get3A_72 = arith.index_cast %mul3A_71 : i32 to index
        %get3A_73 = tpu.vector_load %arg4[%get3A, %get3A_72] {strides = array<i32>} : memref<16x128xi32, #tpu.memory_space<vmem>>, vector<16xi32>,
        %broadcast_in_dim3A = arith.constant 1.000000e+00 : f32
        %broadcast_in_dim3A_74 = vector.broadcast %broadcast_in_dim3A : f32 to vector<16xf32>
        tpu.vector_store_idx %arg5[%get3A_73], %broadcast_in_dim3A_74 {add = true} : memref<10240xf32, #tpu.memory_space<vmem>>[vector<16xi32>], vector<16xf32>,
      }
      %scan3A_35 = arith.constant 128 : i32
    }
    %while3A_25 = arith.constant 1 : i32
    scf.for %while3A_26 = %while3A_23 to %while3A_19 step %while3A_25  : i32 {
      %mul3A_27 = arith.constant 16 : i32
      %mul3A_28 = arith.muli %while3A_26, %mul3A_27 : i32
      %add3A_29 = arith.addi %select_n3A, %mul3A_28 : i32
      "tpu.region"() ({
        %run_scoped3A = tpu.sem_alloc : memref<!tpu.dma_semaphore, #tpu.memory_space<semaphore_mem>>
        %dma_start3A = arith.constant 0 : i32
        %dma_start3A_36 = tpu.memref_slice %arg2[%add3A_29, %dma_start3A] : memref<2560x128xi32, #tpu.memory_space<hbm>> -> memref<16x128xi32, #tpu.memory_space<hbm>>
        %dma_start3A_37 = arith.constant 0 : i32
        %dma_start3A_38 = tpu.memref_slice %arg2[%add3A_29, %dma_start3A_37] : memref<2560x128xi32, #tpu.memory_space<hbm>> -> memref<16x128xi32, #tpu.memory_space<hbm>>
        tpu.enqueue_dma source(%dma_start3A_38 : memref<16x128xi32, #tpu.memory_space<hbm>>) target(%arg4 : memref<16x128xi32, #tpu.memory_space<vmem>>) target_semaphore(%run_scoped3A : memref<!tpu.dma_semaphore, #tpu.memory_space<semaphore_mem>>)
        %dma_wait3A = arith.constant 0 : i32
        %dma_wait3A_39 = tpu.memref_slice %arg2[%add3A_29, %dma_wait3A] : memref<2560x128xi32, #tpu.memory_space<hbm>> -> memref<16x128xi32, #tpu.memory_space<hbm>>
        %dma_wait3A_40 = arith.constant 0 : i32
        %dma_wait3A_41 = tpu.memref_slice %arg2[%add3A_29, %dma_wait3A_40] : memref<2560x128xi32, #tpu.memory_space<hbm>> -> memref<16x128xi32, #tpu.memory_space<hbm>>
        tpu.wait_dma2 semaphore(%run_scoped3A : memref<!tpu.dma_semaphore, #tpu.memory_space<semaphore_mem>>) src(%dma_wait3A_41 : memref<16x128xi32, #tpu.memory_space<hbm>>) dst(%arg4 : memref<16x128xi32, #tpu.memory_space<vmem>>)
        tpu.yield
      }) : () -> ()
      %scan3A_30 = arith.constant 0 : i32
      %scan3A_31 = arith.constant 0 : i32
      %scan3A_32 = arith.constant 128 : i32
      %scan3A_33 = arith.addi %scan3A_31, %scan3A_32 : i32
      %scan3A_34 = arith.constant 1 : i32
      scf.for %scan3A_36 = %scan3A_31 to %scan3A_33 step %scan3A_34  : i32 {
        %jit3A_37 = arith.constant 8 : i32
        %div3A = arith.divsi %scan3A_36, %jit3A_37 : i32
        %sign3A = arith.constant 0 : i32
        %sign3A_38 = arith.cmpi sgt, %scan3A_36, %sign3A : i32
        %sign3A_39 = arith.extui %sign3A_38 : i1 to i32
        %sign3A_40 = arith.constant 0 : i32
        %sign3A_41 = arith.cmpi slt, %scan3A_36, %sign3A_40 : i32
        %sign3A_42 = arith.extui %sign3A_41 : i1 to i32
        %sign3A_43 = arith.subi %sign3A_39, %sign3A_42 : i32
        %sign3A_44 = arith.constant 0 : i32
        %sign3A_45 = arith.cmpi sgt, %jit3A_37, %sign3A_44 : i32
        %sign3A_46 = arith.extui %sign3A_45 : i1 to i32
        %sign3A_47 = arith.constant 0 : i32
        %sign3A_48 = arith.cmpi slt, %jit3A_37, %sign3A_47 : i32
        %sign3A_49 = arith.extui %sign3A_48 : i1 to i32
        %sign3A_50 = arith.subi %sign3A_46, %sign3A_49 : i32
        %ne3A = arith.cmpi ne, %sign3A_43, %sign3A_50 : i32
        %rem3A = arith.remsi %scan3A_36, %jit3A_37 : i32
        %ne3A_51 = arith.constant 0 : i32
        %ne3A_52 = arith.cmpi ne, %rem3A, %ne3A_51 : i32
        %and3A = arith.andi %ne3A, %ne3A_52 : i1
        %sub3A = arith.constant 1 : i32
        %sub3A_53 = arith.subi %div3A, %sub3A : i32
        %select_n3A_54 = arith.select %and3A, %sub3A_53, %div3A : i32
        %jit3A_55 = arith.constant 8 : i32
        %eq3A_56 = arith.constant 0 : i32
        %eq3A_57 = arith.cmpi eq, %jit3A_55, %eq3A_56 : i32
        %jit3A_58 = arith.constant 1 : i32
        %select_n3A_59 = arith.select %eq3A_57, %jit3A_58, %jit3A_55 : i32
        %rem3A_60 = arith.remsi %scan3A_36, %select_n3A_59 : i32
        %ne3A_61 = arith.constant 0 : i32
        %ne3A_62 = arith.cmpi ne, %rem3A_60, %ne3A_61 : i32
        %lt3A = arith.constant 0 : i32
        %lt3A_63 = arith.cmpi slt, %rem3A_60, %lt3A : i32
        %lt3A_64 = arith.constant 0 : i32
        %lt3A_65 = arith.cmpi slt, %select_n3A_59, %lt3A_64 : i32
        %ne3A_66 = arith.xori %lt3A_63, %lt3A_65 : i1
        %and3A_67 = arith.andi %ne3A_66, %ne3A_62 : i1
        %add3A_68 = arith.addi %rem3A_60, %select_n3A_59 : i32
        %select_n3A_69 = arith.select %and3A_67, %add3A_68, %rem3A_60 : i32
        %mul3A_70 = arith.constant 16 : i32
        %mul3A_71 = arith.muli %select_n3A_69, %mul3A_70 : i32
        %get3A = arith.index_cast %select_n3A_54 : i32 to index
        %get3A_72 = arith.index_cast %mul3A_71 : i32 to index
        %get3A_73 = tpu.vector_load %arg4[%get3A, %get3A_72] {strides = array<i32>} : memref<16x128xi32, #tpu.memory_space<vmem>>, vector<16xi32>,
        %broadcast_in_dim3A = arith.constant 1.000000e+00 : f32
        %broadcast_in_dim3A_74 = vector.broadcast %broadcast_in_dim3A : f32 to vector<16xf32>
        tpu.vector_store_idx %arg5[%get3A_73], %broadcast_in_dim3A_74 {add = true} : memref<10240xf32, #tpu.memory_space<vmem>>[vector<16xi32>], vector<16xf32>,
      }
      %scan3A_35 = arith.constant 128 : i32
    }
    "tpu.region"() ({
      %run_scoped3A = tpu.sem_alloc : memref<!tpu.dma_semaphore, #tpu.memory_space<semaphore_mem>>
      %dma_start3A = arith.constant 0 : i32
      %dma_start3A_26 = tpu.memref_slice %arg3[%add3A, %dma_start3A] : memref<32x10240xf32, #tpu.memory_space<hbm>> -> memref<1x10240xf32, #tpu.memory_space<hbm>>
      %dma_start3A_27 = tpu.memref_squeeze %dma_start3A_26 : memref<1x10240xf32, #tpu.memory_space<hbm>> -> memref<10240xf32, #tpu.memory_space<hbm>>
      %dma_start3A_28 = arith.constant 0 : i32
      %dma_start3A_29 = tpu.memref_slice %arg3[%add3A, %dma_start3A_28] : memref<32x10240xf32, #tpu.memory_space<hbm>> -> memref<1x10240xf32, #tpu.memory_space<hbm>>
      %dma_start3A_30 = tpu.memref_squeeze %dma_start3A_29 : memref<1x10240xf32, #tpu.memory_space<hbm>> -> memref<10240xf32, #tpu.memory_space<hbm>>
      tpu.enqueue_dma source(%arg5 : memref<10240xf32, #tpu.memory_space<vmem>>) target(%dma_start3A_30 : memref<10240xf32, #tpu.memory_space<hbm>>) target_semaphore(%run_scoped3A : memref<!tpu.dma_semaphore, #tpu.memory_space<semaphore_mem>>)
      %dma_wait3A = arith.constant 0 : i32
      %dma_wait3A_31 = tpu.memref_slice %arg3[%add3A, %dma_wait3A] : memref<32x10240xf32, #tpu.memory_space<hbm>> -> memref<1x10240xf32, #tpu.memory_space<hbm>>
      %dma_wait3A_32 = tpu.memref_squeeze %dma_wait3A_31 : memref<1x10240xf32, #tpu.memory_space<hbm>> -> memref<10240xf32, #tpu.memory_space<hbm>>
      %dma_wait3A_33 = arith.constant 0 : i32
      %dma_wait3A_34 = tpu.memref_slice %arg3[%add3A, %dma_wait3A_33] : memref<32x10240xf32, #tpu.memory_space<hbm>> -> memref<1x10240xf32, #tpu.memory_space<hbm>>
      %dma_wait3A_35 = tpu.memref_squeeze %dma_wait3A_34 : memref<1x10240xf32, #tpu.memory_space<hbm>> -> memref<10240xf32, #tpu.memory_space<hbm>>
      tpu.wait_dma2 semaphore(%run_scoped3A : memref<!tpu.dma_semaphore, #tpu.memory_space<semaphore_mem>>) src(%arg5 : memref<10240xf32, #tpu.memory_space<vmem>>) dst(%dma_wait3A_35 : memref<10240xf32, #tpu.memory_space<hbm>>)
      tpu.yield
    }) : () -> ()
    return
  }
}

#map = affine_map<(d0, d1) -> (0, 0)>
#map1 = affine_map<(d0, d1) -> (0)>
module attributes {stable_mosaic.version = 14 : i64} {
  func.func @_c_kernel(%arg0: i32, %arg1: i32, %arg2: memref<2560x128xi32, #tpu.memory_space<hbm>>, %arg3: memref<2560x128xi32, #tpu.memory_space<hbm>>, %arg4: memref<10240xf32, #tpu.memory_space<hbm>>, %arg5: memref<32x10240xf32, #tpu.memory_space<hbm>>, %arg6: memref<16x128xi32, #tpu.memory_space<vmem>>, %arg7: memref<16x128xi32, #tpu.memory_space<vmem>>, %arg8: memref<10240xf32, #tpu.memory_space<vmem>>, %arg9: memref<10240xf32, #tpu.memory_space<vmem>>) attributes {dimension_semantics = [#tpu.dimension_semantics<core_parallel>, #tpu.dimension_semantics<subcore_parallel>], iteration_bounds = array<i64: 2, 16>, scalar_prefetch = 0 : i64, scratch_operands = 4 : i64, tpu.core_type = #tpu.core_type<sc_vector_subcore>, window_params = [{transform_indices = #map}, {transform_indices = #map}, {transform_indices = #map1}, {transform_indices = #map}]} {
    %mul3A = arith.constant 2 : i32
    %mul3A_0 = arith.muli %arg1, %mul3A : i32
    %add3A = arith.addi %mul3A_0, %arg0 : i32
    %eq3A = arith.constant 0 : i32
    %eq3A_1 = arith.cmpi eq, %arg0, %eq3A : i32
    %mul3A_2 = arith.constant 80 : i32
    %mul3A_3 = arith.muli %arg1, %mul3A_2 : i32
    %mul3A_4 = arith.constant 80 : i32
    %mul3A_5 = arith.muli %arg1, %mul3A_4 : i32
    %add3A_6 = arith.constant 1280 : i32
    %add3A_7 = arith.addi %add3A_6, %mul3A_5 : i32
    %select_n3A = arith.select %eq3A_1, %mul3A_3, %add3A_7 : i32
    %eq3A_8 = arith.constant 0 : i32
    %eq3A_9 = arith.cmpi eq, %arg0, %eq3A_8 : i32
    %jit3A = arith.constant 5 : i32
    %jit3A_10 = arith.constant 5 : i32
    %select_n3A_11 = arith.select %eq3A_9, %jit3A, %jit3A_10 : i32
    "tpu.region"() ({
      %run_scoped3A = tpu.sem_alloc : memref<!tpu.dma_semaphore, #tpu.memory_space<semaphore_mem>>
      tpu.enqueue_dma source(%arg4 : memref<10240xf32, #tpu.memory_space<hbm>>) target(%arg8 : memref<10240xf32, #tpu.memory_space<vmem>>) target_semaphore(%run_scoped3A : memref<!tpu.dma_semaphore, #tpu.memory_space<semaphore_mem>>)
      tpu.wait_dma2 semaphore(%run_scoped3A : memref<!tpu.dma_semaphore, #tpu.memory_space<semaphore_mem>>) src(%arg4 : memref<10240xf32, #tpu.memory_space<hbm>>) dst(%arg8 : memref<10240xf32, #tpu.memory_space<vmem>>)
      tpu.yield
    }) : () -> ()
    %scan3A = arith.constant 0 : i32
    %scan3A_12 = arith.constant 0 : i32
    %scan3A_13 = arith.constant 640 : i32
    %scan3A_14 = arith.addi %scan3A_12, %scan3A_13 : i32
    %scan3A_15 = arith.constant 1 : i32
    scf.for %scan3A_26 = %scan3A_12 to %scan3A_14 step %scan3A_15  : i32 {
      %broadcast_in_dim3A = arith.constant 0.000000e+00 : f32
      %broadcast_in_dim3A_27 = vector.broadcast %broadcast_in_dim3A : f32 to vector<16xf32>
      %mul3A_28 = arith.constant 16 : i32
      %mul3A_29 = arith.muli %scan3A_26, %mul3A_28 : i32
      %swap3A = arith.index_cast %mul3A_29 : i32 to index
      %swap3A_30 = tpu.vector_load %arg9[%swap3A] {strides = array<i32>} : memref<10240xf32, #tpu.memory_space<vmem>>, vector<16xf32>,
      tpu.vector_store %arg9[%swap3A], %broadcast_in_dim3A_27 {strides = array<i32>} : memref<10240xf32, #tpu.memory_space<vmem>>, vector<16xf32>,
    }
    %scan3A_16 = arith.constant 640 : i32
    %while3A = arith.constant 0 : i32
    %while3A_17 = arith.constant 0 : i32
    %while3A_18 = arith.subi %select_n3A_11, %while3A_17 : i32
    %while3A_19 = arith.addi %while3A_17, %while3A_18 : i32
    %while3A_20 = arith.constant 1 : i32
    %while3A_21 = arith.divsi %while3A_18, %while3A_20 : i32
    %while3A_22 = arith.muli %while3A_21, %while3A_20 : i32
    %while3A_23 = arith.addi %while3A_17, %while3A_22 : i32
    %while3A_24 = arith.constant 1 : i32
    scf.for %while3A_26 = %while3A_17 to %while3A_23 step %while3A_24  : i32 {
      %mul3A_27 = arith.constant 16 : i32
      %mul3A_28 = arith.muli %while3A_26, %mul3A_27 : i32
      %add3A_29 = arith.addi %select_n3A, %mul3A_28 : i32
      "tpu.region"() ({
        %run_scoped3A = tpu.sem_alloc : memref<!tpu.dma_semaphore, #tpu.memory_space<semaphore_mem>>
        %dma_start3A = arith.constant 0 : i32
        %dma_start3A_39 = tpu.memref_slice %arg2[%add3A_29, %dma_start3A] : memref<2560x128xi32, #tpu.memory_space<hbm>> -> memref<16x128xi32, #tpu.memory_space<hbm>>
        %dma_start3A_40 = arith.constant 0 : i32
        %dma_start3A_41 = tpu.memref_slice %arg2[%add3A_29, %dma_start3A_40] : memref<2560x128xi32, #tpu.memory_space<hbm>> -> memref<16x128xi32, #tpu.memory_space<hbm>>
        tpu.enqueue_dma source(%dma_start3A_41 : memref<16x128xi32, #tpu.memory_space<hbm>>) target(%arg6 : memref<16x128xi32, #tpu.memory_space<vmem>>) target_semaphore(%run_scoped3A : memref<!tpu.dma_semaphore, #tpu.memory_space<semaphore_mem>>)
        %dma_wait3A = arith.constant 0 : i32
        %dma_wait3A_42 = tpu.memref_slice %arg2[%add3A_29, %dma_wait3A] : memref<2560x128xi32, #tpu.memory_space<hbm>> -> memref<16x128xi32, #tpu.memory_space<hbm>>
        %dma_wait3A_43 = arith.constant 0 : i32
        %dma_wait3A_44 = tpu.memref_slice %arg2[%add3A_29, %dma_wait3A_43] : memref<2560x128xi32, #tpu.memory_space<hbm>> -> memref<16x128xi32, #tpu.memory_space<hbm>>
        tpu.wait_dma2 semaphore(%run_scoped3A : memref<!tpu.dma_semaphore, #tpu.memory_space<semaphore_mem>>) src(%dma_wait3A_44 : memref<16x128xi32, #tpu.memory_space<hbm>>) dst(%arg6 : memref<16x128xi32, #tpu.memory_space<vmem>>)
        tpu.yield
      }) : () -> ()
      %mul3A_30 = arith.constant 16 : i32
      %mul3A_31 = arith.muli %while3A_26, %mul3A_30 : i32
      %add3A_32 = arith.addi %select_n3A, %mul3A_31 : i32
      "tpu.region"() ({
        %run_scoped3A = tpu.sem_alloc : memref<!tpu.dma_semaphore, #tpu.memory_space<semaphore_mem>>
        %dma_start3A = arith.constant 0 : i32
        %dma_start3A_39 = tpu.memref_slice %arg3[%add3A_32, %dma_start3A] : memref<2560x128xi32, #tpu.memory_space<hbm>> -> memref<16x128xi32, #tpu.memory_space<hbm>>
        %dma_start3A_40 = arith.constant 0 : i32
        %dma_start3A_41 = tpu.memref_slice %arg3[%add3A_32, %dma_start3A_40] : memref<2560x128xi32, #tpu.memory_space<hbm>> -> memref<16x128xi32, #tpu.memory_space<hbm>>
        tpu.enqueue_dma source(%dma_start3A_41 : memref<16x128xi32, #tpu.memory_space<hbm>>) target(%arg7 : memref<16x128xi32, #tpu.memory_space<vmem>>) target_semaphore(%run_scoped3A : memref<!tpu.dma_semaphore, #tpu.memory_space<semaphore_mem>>)
        %dma_wait3A = arith.constant 0 : i32
        %dma_wait3A_42 = tpu.memref_slice %arg3[%add3A_32, %dma_wait3A] : memref<2560x128xi32, #tpu.memory_space<hbm>> -> memref<16x128xi32, #tpu.memory_space<hbm>>
        %dma_wait3A_43 = arith.constant 0 : i32
        %dma_wait3A_44 = tpu.memref_slice %arg3[%add3A_32, %dma_wait3A_43] : memref<2560x128xi32, #tpu.memory_space<hbm>> -> memref<16x128xi32, #tpu.memory_space<hbm>>
        tpu.wait_dma2 semaphore(%run_scoped3A : memref<!tpu.dma_semaphore, #tpu.memory_space<semaphore_mem>>) src(%dma_wait3A_44 : memref<16x128xi32, #tpu.memory_space<hbm>>) dst(%arg7 : memref<16x128xi32, #tpu.memory_space<vmem>>)
        tpu.yield
      }) : () -> ()
      %scan3A_33 = arith.constant 0 : i32
      %scan3A_34 = arith.constant 0 : i32
      %scan3A_35 = arith.constant 128 : i32
      %scan3A_36 = arith.addi %scan3A_34, %scan3A_35 : i32
      %scan3A_37 = arith.constant 1 : i32
      scf.for %scan3A_39 = %scan3A_34 to %scan3A_36 step %scan3A_37  : i32 {
        %jit3A_40 = arith.constant 8 : i32
        %div3A = arith.divsi %scan3A_39, %jit3A_40 : i32
        %sign3A = arith.constant 0 : i32
        %sign3A_41 = arith.cmpi sgt, %scan3A_39, %sign3A : i32
        %sign3A_42 = arith.extui %sign3A_41 : i1 to i32
        %sign3A_43 = arith.constant 0 : i32
        %sign3A_44 = arith.cmpi slt, %scan3A_39, %sign3A_43 : i32
        %sign3A_45 = arith.extui %sign3A_44 : i1 to i32
        %sign3A_46 = arith.subi %sign3A_42, %sign3A_45 : i32
        %sign3A_47 = arith.constant 0 : i32
        %sign3A_48 = arith.cmpi sgt, %jit3A_40, %sign3A_47 : i32
        %sign3A_49 = arith.extui %sign3A_48 : i1 to i32
        %sign3A_50 = arith.constant 0 : i32
        %sign3A_51 = arith.cmpi slt, %jit3A_40, %sign3A_50 : i32
        %sign3A_52 = arith.extui %sign3A_51 : i1 to i32
        %sign3A_53 = arith.subi %sign3A_49, %sign3A_52 : i32
        %ne3A = arith.cmpi ne, %sign3A_46, %sign3A_53 : i32
        %rem3A = arith.remsi %scan3A_39, %jit3A_40 : i32
        %ne3A_54 = arith.constant 0 : i32
        %ne3A_55 = arith.cmpi ne, %rem3A, %ne3A_54 : i32
        %and3A = arith.andi %ne3A, %ne3A_55 : i1
        %sub3A = arith.constant 1 : i32
        %sub3A_56 = arith.subi %div3A, %sub3A : i32
        %select_n3A_57 = arith.select %and3A, %sub3A_56, %div3A : i32
        %jit3A_58 = arith.constant 8 : i32
        %eq3A_59 = arith.constant 0 : i32
        %eq3A_60 = arith.cmpi eq, %jit3A_58, %eq3A_59 : i32
        %jit3A_61 = arith.constant 1 : i32
        %select_n3A_62 = arith.select %eq3A_60, %jit3A_61, %jit3A_58 : i32
        %rem3A_63 = arith.remsi %scan3A_39, %select_n3A_62 : i32
        %ne3A_64 = arith.constant 0 : i32
        %ne3A_65 = arith.cmpi ne, %rem3A_63, %ne3A_64 : i32
        %lt3A = arith.constant 0 : i32
        %lt3A_66 = arith.cmpi slt, %rem3A_63, %lt3A : i32
        %lt3A_67 = arith.constant 0 : i32
        %lt3A_68 = arith.cmpi slt, %select_n3A_62, %lt3A_67 : i32
        %ne3A_69 = arith.xori %lt3A_66, %lt3A_68 : i1
        %and3A_70 = arith.andi %ne3A_69, %ne3A_65 : i1
        %add3A_71 = arith.addi %rem3A_63, %select_n3A_62 : i32
        %select_n3A_72 = arith.select %and3A_70, %add3A_71, %rem3A_63 : i32
        %mul3A_73 = arith.constant 16 : i32
        %mul3A_74 = arith.muli %select_n3A_72, %mul3A_73 : i32
        %get3A = arith.index_cast %select_n3A_57 : i32 to index
        %get3A_75 = arith.index_cast %mul3A_74 : i32 to index
        %get3A_76 = tpu.vector_load %arg7[%get3A, %get3A_75] {strides = array<i32>} : memref<16x128xi32, #tpu.memory_space<vmem>>, vector<16xi32>,
        %mul3A_77 = arith.constant 16 : i32
        %mul3A_78 = arith.muli %select_n3A_72, %mul3A_77 : i32
        %get3A_79 = arith.index_cast %select_n3A_57 : i32 to index
        %get3A_80 = arith.index_cast %mul3A_78 : i32 to index
        %get3A_81 = tpu.vector_load %arg6[%get3A_79, %get3A_80] {strides = array<i32>} : memref<16x128xi32, #tpu.memory_space<vmem>>, vector<16xi32>,
        %gather3A = tpu.vector_load_idx %arg8[%get3A_76] : memref<10240xf32, #tpu.memory_space<vmem>>[vector<16xi32>], vector<16xf32>,
        tpu.vector_store_idx %arg9[%get3A_81], %gather3A {add = true} : memref<10240xf32, #tpu.memory_space<vmem>>[vector<16xi32>], vector<16xf32>,
      }
      %scan3A_38 = arith.constant 128 : i32
    }
    %while3A_25 = arith.constant 1 : i32
    scf.for %while3A_26 = %while3A_23 to %while3A_19 step %while3A_25  : i32 {
      %mul3A_27 = arith.constant 16 : i32
      %mul3A_28 = arith.muli %while3A_26, %mul3A_27 : i32
      %add3A_29 = arith.addi %select_n3A, %mul3A_28 : i32
      "tpu.region"() ({
        %run_scoped3A = tpu.sem_alloc : memref<!tpu.dma_semaphore, #tpu.memory_space<semaphore_mem>>
        %dma_start3A = arith.constant 0 : i32
        %dma_start3A_39 = tpu.memref_slice %arg2[%add3A_29, %dma_start3A] : memref<2560x128xi32, #tpu.memory_space<hbm>> -> memref<16x128xi32, #tpu.memory_space<hbm>>
        %dma_start3A_40 = arith.constant 0 : i32
        %dma_start3A_41 = tpu.memref_slice %arg2[%add3A_29, %dma_start3A_40] : memref<2560x128xi32, #tpu.memory_space<hbm>> -> memref<16x128xi32, #tpu.memory_space<hbm>>
        tpu.enqueue_dma source(%dma_start3A_41 : memref<16x128xi32, #tpu.memory_space<hbm>>) target(%arg6 : memref<16x128xi32, #tpu.memory_space<vmem>>) target_semaphore(%run_scoped3A : memref<!tpu.dma_semaphore, #tpu.memory_space<semaphore_mem>>)
        %dma_wait3A = arith.constant 0 : i32
        %dma_wait3A_42 = tpu.memref_slice %arg2[%add3A_29, %dma_wait3A] : memref<2560x128xi32, #tpu.memory_space<hbm>> -> memref<16x128xi32, #tpu.memory_space<hbm>>
        %dma_wait3A_43 = arith.constant 0 : i32
        %dma_wait3A_44 = tpu.memref_slice %arg2[%add3A_29, %dma_wait3A_43] : memref<2560x128xi32, #tpu.memory_space<hbm>> -> memref<16x128xi32, #tpu.memory_space<hbm>>
        tpu.wait_dma2 semaphore(%run_scoped3A : memref<!tpu.dma_semaphore, #tpu.memory_space<semaphore_mem>>) src(%dma_wait3A_44 : memref<16x128xi32, #tpu.memory_space<hbm>>) dst(%arg6 : memref<16x128xi32, #tpu.memory_space<vmem>>)
        tpu.yield
      }) : () -> ()
      %mul3A_30 = arith.constant 16 : i32
      %mul3A_31 = arith.muli %while3A_26, %mul3A_30 : i32
      %add3A_32 = arith.addi %select_n3A, %mul3A_31 : i32
      "tpu.region"() ({
        %run_scoped3A = tpu.sem_alloc : memref<!tpu.dma_semaphore, #tpu.memory_space<semaphore_mem>>
        %dma_start3A = arith.constant 0 : i32
        %dma_start3A_39 = tpu.memref_slice %arg3[%add3A_32, %dma_start3A] : memref<2560x128xi32, #tpu.memory_space<hbm>> -> memref<16x128xi32, #tpu.memory_space<hbm>>
        %dma_start3A_40 = arith.constant 0 : i32
        %dma_start3A_41 = tpu.memref_slice %arg3[%add3A_32, %dma_start3A_40] : memref<2560x128xi32, #tpu.memory_space<hbm>> -> memref<16x128xi32, #tpu.memory_space<hbm>>
        tpu.enqueue_dma source(%dma_start3A_41 : memref<16x128xi32, #tpu.memory_space<hbm>>) target(%arg7 : memref<16x128xi32, #tpu.memory_space<vmem>>) target_semaphore(%run_scoped3A : memref<!tpu.dma_semaphore, #tpu.memory_space<semaphore_mem>>)
        %dma_wait3A = arith.constant 0 : i32
        %dma_wait3A_42 = tpu.memref_slice %arg3[%add3A_32, %dma_wait3A] : memref<2560x128xi32, #tpu.memory_space<hbm>> -> memref<16x128xi32, #tpu.memory_space<hbm>>
        %dma_wait3A_43 = arith.constant 0 : i32
        %dma_wait3A_44 = tpu.memref_slice %arg3[%add3A_32, %dma_wait3A_43] : memref<2560x128xi32, #tpu.memory_space<hbm>> -> memref<16x128xi32, #tpu.memory_space<hbm>>
        tpu.wait_dma2 semaphore(%run_scoped3A : memref<!tpu.dma_semaphore, #tpu.memory_space<semaphore_mem>>) src(%dma_wait3A_44 : memref<16x128xi32, #tpu.memory_space<hbm>>) dst(%arg7 : memref<16x128xi32, #tpu.memory_space<vmem>>)
        tpu.yield
      }) : () -> ()
      %scan3A_33 = arith.constant 0 : i32
      %scan3A_34 = arith.constant 0 : i32
      %scan3A_35 = arith.constant 128 : i32
      %scan3A_36 = arith.addi %scan3A_34, %scan3A_35 : i32
      %scan3A_37 = arith.constant 1 : i32
      scf.for %scan3A_39 = %scan3A_34 to %scan3A_36 step %scan3A_37  : i32 {
        %jit3A_40 = arith.constant 8 : i32
        %div3A = arith.divsi %scan3A_39, %jit3A_40 : i32
        %sign3A = arith.constant 0 : i32
        %sign3A_41 = arith.cmpi sgt, %scan3A_39, %sign3A : i32
        %sign3A_42 = arith.extui %sign3A_41 : i1 to i32
        %sign3A_43 = arith.constant 0 : i32
        %sign3A_44 = arith.cmpi slt, %scan3A_39, %sign3A_43 : i32
        %sign3A_45 = arith.extui %sign3A_44 : i1 to i32
        %sign3A_46 = arith.subi %sign3A_42, %sign3A_45 : i32
        %sign3A_47 = arith.constant 0 : i32
        %sign3A_48 = arith.cmpi sgt, %jit3A_40, %sign3A_47 : i32
        %sign3A_49 = arith.extui %sign3A_48 : i1 to i32
        %sign3A_50 = arith.constant 0 : i32
        %sign3A_51 = arith.cmpi slt, %jit3A_40, %sign3A_50 : i32
        %sign3A_52 = arith.extui %sign3A_51 : i1 to i32
        %sign3A_53 = arith.subi %sign3A_49, %sign3A_52 : i32
        %ne3A = arith.cmpi ne, %sign3A_46, %sign3A_53 : i32
        %rem3A = arith.remsi %scan3A_39, %jit3A_40 : i32
        %ne3A_54 = arith.constant 0 : i32
        %ne3A_55 = arith.cmpi ne, %rem3A, %ne3A_54 : i32
        %and3A = arith.andi %ne3A, %ne3A_55 : i1
        %sub3A = arith.constant 1 : i32
        %sub3A_56 = arith.subi %div3A, %sub3A : i32
        %select_n3A_57 = arith.select %and3A, %sub3A_56, %div3A : i32
        %jit3A_58 = arith.constant 8 : i32
        %eq3A_59 = arith.constant 0 : i32
        %eq3A_60 = arith.cmpi eq, %jit3A_58, %eq3A_59 : i32
        %jit3A_61 = arith.constant 1 : i32
        %select_n3A_62 = arith.select %eq3A_60, %jit3A_61, %jit3A_58 : i32
        %rem3A_63 = arith.remsi %scan3A_39, %select_n3A_62 : i32
        %ne3A_64 = arith.constant 0 : i32
        %ne3A_65 = arith.cmpi ne, %rem3A_63, %ne3A_64 : i32
        %lt3A = arith.constant 0 : i32
        %lt3A_66 = arith.cmpi slt, %rem3A_63, %lt3A : i32
        %lt3A_67 = arith.constant 0 : i32
        %lt3A_68 = arith.cmpi slt, %select_n3A_62, %lt3A_67 : i32
        %ne3A_69 = arith.xori %lt3A_66, %lt3A_68 : i1
        %and3A_70 = arith.andi %ne3A_69, %ne3A_65 : i1
        %add3A_71 = arith.addi %rem3A_63, %select_n3A_62 : i32
        %select_n3A_72 = arith.select %and3A_70, %add3A_71, %rem3A_63 : i32
        %mul3A_73 = arith.constant 16 : i32
        %mul3A_74 = arith.muli %select_n3A_72, %mul3A_73 : i32
        %get3A = arith.index_cast %select_n3A_57 : i32 to index
        %get3A_75 = arith.index_cast %mul3A_74 : i32 to index
        %get3A_76 = tpu.vector_load %arg7[%get3A, %get3A_75] {strides = array<i32>} : memref<16x128xi32, #tpu.memory_space<vmem>>, vector<16xi32>,
        %mul3A_77 = arith.constant 16 : i32
        %mul3A_78 = arith.muli %select_n3A_72, %mul3A_77 : i32
        %get3A_79 = arith.index_cast %select_n3A_57 : i32 to index
        %get3A_80 = arith.index_cast %mul3A_78 : i32 to index
        %get3A_81 = tpu.vector_load %arg6[%get3A_79, %get3A_80] {strides = array<i32>} : memref<16x128xi32, #tpu.memory_space<vmem>>, vector<16xi32>,
        %gather3A = tpu.vector_load_idx %arg8[%get3A_76] : memref<10240xf32, #tpu.memory_space<vmem>>[vector<16xi32>], vector<16xf32>,
        tpu.vector_store_idx %arg9[%get3A_81], %gather3A {add = true} : memref<10240xf32, #tpu.memory_space<vmem>>[vector<16xi32>], vector<16xf32>,
      }
      %scan3A_38 = arith.constant 128 : i32
    }
    "tpu.region"() ({
      %run_scoped3A = tpu.sem_alloc : memref<!tpu.dma_semaphore, #tpu.memory_space<semaphore_mem>>
      %dma_start3A = arith.constant 0 : i32
      %dma_start3A_26 = tpu.memref_slice %arg5[%add3A, %dma_start3A] : memref<32x10240xf32, #tpu.memory_space<hbm>> -> memref<1x10240xf32, #tpu.memory_space<hbm>>
      %dma_start3A_27 = tpu.memref_squeeze %dma_start3A_26 : memref<1x10240xf32, #tpu.memory_space<hbm>> -> memref<10240xf32, #tpu.memory_space<hbm>>
      %dma_start3A_28 = arith.constant 0 : i32
      %dma_start3A_29 = tpu.memref_slice %arg5[%add3A, %dma_start3A_28] : memref<32x10240xf32, #tpu.memory_space<hbm>> -> memref<1x10240xf32, #tpu.memory_space<hbm>>
      %dma_start3A_30 = tpu.memref_squeeze %dma_start3A_29 : memref<1x10240xf32, #tpu.memory_space<hbm>> -> memref<10240xf32, #tpu.memory_space<hbm>>
      tpu.enqueue_dma source(%arg9 : memref<10240xf32, #tpu.memory_space<vmem>>) target(%dma_start3A_30 : memref<10240xf32, #tpu.memory_space<hbm>>) target_semaphore(%run_scoped3A : memref<!tpu.dma_semaphore, #tpu.memory_space<semaphore_mem>>)
      %dma_wait3A = arith.constant 0 : i32
      %dma_wait3A_31 = tpu.memref_slice %arg5[%add3A, %dma_wait3A] : memref<32x10240xf32, #tpu.memory_space<hbm>> -> memref<1x10240xf32, #tpu.memory_space<hbm>>
      %dma_wait3A_32 = tpu.memref_squeeze %dma_wait3A_31 : memref<1x10240xf32, #tpu.memory_space<hbm>> -> memref<10240xf32, #tpu.memory_space<hbm>>
      %dma_wait3A_33 = arith.constant 0 : i32
      %dma_wait3A_34 = tpu.memref_slice %arg5[%add3A, %dma_wait3A_33] : memref<32x10240xf32, #tpu.memory_space<hbm>> -> memref<1x10240xf32, #tpu.memory_space<hbm>>
      %dma_wait3A_35 = tpu.memref_squeeze %dma_wait3A_34 : memref<1x10240xf32, #tpu.memory_space<hbm>> -> memref<10240xf32, #tpu.memory_space<hbm>>
      tpu.wait_dma2 semaphore(%run_scoped3A : memref<!tpu.dma_semaphore, #tpu.memory_space<semaphore_mem>>) src(%arg9 : memref<10240xf32, #tpu.memory_space<vmem>>) dst(%dma_wait3A_35 : memref<10240xf32, #tpu.memory_space<hbm>>)
      tpu.yield
    }) : () -> ()
    return
  }
}

#map = affine_map<(d0, d1) -> (0, 0)>
#map1 = affine_map<(d0, d1) -> (0, 0, 0)>
module attributes {stable_mosaic.version = 14 : i64} {
  func.func @_edge_kernel(%arg0: i32, %arg1: i32, %arg2: memref<2560x128xi32, #tpu.memory_space<hbm>>, %arg3: memref<2560x128xi32, #tpu.memory_space<hbm>>, %arg4: memref<10240x128xf32, #tpu.memory_space<hbm>>, %arg5: memref<2x10240x128xf32, #tpu.memory_space<hbm>>, %arg6: memref<16x128xi32, #tpu.memory_space<vmem>>, %arg7: memref<16x128xi32, #tpu.memory_space<vmem>>, %arg8: memref<2x128x128xf32, #tpu.memory_space<vmem>>, %arg9: memref<64x128xf32, #tpu.memory_space<vmem>>, %arg10: memref<10240x128xf32, #tpu.memory_space<vmem_shared>>, %arg11: memref<!tpu.dma_semaphore, #tpu.memory_space<semaphore_mem>>, %arg12: memref<!tpu.dma_semaphore, #tpu.memory_space<semaphore_mem>>) attributes {dimension_semantics = [#tpu.dimension_semantics<core_parallel>, #tpu.dimension_semantics<subcore_parallel>], iteration_bounds = array<i64: 2, 16>, scalar_prefetch = 0 : i64, scratch_operands = 7 : i64, tpu.core_type = #tpu.core_type<sc_vector_subcore>, window_params = [{transform_indices = #map}, {transform_indices = #map}, {transform_indices = #map}, {transform_indices = #map1}]} {
    %eq3A = arith.constant 0 : i32
    %eq3A_0 = arith.cmpi eq, %arg0, %eq3A : i32
    %mul3A = arith.constant 160 : i32
    %mul3A_1 = arith.muli %arg1, %mul3A : i32
    %mul3A_2 = arith.constant 0 : i32
    %mul3A_3 = arith.muli %arg1, %mul3A_2 : i32
    %add3A = arith.constant 2560 : i32
    %add3A_4 = arith.addi %add3A, %mul3A_3 : i32
    %select_n3A = arith.select %eq3A_0, %mul3A_1, %add3A_4 : i32
    %eq3A_5 = arith.constant 0 : i32
    %eq3A_6 = arith.cmpi eq, %arg0, %eq3A_5 : i32
    %jit3A = arith.constant 10 : i32
    %jit3A_7 = arith.constant 0 : i32
    %select_n3A_8 = arith.select %eq3A_6, %jit3A, %jit3A_7 : i32
    %scan3A = arith.constant 0 : i32
    %scan3A_9 = arith.constant 0 : i32
    %scan3A_10 = arith.constant 512 : i32
    %scan3A_11 = arith.addi %scan3A_9, %scan3A_10 : i32
    %scan3A_12 = arith.constant 1 : i32
    scf.for %scan3A_33 = %scan3A_9 to %scan3A_11 step %scan3A_12  : i32 {
      %broadcast_in_dim3A = arith.constant 0.000000e+00 : f32
      %broadcast_in_dim3A_34 = vector.broadcast %broadcast_in_dim3A : f32 to vector<16xf32>
      %jit3A_35 = arith.constant 8 : i32
      %div3A = arith.divsi %scan3A_33, %jit3A_35 : i32
      %sign3A = arith.constant 0 : i32
      %sign3A_36 = arith.cmpi sgt, %scan3A_33, %sign3A : i32
      %sign3A_37 = arith.extui %sign3A_36 : i1 to i32
      %sign3A_38 = arith.constant 0 : i32
      %sign3A_39 = arith.cmpi slt, %scan3A_33, %sign3A_38 : i32
      %sign3A_40 = arith.extui %sign3A_39 : i1 to i32
      %sign3A_41 = arith.subi %sign3A_37, %sign3A_40 : i32
      %sign3A_42 = arith.constant 0 : i32
      %sign3A_43 = arith.cmpi sgt, %jit3A_35, %sign3A_42 : i32
      %sign3A_44 = arith.extui %sign3A_43 : i1 to i32
      %sign3A_45 = arith.constant 0 : i32
      %sign3A_46 = arith.cmpi slt, %jit3A_35, %sign3A_45 : i32
      %sign3A_47 = arith.extui %sign3A_46 : i1 to i32
      %sign3A_48 = arith.subi %sign3A_44, %sign3A_47 : i32
      %ne3A = arith.cmpi ne, %sign3A_41, %sign3A_48 : i32
      %rem3A = arith.remsi %scan3A_33, %jit3A_35 : i32
      %ne3A_49 = arith.constant 0 : i32
      %ne3A_50 = arith.cmpi ne, %rem3A, %ne3A_49 : i32
      %and3A = arith.andi %ne3A, %ne3A_50 : i1
      %sub3A = arith.constant 1 : i32
      %sub3A_51 = arith.subi %div3A, %sub3A : i32
      %select_n3A_52 = arith.select %and3A, %sub3A_51, %div3A : i32
      %jit3A_53 = arith.constant 8 : i32
      %eq3A_54 = arith.constant 0 : i32
      %eq3A_55 = arith.cmpi eq, %jit3A_53, %eq3A_54 : i32
      %jit3A_56 = arith.constant 1 : i32
      %select_n3A_57 = arith.select %eq3A_55, %jit3A_56, %jit3A_53 : i32
      %rem3A_58 = arith.remsi %scan3A_33, %select_n3A_57 : i32
      %ne3A_59 = arith.constant 0 : i32
      %ne3A_60 = arith.cmpi ne, %rem3A_58, %ne3A_59 : i32
      %lt3A = arith.constant 0 : i32
      %lt3A_61 = arith.cmpi slt, %rem3A_58, %lt3A : i32
      %lt3A_62 = arith.constant 0 : i32
      %lt3A_63 = arith.cmpi slt, %select_n3A_57, %lt3A_62 : i32
      %ne3A_64 = arith.xori %lt3A_61, %lt3A_63 : i1
      %and3A_65 = arith.andi %ne3A_64, %ne3A_60 : i1
      %add3A_66 = arith.addi %rem3A_58, %select_n3A_57 : i32
      %select_n3A_67 = arith.select %and3A_65, %add3A_66, %rem3A_58 : i32
      %mul3A_68 = arith.constant 16 : i32
      %mul3A_69 = arith.muli %select_n3A_67, %mul3A_68 : i32
      %swap3A = arith.index_cast %select_n3A_52 : i32 to index
      %swap3A_70 = arith.index_cast %mul3A_69 : i32 to index
      %swap3A_71 = tpu.vector_load %arg9[%swap3A, %swap3A_70] {strides = array<i32>} : memref<64x128xf32, #tpu.memory_space<vmem>>, vector<16xf32>,
      tpu.vector_store %arg9[%swap3A, %swap3A_70], %broadcast_in_dim3A_34 {strides = array<i32>} : memref<64x128xf32, #tpu.memory_space<vmem>>, vector<16xf32>,
    }
    %scan3A_13 = arith.constant 512 : i32
    %scan3A_14 = arith.constant 0 : i32
    %scan3A_15 = arith.constant 0 : i32
    %scan3A_16 = arith.constant 10 : i32
    %scan3A_17 = arith.addi %scan3A_15, %scan3A_16 : i32
    %scan3A_18 = arith.constant 1 : i32
    scf.for %scan3A_33 = %scan3A_15 to %scan3A_17 step %scan3A_18  : i32 {
      %mul3A_34 = arith.constant 640 : i32
      %mul3A_35 = arith.muli %arg1, %mul3A_34 : i32
      %mul3A_36 = arith.constant 64 : i32
      %mul3A_37 = arith.muli %scan3A_33, %mul3A_36 : i32
      %add3A_38 = arith.addi %mul3A_35, %mul3A_37 : i32
      "tpu.region"() ({
        %run_scoped3A = tpu.sem_alloc : memref<!tpu.dma_semaphore, #tpu.memory_space<semaphore_mem>>
        %dma_start3A = arith.constant 0 : i32
        %dma_start3A_39 = tpu.memref_slice %arg10[%add3A_38, %dma_start3A] : memref<10240x128xf32, #tpu.memory_space<vmem_shared>> -> memref<64x128xf32, #tpu.memory_space<vmem_shared>>
        %dma_start3A_40 = arith.constant 0 : i32
        %dma_start3A_41 = tpu.memref_slice %arg10[%add3A_38, %dma_start3A_40] : memref<10240x128xf32, #tpu.memory_space<vmem_shared>> -> memref<64x128xf32, #tpu.memory_space<vmem_shared>>
        tpu.enqueue_dma source(%arg9 : memref<64x128xf32, #tpu.memory_space<vmem>>) target(%dma_start3A_41 : memref<64x128xf32, #tpu.memory_space<vmem_shared>>) target_semaphore(%run_scoped3A : memref<!tpu.dma_semaphore, #tpu.memory_space<semaphore_mem>>)
        %dma_wait3A = arith.constant 0 : i32
        %dma_wait3A_42 = tpu.memref_slice %arg10[%add3A_38, %dma_wait3A] : memref<10240x128xf32, #tpu.memory_space<vmem_shared>> -> memref<64x128xf32, #tpu.memory_space<vmem_shared>>
        %dma_wait3A_43 = arith.constant 0 : i32
        %dma_wait3A_44 = tpu.memref_slice %arg10[%add3A_38, %dma_wait3A_43] : memref<10240x128xf32, #tpu.memory_space<vmem_shared>> -> memref<64x128xf32, #tpu.memory_space<vmem_shared>>
        tpu.wait_dma2 semaphore(%run_scoped3A : memref<!tpu.dma_semaphore, #tpu.memory_space<semaphore_mem>>) src(%arg9 : memref<64x128xf32, #tpu.memory_space<vmem>>) dst(%dma_wait3A_44 : memref<64x128xf32, #tpu.memory_space<vmem_shared>>)
        tpu.yield
      }) : () -> ()
    }
    %scan3A_19 = arith.constant 10 : i32
    %barrier3A = arith.constant 0 : index
    tpu.barrier barrier_id(%barrier3A)
    %while3A = arith.constant 0 : i32
    %while3A_20 = arith.constant 0 : i32
    %while3A_21 = arith.subi %select_n3A_8, %while3A_20 : i32
    %while3A_22 = arith.addi %while3A_20, %while3A_21 : i32
    %while3A_23 = arith.constant 1 : i32
    %while3A_24 = arith.divsi %while3A_21, %while3A_23 : i32
    %while3A_25 = arith.muli %while3A_24, %while3A_23 : i32
    %while3A_26 = arith.addi %while3A_20, %while3A_25 : i32
    %while3A_27 = arith.constant 1 : i32
    scf.for %while3A_33 = %while3A_20 to %while3A_26 step %while3A_27  : i32 {
      %mul3A_34 = arith.constant 16 : i32
      %mul3A_35 = arith.muli %while3A_33, %mul3A_34 : i32
      %add3A_36 = arith.addi %select_n3A, %mul3A_35 : i32
      "tpu.region"() ({
        %run_scoped3A = tpu.sem_alloc : memref<!tpu.dma_semaphore, #tpu.memory_space<semaphore_mem>>
        %dma_start3A_57 = arith.constant 0 : i32
        %dma_start3A_58 = tpu.memref_slice %arg2[%add3A_36, %dma_start3A_57] : memref<2560x128xi32, #tpu.memory_space<hbm>> -> memref<16x128xi32, #tpu.memory_space<hbm>>
        %dma_start3A_59 = arith.constant 0 : i32
        %dma_start3A_60 = tpu.memref_slice %arg2[%add3A_36, %dma_start3A_59] : memref<2560x128xi32, #tpu.memory_space<hbm>> -> memref<16x128xi32, #tpu.memory_space<hbm>>
        tpu.enqueue_dma source(%dma_start3A_60 : memref<16x128xi32, #tpu.memory_space<hbm>>) target(%arg6 : memref<16x128xi32, #tpu.memory_space<vmem>>) target_semaphore(%run_scoped3A : memref<!tpu.dma_semaphore, #tpu.memory_space<semaphore_mem>>)
        %dma_wait3A = arith.constant 0 : i32
        %dma_wait3A_61 = tpu.memref_slice %arg2[%add3A_36, %dma_wait3A] : memref<2560x128xi32, #tpu.memory_space<hbm>> -> memref<16x128xi32, #tpu.memory_space<hbm>>
        %dma_wait3A_62 = arith.constant 0 : i32
        %dma_wait3A_63 = tpu.memref_slice %arg2[%add3A_36, %dma_wait3A_62] : memref<2560x128xi32, #tpu.memory_space<hbm>> -> memref<16x128xi32, #tpu.memory_space<hbm>>
        tpu.wait_dma2 semaphore(%run_scoped3A : memref<!tpu.dma_semaphore, #tpu.memory_space<semaphore_mem>>) src(%dma_wait3A_63 : memref<16x128xi32, #tpu.memory_space<hbm>>) dst(%arg6 : memref<16x128xi32, #tpu.memory_space<vmem>>)
        tpu.yield
      }) : () -> ()
      %mul3A_37 = arith.constant 16 : i32
      %mul3A_38 = arith.muli %while3A_33, %mul3A_37 : i32
      %add3A_39 = arith.addi %select_n3A, %mul3A_38 : i32
      "tpu.region"() ({
        %run_scoped3A = tpu.sem_alloc : memref<!tpu.dma_semaphore, #tpu.memory_space<semaphore_mem>>
        %dma_start3A_57 = arith.constant 0 : i32
        %dma_start3A_58 = tpu.memref_slice %arg3[%add3A_39, %dma_start3A_57] : memref<2560x128xi32, #tpu.memory_space<hbm>> -> memref<16x128xi32, #tpu.memory_space<hbm>>
        %dma_start3A_59 = arith.constant 0 : i32
        %dma_start3A_60 = tpu.memref_slice %arg3[%add3A_39, %dma_start3A_59] : memref<2560x128xi32, #tpu.memory_space<hbm>> -> memref<16x128xi32, #tpu.memory_space<hbm>>
        tpu.enqueue_dma source(%dma_start3A_60 : memref<16x128xi32, #tpu.memory_space<hbm>>) target(%arg7 : memref<16x128xi32, #tpu.memory_space<vmem>>) target_semaphore(%run_scoped3A : memref<!tpu.dma_semaphore, #tpu.memory_space<semaphore_mem>>)
        %dma_wait3A = arith.constant 0 : i32
        %dma_wait3A_61 = tpu.memref_slice %arg3[%add3A_39, %dma_wait3A] : memref<2560x128xi32, #tpu.memory_space<hbm>> -> memref<16x128xi32, #tpu.memory_space<hbm>>
        %dma_wait3A_62 = arith.constant 0 : i32
        %dma_wait3A_63 = tpu.memref_slice %arg3[%add3A_39, %dma_wait3A_62] : memref<2560x128xi32, #tpu.memory_space<hbm>> -> memref<16x128xi32, #tpu.memory_space<hbm>>
        tpu.wait_dma2 semaphore(%run_scoped3A : memref<!tpu.dma_semaphore, #tpu.memory_space<semaphore_mem>>) src(%dma_wait3A_63 : memref<16x128xi32, #tpu.memory_space<hbm>>) dst(%arg7 : memref<16x128xi32, #tpu.memory_space<vmem>>)
        tpu.yield
      }) : () -> ()
      %dma_start3A = arith.constant 0 : i32
      %dma_start3A_40 = arith.constant 0 : i32
      %dma_start3A_41 = arith.constant 0 : i32
      %dma_start3A_42 = arith.constant 0 : i32
      %dma_start3A_43 = tpu.memref_slice %arg8[%dma_start3A_40, %dma_start3A_41, %dma_start3A_42] : memref<2x128x128xf32, #tpu.memory_space<vmem>> -> memref<1x128x128xf32, #tpu.memory_space<vmem>>
      %dma_start3A_44 = tpu.memref_squeeze %dma_start3A_43 : memref<1x128x128xf32, #tpu.memory_space<vmem>> -> memref<128x128xf32, #tpu.memory_space<vmem>>
      %dma_start3A_45 = arith.constant 0 : i32
      %dma_start3A_46 = tpu.memref_slice %arg6[%dma_start3A, %dma_start3A_45] : memref<16x128xi32, #tpu.memory_space<vmem>> -> memref<1x128xi32, #tpu.memory_space<vmem>>
      %dma_start3A_47 = tpu.memref_squeeze %dma_start3A_46 : memref<1x128xi32, #tpu.memory_space<vmem>> -> memref<128xi32, #tpu.memory_space<vmem>>
      %dma_start3A_48 = arith.constant 0 : i32
      %dma_start3A_49 = arith.constant 0 : i32
      %dma_start3A_50 = tpu.memref_slice %arg4[%dma_start3A_48, %dma_start3A_49] : memref<10240x128xf32, #tpu.memory_space<hbm>> -> memref<10240x128xf32, #tpu.memory_space<hbm>>
      tpu.enqueue_indirect_dma source(%dma_start3A_50 : memref<10240x128xf32, #tpu.memory_space<hbm>>) target(%dma_start3A_44 : memref<128x128xf32, #tpu.memory_space<vmem>>) offsets(%dma_start3A_47 : memref<128xi32, #tpu.memory_space<vmem>>) semaphore(%arg11 : memref<!tpu.dma_semaphore, #tpu.memory_space<semaphore_mem>>)
      %scan3A_51 = arith.constant 0 : i32
      %scan3A_52 = arith.constant 0 : i32
      %scan3A_53 = arith.constant 8 : i32
      %scan3A_54 = arith.addi %scan3A_52, %scan3A_53 : i32
      %scan3A_55 = arith.constant 1 : i32
      scf.for %scan3A_57 = %scan3A_52 to %scan3A_54 step %scan3A_55  : i32 {
        %mul3A_58 = arith.constant 2 : i32
        %mul3A_59 = arith.muli %mul3A_58, %scan3A_57 : i32
        %add3A_60 = arith.constant 1 : i32
        %add3A_61 = arith.addi %mul3A_59, %add3A_60 : i32
        %dma_start3A_62 = arith.constant 1 : i32
        %dma_start3A_63 = arith.constant 0 : i32
        %dma_start3A_64 = arith.constant 0 : i32
        %dma_start3A_65 = tpu.memref_slice %arg8[%dma_start3A_62, %dma_start3A_63, %dma_start3A_64] : memref<2x128x128xf32, #tpu.memory_space<vmem>> -> memref<1x128x128xf32, #tpu.memory_space<vmem>>
        %dma_start3A_66 = tpu.memref_squeeze %dma_start3A_65 : memref<1x128x128xf32, #tpu.memory_space<vmem>> -> memref<128x128xf32, #tpu.memory_space<vmem>>
        %dma_start3A_67 = arith.constant 0 : i32
        %dma_start3A_68 = tpu.memref_slice %arg6[%add3A_61, %dma_start3A_67] : memref<16x128xi32, #tpu.memory_space<vmem>> -> memref<1x128xi32, #tpu.memory_space<vmem>>
        %dma_start3A_69 = tpu.memref_squeeze %dma_start3A_68 : memref<1x128xi32, #tpu.memory_space<vmem>> -> memref<128xi32, #tpu.memory_space<vmem>>
        %dma_start3A_70 = arith.constant 0 : i32
        %dma_start3A_71 = arith.constant 0 : i32
        %dma_start3A_72 = tpu.memref_slice %arg4[%dma_start3A_70, %dma_start3A_71] : memref<10240x128xf32, #tpu.memory_space<hbm>> -> memref<10240x128xf32, #tpu.memory_space<hbm>>
        tpu.enqueue_indirect_dma source(%dma_start3A_72 : memref<10240x128xf32, #tpu.memory_space<hbm>>) target(%dma_start3A_66 : memref<128x128xf32, #tpu.memory_space<vmem>>) offsets(%dma_start3A_69 : memref<128xi32, #tpu.memory_space<vmem>>) semaphore(%arg12 : memref<!tpu.dma_semaphore, #tpu.memory_space<semaphore_mem>>)
        %dma_wait3A = arith.constant 0 : i32
        %dma_wait3A_73 = arith.constant 0 : i32
        %dma_wait3A_74 = arith.constant 0 : i32
        %dma_wait3A_75 = tpu.memref_slice %arg8[%dma_wait3A, %dma_wait3A_73, %dma_wait3A_74] : memref<2x128x128xf32, #tpu.memory_space<vmem>> -> memref<1x128x128xf32, #tpu.memory_space<vmem>>
        %dma_wait3A_76 = tpu.memref_squeeze %dma_wait3A_75 : memref<1x128x128xf32, #tpu.memory_space<vmem>> -> memref<128x128xf32, #tpu.memory_space<vmem>>
        %dma_wait3A_77 = arith.constant 0 : i32
        %dma_wait3A_78 = tpu.memref_slice %arg6[%mul3A_59, %dma_wait3A_77] : memref<16x128xi32, #tpu.memory_space<vmem>> -> memref<1x128xi32, #tpu.memory_space<vmem>>
        %dma_wait3A_79 = tpu.memref_squeeze %dma_wait3A_78 : memref<1x128xi32, #tpu.memory_space<vmem>> -> memref<128xi32, #tpu.memory_space<vmem>>
        %dma_wait3A_80 = arith.constant 0 : i32
        %dma_wait3A_81 = arith.constant 0 : i32
        %dma_wait3A_82 = tpu.memref_slice %arg4[%dma_wait3A_80, %dma_wait3A_81] : memref<10240x128xf32, #tpu.memory_space<hbm>> -> memref<10240x128xf32, #tpu.memory_space<hbm>>
        tpu.wait_indirect_dma semaphore(%arg11 : memref<!tpu.dma_semaphore, #tpu.memory_space<semaphore_mem>>) src(%dma_wait3A_82 : memref<10240x128xf32, #tpu.memory_space<hbm>>) dst(%dma_wait3A_76 : memref<128x128xf32, #tpu.memory_space<vmem>>)
        %run_scoped3A = arith.constant 0 : i32
        "tpu.region"() ({
          %run_scoped3A_101 = tpu.sem_alloc : memref<!tpu.dma_semaphore, #tpu.memory_space<semaphore_mem>>
          %dma_start3A_102 = arith.constant 0 : i32
          %dma_start3A_103 = arith.constant 0 : i32
          %dma_start3A_104 = tpu.memref_slice %arg8[%run_scoped3A, %dma_start3A_102, %dma_start3A_103] : memref<2x128x128xf32, #tpu.memory_space<vmem>> -> memref<1x128x128xf32, #tpu.memory_space<vmem>>
          %dma_start3A_105 = tpu.memref_squeeze %dma_start3A_104 : memref<1x128x128xf32, #tpu.memory_space<vmem>> -> memref<128x128xf32, #tpu.memory_space<vmem>>
          %dma_start3A_106 = arith.constant 0 : i32
          %dma_start3A_107 = tpu.memref_slice %arg7[%mul3A_59, %dma_start3A_106] : memref<16x128xi32, #tpu.memory_space<vmem>> -> memref<1x128xi32, #tpu.memory_space<vmem>>
          %dma_start3A_108 = tpu.memref_squeeze %dma_start3A_107 : memref<1x128xi32, #tpu.memory_space<vmem>> -> memref<128xi32, #tpu.memory_space<vmem>>
          %dma_start3A_109 = arith.constant 0 : i32
          %dma_start3A_110 = arith.constant 0 : i32
          %dma_start3A_111 = tpu.memref_slice %arg10[%dma_start3A_109, %dma_start3A_110] : memref<10240x128xf32, #tpu.memory_space<vmem_shared>> -> memref<10240x128xf32, #tpu.memory_space<vmem_shared>>
          tpu.enqueue_indirect_dma source(%dma_start3A_105 : memref<128x128xf32, #tpu.memory_space<vmem>>) target(%dma_start3A_111 : memref<10240x128xf32, #tpu.memory_space<vmem_shared>>) offsets(%dma_start3A_108 : memref<128xi32, #tpu.memory_space<vmem>>) semaphore(%run_scoped3A_101 : memref<!tpu.dma_semaphore, #tpu.memory_space<semaphore_mem>>) {add = true}
          %dma_wait3A_112 = arith.constant 0 : i32
          %dma_wait3A_113 = arith.constant 0 : i32
          %dma_wait3A_114 = tpu.memref_slice %arg8[%run_scoped3A, %dma_wait3A_112, %dma_wait3A_113] : memref<2x128x128xf32, #tpu.memory_space<vmem>> -> memref<1x128x128xf32, #tpu.memory_space<vmem>>
          %dma_wait3A_115 = tpu.memref_squeeze %dma_wait3A_114 : memref<1x128x128xf32, #tpu.memory_space<vmem>> -> memref<128x128xf32, #tpu.memory_space<vmem>>
          %dma_wait3A_116 = arith.constant 0 : i32
          %dma_wait3A_117 = tpu.memref_slice %arg7[%mul3A_59, %dma_wait3A_116] : memref<16x128xi32, #tpu.memory_space<vmem>> -> memref<1x128xi32, #tpu.memory_space<vmem>>
          %dma_wait3A_118 = tpu.memref_squeeze %dma_wait3A_117 : memref<1x128xi32, #tpu.memory_space<vmem>> -> memref<128xi32, #tpu.memory_space<vmem>>
          %dma_wait3A_119 = arith.constant 0 : i32
          %dma_wait3A_120 = arith.constant 0 : i32
          %dma_wait3A_121 = tpu.memref_slice %arg10[%dma_wait3A_119, %dma_wait3A_120] : memref<10240x128xf32, #tpu.memory_space<vmem_shared>> -> memref<10240x128xf32, #tpu.memory_space<vmem_shared>>
          tpu.wait_indirect_dma semaphore(%run_scoped3A_101 : memref<!tpu.dma_semaphore, #tpu.memory_space<semaphore_mem>>) src(%dma_wait3A_115 : memref<128x128xf32, #tpu.memory_space<vmem>>) dst(%dma_wait3A_121 : memref<10240x128xf32, #tpu.memory_space<vmem_shared>>)
          tpu.yield
        }) : () -> ()
        %add3A_83 = arith.constant 1 : i32
        %add3A_84 = arith.addi %add3A_61, %add3A_83 : i32
        %lt3A = arith.constant 16 : i32
        %lt3A_85 = arith.cmpi slt, %add3A_84, %lt3A : i32
        %convert_element_type3A_86 = arith.extui %lt3A_85 : i1 to i32
        %cond3A_87 = arith.constant 0 : i32
        %cond3A_88 = arith.cmpi ne, %convert_element_type3A_86, %cond3A_87 : i32
        scf.if %cond3A_88 {
          %add3A_101 = arith.constant 1 : i32
          %add3A_102 = arith.addi %add3A_61, %add3A_101 : i32
          %dma_start3A_103 = arith.constant 0 : i32
          %dma_start3A_104 = arith.constant 0 : i32
          %dma_start3A_105 = arith.constant 0 : i32
          %dma_start3A_106 = tpu.memref_slice %arg8[%dma_start3A_103, %dma_start3A_104, %dma_start3A_105] : memref<2x128x128xf32, #tpu.memory_space<vmem>> -> memref<1x128x128xf32, #tpu.memory_space<vmem>>
          %dma_start3A_107 = tpu.memref_squeeze %dma_start3A_106 : memref<1x128x128xf32, #tpu.memory_space<vmem>> -> memref<128x128xf32, #tpu.memory_space<vmem>>
          %dma_start3A_108 = arith.constant 0 : i32
          %dma_start3A_109 = tpu.memref_slice %arg6[%add3A_102, %dma_start3A_108] : memref<16x128xi32, #tpu.memory_space<vmem>> -> memref<1x128xi32, #tpu.memory_space<vmem>>
          %dma_start3A_110 = tpu.memref_squeeze %dma_start3A_109 : memref<1x128xi32, #tpu.memory_space<vmem>> -> memref<128xi32, #tpu.memory_space<vmem>>
          %dma_start3A_111 = arith.constant 0 : i32
          %dma_start3A_112 = arith.constant 0 : i32
          %dma_start3A_113 = tpu.memref_slice %arg4[%dma_start3A_111, %dma_start3A_112] : memref<10240x128xf32, #tpu.memory_space<hbm>> -> memref<10240x128xf32, #tpu.memory_space<hbm>>
          tpu.enqueue_indirect_dma source(%dma_start3A_113 : memref<10240x128xf32, #tpu.memory_space<hbm>>) target(%dma_start3A_107 : memref<128x128xf32, #tpu.memory_space<vmem>>) offsets(%dma_start3A_110 : memref<128xi32, #tpu.memory_space<vmem>>) semaphore(%arg11 : memref<!tpu.dma_semaphore, #tpu.memory_space<semaphore_mem>>)
        } else {
        }
        %dma_wait3A_89 = arith.constant 1 : i32
        %dma_wait3A_90 = arith.constant 0 : i32
        %dma_wait3A_91 = arith.constant 0 : i32
        %dma_wait3A_92 = tpu.memref_slice %arg8[%dma_wait3A_89, %dma_wait3A_90, %dma_wait3A_91] : memref<2x128x128xf32, #tpu.memory_space<vmem>> -> memref<1x128x128xf32, #tpu.memory_space<vmem>>
        %dma_wait3A_93 = tpu.memref_squeeze %dma_wait3A_92 : memref<1x128x128xf32, #tpu.memory_space<vmem>> -> memref<128x128xf32, #tpu.memory_space<vmem>>
        %dma_wait3A_94 = arith.constant 0 : i32
        %dma_wait3A_95 = tpu.memref_slice %arg6[%add3A_61, %dma_wait3A_94] : memref<16x128xi32, #tpu.memory_space<vmem>> -> memref<1x128xi32, #tpu.memory_space<vmem>>
        %dma_wait3A_96 = tpu.memref_squeeze %dma_wait3A_95 : memref<1x128xi32, #tpu.memory_space<vmem>> -> memref<128xi32, #tpu.memory_space<vmem>>
        %dma_wait3A_97 = arith.constant 0 : i32
        %dma_wait3A_98 = arith.constant 0 : i32
        %dma_wait3A_99 = tpu.memref_slice %arg4[%dma_wait3A_97, %dma_wait3A_98] : memref<10240x128xf32, #tpu.memory_space<hbm>> -> memref<10240x128xf32, #tpu.memory_space<hbm>>
        tpu.wait_indirect_dma semaphore(%arg12 : memref<!tpu.dma_semaphore, #tpu.memory_space<semaphore_mem>>) src(%dma_wait3A_99 : memref<10240x128xf32, #tpu.memory_space<hbm>>) dst(%dma_wait3A_93 : memref<128x128xf32, #tpu.memory_space<vmem>>)
        %run_scoped3A_100 = arith.constant 1 : i32
        "tpu.region"() ({
          %run_scoped3A_101 = tpu.sem_alloc : memref<!tpu.dma_semaphore, #tpu.memory_space<semaphore_mem>>
          %dma_start3A_102 = arith.constant 0 : i32
          %dma_start3A_103 = arith.constant 0 : i32
          %dma_start3A_104 = tpu.memref_slice %arg8[%run_scoped3A_100, %dma_start3A_102, %dma_start3A_103] : memref<2x128x128xf32, #tpu.memory_space<vmem>> -> memref<1x128x128xf32, #tpu.memory_space<vmem>>
          %dma_start3A_105 = tpu.memref_squeeze %dma_start3A_104 : memref<1x128x128xf32, #tpu.memory_space<vmem>> -> memref<128x128xf32, #tpu.memory_space<vmem>>
          %dma_start3A_106 = arith.constant 0 : i32
          %dma_start3A_107 = tpu.memref_slice %arg7[%add3A_61, %dma_start3A_106] : memref<16x128xi32, #tpu.memory_space<vmem>> -> memref<1x128xi32, #tpu.memory_space<vmem>>
          %dma_start3A_108 = tpu.memref_squeeze %dma_start3A_107 : memref<1x128xi32, #tpu.memory_space<vmem>> -> memref<128xi32, #tpu.memory_space<vmem>>
          %dma_start3A_109 = arith.constant 0 : i32
          %dma_start3A_110 = arith.constant 0 : i32
          %dma_start3A_111 = tpu.memref_slice %arg10[%dma_start3A_109, %dma_start3A_110] : memref<10240x128xf32, #tpu.memory_space<vmem_shared>> -> memref<10240x128xf32, #tpu.memory_space<vmem_shared>>
          tpu.enqueue_indirect_dma source(%dma_start3A_105 : memref<128x128xf32, #tpu.memory_space<vmem>>) target(%dma_start3A_111 : memref<10240x128xf32, #tpu.memory_space<vmem_shared>>) offsets(%dma_start3A_108 : memref<128xi32, #tpu.memory_space<vmem>>) semaphore(%run_scoped3A_101 : memref<!tpu.dma_semaphore, #tpu.memory_space<semaphore_mem>>) {add = true}
          %dma_wait3A_112 = arith.constant 0 : i32
          %dma_wait3A_113 = arith.constant 0 : i32
          %dma_wait3A_114 = tpu.memref_slice %arg8[%run_scoped3A_100, %dma_wait3A_112, %dma_wait3A_113] : memref<2x128x128xf32, #tpu.memory_space<vmem>> -> memref<1x128x128xf32, #tpu.memory_space<vmem>>
          %dma_wait3A_115 = tpu.memref_squeeze %dma_wait3A_114 : memref<1x128x128xf32, #tpu.memory_space<vmem>> -> memref<128x128xf32, #tpu.memory_space<vmem>>
          %dma_wait3A_116 = arith.constant 0 : i32
          %dma_wait3A_117 = tpu.memref_slice %arg7[%add3A_61, %dma_wait3A_116] : memref<16x128xi32, #tpu.memory_space<vmem>> -> memref<1x128xi32, #tpu.memory_space<vmem>>
          %dma_wait3A_118 = tpu.memref_squeeze %dma_wait3A_117 : memref<1x128xi32, #tpu.memory_space<vmem>> -> memref<128xi32, #tpu.memory_space<vmem>>
          %dma_wait3A_119 = arith.constant 0 : i32
          %dma_wait3A_120 = arith.constant 0 : i32
          %dma_wait3A_121 = tpu.memref_slice %arg10[%dma_wait3A_119, %dma_wait3A_120] : memref<10240x128xf32, #tpu.memory_space<vmem_shared>> -> memref<10240x128xf32, #tpu.memory_space<vmem_shared>>
          tpu.wait_indirect_dma semaphore(%run_scoped3A_101 : memref<!tpu.dma_semaphore, #tpu.memory_space<semaphore_mem>>) src(%dma_wait3A_115 : memref<128x128xf32, #tpu.memory_space<vmem>>) dst(%dma_wait3A_121 : memref<10240x128xf32, #tpu.memory_space<vmem_shared>>)
          tpu.yield
        }) : () -> ()
      }
      %scan3A_56 = arith.constant 8 : i32
    }
    %while3A_28 = arith.constant 1 : i32
    scf.for %while3A_33 = %while3A_26 to %while3A_22 step %while3A_28  : i32 {
      %mul3A_34 = arith.constant 16 : i32
      %mul3A_35 = arith.muli %while3A_33, %mul3A_34 : i32
      %add3A_36 = arith.addi %select_n3A, %mul3A_35 : i32
      "tpu.region"() ({
        %run_scoped3A = tpu.sem_alloc : memref<!tpu.dma_semaphore, #tpu.memory_space<semaphore_mem>>
        %dma_start3A_57 = arith.constant 0 : i32
        %dma_start3A_58 = tpu.memref_slice %arg2[%add3A_36, %dma_start3A_57] : memref<2560x128xi32, #tpu.memory_space<hbm>> -> memref<16x128xi32, #tpu.memory_space<hbm>>
        %dma_start3A_59 = arith.constant 0 : i32
        %dma_start3A_60 = tpu.memref_slice %arg2[%add3A_36, %dma_start3A_59] : memref<2560x128xi32, #tpu.memory_space<hbm>> -> memref<16x128xi32, #tpu.memory_space<hbm>>
        tpu.enqueue_dma source(%dma_start3A_60 : memref<16x128xi32, #tpu.memory_space<hbm>>) target(%arg6 : memref<16x128xi32, #tpu.memory_space<vmem>>) target_semaphore(%run_scoped3A : memref<!tpu.dma_semaphore, #tpu.memory_space<semaphore_mem>>)
        %dma_wait3A = arith.constant 0 : i32
        %dma_wait3A_61 = tpu.memref_slice %arg2[%add3A_36, %dma_wait3A] : memref<2560x128xi32, #tpu.memory_space<hbm>> -> memref<16x128xi32, #tpu.memory_space<hbm>>
        %dma_wait3A_62 = arith.constant 0 : i32
        %dma_wait3A_63 = tpu.memref_slice %arg2[%add3A_36, %dma_wait3A_62] : memref<2560x128xi32, #tpu.memory_space<hbm>> -> memref<16x128xi32, #tpu.memory_space<hbm>>
        tpu.wait_dma2 semaphore(%run_scoped3A : memref<!tpu.dma_semaphore, #tpu.memory_space<semaphore_mem>>) src(%dma_wait3A_63 : memref<16x128xi32, #tpu.memory_space<hbm>>) dst(%arg6 : memref<16x128xi32, #tpu.memory_space<vmem>>)
        tpu.yield
      }) : () -> ()
      %mul3A_37 = arith.constant 16 : i32
      %mul3A_38 = arith.muli %while3A_33, %mul3A_37 : i32
      %add3A_39 = arith.addi %select_n3A, %mul3A_38 : i32
      "tpu.region"() ({
        %run_scoped3A = tpu.sem_alloc : memref<!tpu.dma_semaphore, #tpu.memory_space<semaphore_mem>>
        %dma_start3A_57 = arith.constant 0 : i32
        %dma_start3A_58 = tpu.memref_slice %arg3[%add3A_39, %dma_start3A_57] : memref<2560x128xi32, #tpu.memory_space<hbm>> -> memref<16x128xi32, #tpu.memory_space<hbm>>
        %dma_start3A_59 = arith.constant 0 : i32
        %dma_start3A_60 = tpu.memref_slice %arg3[%add3A_39, %dma_start3A_59] : memref<2560x128xi32, #tpu.memory_space<hbm>> -> memref<16x128xi32, #tpu.memory_space<hbm>>
        tpu.enqueue_dma source(%dma_start3A_60 : memref<16x128xi32, #tpu.memory_space<hbm>>) target(%arg7 : memref<16x128xi32, #tpu.memory_space<vmem>>) target_semaphore(%run_scoped3A : memref<!tpu.dma_semaphore, #tpu.memory_space<semaphore_mem>>)
        %dma_wait3A = arith.constant 0 : i32
        %dma_wait3A_61 = tpu.memref_slice %arg3[%add3A_39, %dma_wait3A] : memref<2560x128xi32, #tpu.memory_space<hbm>> -> memref<16x128xi32, #tpu.memory_space<hbm>>
        %dma_wait3A_62 = arith.constant 0 : i32
        %dma_wait3A_63 = tpu.memref_slice %arg3[%add3A_39, %dma_wait3A_62] : memref<2560x128xi32, #tpu.memory_space<hbm>> -> memref<16x128xi32, #tpu.memory_space<hbm>>
        tpu.wait_dma2 semaphore(%run_scoped3A : memref<!tpu.dma_semaphore, #tpu.memory_space<semaphore_mem>>) src(%dma_wait3A_63 : memref<16x128xi32, #tpu.memory_space<hbm>>) dst(%arg7 : memref<16x128xi32, #tpu.memory_space<vmem>>)
        tpu.yield
      }) : () -> ()
      %dma_start3A = arith.constant 0 : i32
      %dma_start3A_40 = arith.constant 0 : i32
      %dma_start3A_41 = arith.constant 0 : i32
      %dma_start3A_42 = arith.constant 0 : i32
      %dma_start3A_43 = tpu.memref_slice %arg8[%dma_start3A_40, %dma_start3A_41, %dma_start3A_42] : memref<2x128x128xf32, #tpu.memory_space<vmem>> -> memref<1x128x128xf32, #tpu.memory_space<vmem>>
      %dma_start3A_44 = tpu.memref_squeeze %dma_start3A_43 : memref<1x128x128xf32, #tpu.memory_space<vmem>> -> memref<128x128xf32, #tpu.memory_space<vmem>>
      %dma_start3A_45 = arith.constant 0 : i32
      %dma_start3A_46 = tpu.memref_slice %arg6[%dma_start3A, %dma_start3A_45] : memref<16x128xi32, #tpu.memory_space<vmem>> -> memref<1x128xi32, #tpu.memory_space<vmem>>
      %dma_start3A_47 = tpu.memref_squeeze %dma_start3A_46 : memref<1x128xi32, #tpu.memory_space<vmem>> -> memref<128xi32, #tpu.memory_space<vmem>>
      %dma_start3A_48 = arith.constant 0 : i32
      %dma_start3A_49 = arith.constant 0 : i32
      %dma_start3A_50 = tpu.memref_slice %arg4[%dma_start3A_48, %dma_start3A_49] : memref<10240x128xf32, #tpu.memory_space<hbm>> -> memref<10240x128xf32, #tpu.memory_space<hbm>>
      tpu.enqueue_indirect_dma source(%dma_start3A_50 : memref<10240x128xf32, #tpu.memory_space<hbm>>) target(%dma_start3A_44 : memref<128x128xf32, #tpu.memory_space<vmem>>) offsets(%dma_start3A_47 : memref<128xi32, #tpu.memory_space<vmem>>) semaphore(%arg11 : memref<!tpu.dma_semaphore, #tpu.memory_space<semaphore_mem>>)
      %scan3A_51 = arith.constant 0 : i32
      %scan3A_52 = arith.constant 0 : i32
      %scan3A_53 = arith.constant 8 : i32
      %scan3A_54 = arith.addi %scan3A_52, %scan3A_53 : i32
      %scan3A_55 = arith.constant 1 : i32
      scf.for %scan3A_57 = %scan3A_52 to %scan3A_54 step %scan3A_55  : i32 {
        %mul3A_58 = arith.constant 2 : i32
        %mul3A_59 = arith.muli %mul3A_58, %scan3A_57 : i32
        %add3A_60 = arith.constant 1 : i32
        %add3A_61 = arith.addi %mul3A_59, %add3A_60 : i32
        %dma_start3A_62 = arith.constant 1 : i32
        %dma_start3A_63 = arith.constant 0 : i32
        %dma_start3A_64 = arith.constant 0 : i32
        %dma_start3A_65 = tpu.memref_slice %arg8[%dma_start3A_62, %dma_start3A_63, %dma_start3A_64] : memref<2x128x128xf32, #tpu.memory_space<vmem>> -> memref<1x128x128xf32, #tpu.memory_space<vmem>>
        %dma_start3A_66 = tpu.memref_squeeze %dma_start3A_65 : memref<1x128x128xf32, #tpu.memory_space<vmem>> -> memref<128x128xf32, #tpu.memory_space<vmem>>
        %dma_start3A_67 = arith.constant 0 : i32
        %dma_start3A_68 = tpu.memref_slice %arg6[%add3A_61, %dma_start3A_67] : memref<16x128xi32, #tpu.memory_space<vmem>> -> memref<1x128xi32, #tpu.memory_space<vmem>>
        %dma_start3A_69 = tpu.memref_squeeze %dma_start3A_68 : memref<1x128xi32, #tpu.memory_space<vmem>> -> memref<128xi32, #tpu.memory_space<vmem>>
        %dma_start3A_70 = arith.constant 0 : i32
        %dma_start3A_71 = arith.constant 0 : i32
        %dma_start3A_72 = tpu.memref_slice %arg4[%dma_start3A_70, %dma_start3A_71] : memref<10240x128xf32, #tpu.memory_space<hbm>> -> memref<10240x128xf32, #tpu.memory_space<hbm>>
        tpu.enqueue_indirect_dma source(%dma_start3A_72 : memref<10240x128xf32, #tpu.memory_space<hbm>>) target(%dma_start3A_66 : memref<128x128xf32, #tpu.memory_space<vmem>>) offsets(%dma_start3A_69 : memref<128xi32, #tpu.memory_space<vmem>>) semaphore(%arg12 : memref<!tpu.dma_semaphore, #tpu.memory_space<semaphore_mem>>)
        %dma_wait3A = arith.constant 0 : i32
        %dma_wait3A_73 = arith.constant 0 : i32
        %dma_wait3A_74 = arith.constant 0 : i32
        %dma_wait3A_75 = tpu.memref_slice %arg8[%dma_wait3A, %dma_wait3A_73, %dma_wait3A_74] : memref<2x128x128xf32, #tpu.memory_space<vmem>> -> memref<1x128x128xf32, #tpu.memory_space<vmem>>
        %dma_wait3A_76 = tpu.memref_squeeze %dma_wait3A_75 : memref<1x128x128xf32, #tpu.memory_space<vmem>> -> memref<128x128xf32, #tpu.memory_space<vmem>>
        %dma_wait3A_77 = arith.constant 0 : i32
        %dma_wait3A_78 = tpu.memref_slice %arg6[%mul3A_59, %dma_wait3A_77] : memref<16x128xi32, #tpu.memory_space<vmem>> -> memref<1x128xi32, #tpu.memory_space<vmem>>
        %dma_wait3A_79 = tpu.memref_squeeze %dma_wait3A_78 : memref<1x128xi32, #tpu.memory_space<vmem>> -> memref<128xi32, #tpu.memory_space<vmem>>
        %dma_wait3A_80 = arith.constant 0 : i32
        %dma_wait3A_81 = arith.constant 0 : i32
        %dma_wait3A_82 = tpu.memref_slice %arg4[%dma_wait3A_80, %dma_wait3A_81] : memref<10240x128xf32, #tpu.memory_space<hbm>> -> memref<10240x128xf32, #tpu.memory_space<hbm>>
        tpu.wait_indirect_dma semaphore(%arg11 : memref<!tpu.dma_semaphore, #tpu.memory_space<semaphore_mem>>) src(%dma_wait3A_82 : memref<10240x128xf32, #tpu.memory_space<hbm>>) dst(%dma_wait3A_76 : memref<128x128xf32, #tpu.memory_space<vmem>>)
        %run_scoped3A = arith.constant 0 : i32
        "tpu.region"() ({
          %run_scoped3A_101 = tpu.sem_alloc : memref<!tpu.dma_semaphore, #tpu.memory_space<semaphore_mem>>
          %dma_start3A_102 = arith.constant 0 : i32
          %dma_start3A_103 = arith.constant 0 : i32
          %dma_start3A_104 = tpu.memref_slice %arg8[%run_scoped3A, %dma_start3A_102, %dma_start3A_103] : memref<2x128x128xf32, #tpu.memory_space<vmem>> -> memref<1x128x128xf32, #tpu.memory_space<vmem>>
          %dma_start3A_105 = tpu.memref_squeeze %dma_start3A_104 : memref<1x128x128xf32, #tpu.memory_space<vmem>> -> memref<128x128xf32, #tpu.memory_space<vmem>>
          %dma_start3A_106 = arith.constant 0 : i32
          %dma_start3A_107 = tpu.memref_slice %arg7[%mul3A_59, %dma_start3A_106] : memref<16x128xi32, #tpu.memory_space<vmem>> -> memref<1x128xi32, #tpu.memory_space<vmem>>
          %dma_start3A_108 = tpu.memref_squeeze %dma_start3A_107 : memref<1x128xi32, #tpu.memory_space<vmem>> -> memref<128xi32, #tpu.memory_space<vmem>>
          %dma_start3A_109 = arith.constant 0 : i32
          %dma_start3A_110 = arith.constant 0 : i32
          %dma_start3A_111 = tpu.memref_slice %arg10[%dma_start3A_109, %dma_start3A_110] : memref<10240x128xf32, #tpu.memory_space<vmem_shared>> -> memref<10240x128xf32, #tpu.memory_space<vmem_shared>>
          tpu.enqueue_indirect_dma source(%dma_start3A_105 : memref<128x128xf32, #tpu.memory_space<vmem>>) target(%dma_start3A_111 : memref<10240x128xf32, #tpu.memory_space<vmem_shared>>) offsets(%dma_start3A_108 : memref<128xi32, #tpu.memory_space<vmem>>) semaphore(%run_scoped3A_101 : memref<!tpu.dma_semaphore, #tpu.memory_space<semaphore_mem>>) {add = true}
          %dma_wait3A_112 = arith.constant 0 : i32
          %dma_wait3A_113 = arith.constant 0 : i32
          %dma_wait3A_114 = tpu.memref_slice %arg8[%run_scoped3A, %dma_wait3A_112, %dma_wait3A_113] : memref<2x128x128xf32, #tpu.memory_space<vmem>> -> memref<1x128x128xf32, #tpu.memory_space<vmem>>
          %dma_wait3A_115 = tpu.memref_squeeze %dma_wait3A_114 : memref<1x128x128xf32, #tpu.memory_space<vmem>> -> memref<128x128xf32, #tpu.memory_space<vmem>>
          %dma_wait3A_116 = arith.constant 0 : i32
          %dma_wait3A_117 = tpu.memref_slice %arg7[%mul3A_59, %dma_wait3A_116] : memref<16x128xi32, #tpu.memory_space<vmem>> -> memref<1x128xi32, #tpu.memory_space<vmem>>
          %dma_wait3A_118 = tpu.memref_squeeze %dma_wait3A_117 : memref<1x128xi32, #tpu.memory_space<vmem>> -> memref<128xi32, #tpu.memory_space<vmem>>
          %dma_wait3A_119 = arith.constant 0 : i32
          %dma_wait3A_120 = arith.constant 0 : i32
          %dma_wait3A_121 = tpu.memref_slice %arg10[%dma_wait3A_119, %dma_wait3A_120] : memref<10240x128xf32, #tpu.memory_space<vmem_shared>> -> memref<10240x128xf32, #tpu.memory_space<vmem_shared>>
          tpu.wait_indirect_dma semaphore(%run_scoped3A_101 : memref<!tpu.dma_semaphore, #tpu.memory_space<semaphore_mem>>) src(%dma_wait3A_115 : memref<128x128xf32, #tpu.memory_space<vmem>>) dst(%dma_wait3A_121 : memref<10240x128xf32, #tpu.memory_space<vmem_shared>>)
          tpu.yield
        }) : () -> ()
        %add3A_83 = arith.constant 1 : i32
        %add3A_84 = arith.addi %add3A_61, %add3A_83 : i32
        %lt3A = arith.constant 16 : i32
        %lt3A_85 = arith.cmpi slt, %add3A_84, %lt3A : i32
        %convert_element_type3A_86 = arith.extui %lt3A_85 : i1 to i32
        %cond3A_87 = arith.constant 0 : i32
        %cond3A_88 = arith.cmpi ne, %convert_element_type3A_86, %cond3A_87 : i32
        scf.if %cond3A_88 {
          %add3A_101 = arith.constant 1 : i32
          %add3A_102 = arith.addi %add3A_61, %add3A_101 : i32
          %dma_start3A_103 = arith.constant 0 : i32
          %dma_start3A_104 = arith.constant 0 : i32
          %dma_start3A_105 = arith.constant 0 : i32
          %dma_start3A_106 = tpu.memref_slice %arg8[%dma_start3A_103, %dma_start3A_104, %dma_start3A_105] : memref<2x128x128xf32, #tpu.memory_space<vmem>> -> memref<1x128x128xf32, #tpu.memory_space<vmem>>
          %dma_start3A_107 = tpu.memref_squeeze %dma_start3A_106 : memref<1x128x128xf32, #tpu.memory_space<vmem>> -> memref<128x128xf32, #tpu.memory_space<vmem>>
          %dma_start3A_108 = arith.constant 0 : i32
          %dma_start3A_109 = tpu.memref_slice %arg6[%add3A_102, %dma_start3A_108] : memref<16x128xi32, #tpu.memory_space<vmem>> -> memref<1x128xi32, #tpu.memory_space<vmem>>
          %dma_start3A_110 = tpu.memref_squeeze %dma_start3A_109 : memref<1x128xi32, #tpu.memory_space<vmem>> -> memref<128xi32, #tpu.memory_space<vmem>>
          %dma_start3A_111 = arith.constant 0 : i32
          %dma_start3A_112 = arith.constant 0 : i32
          %dma_start3A_113 = tpu.memref_slice %arg4[%dma_start3A_111, %dma_start3A_112] : memref<10240x128xf32, #tpu.memory_space<hbm>> -> memref<10240x128xf32, #tpu.memory_space<hbm>>
          tpu.enqueue_indirect_dma source(%dma_start3A_113 : memref<10240x128xf32, #tpu.memory_space<hbm>>) target(%dma_start3A_107 : memref<128x128xf32, #tpu.memory_space<vmem>>) offsets(%dma_start3A_110 : memref<128xi32, #tpu.memory_space<vmem>>) semaphore(%arg11 : memref<!tpu.dma_semaphore, #tpu.memory_space<semaphore_mem>>)
        } else {
        }
        %dma_wait3A_89 = arith.constant 1 : i32
        %dma_wait3A_90 = arith.constant 0 : i32
        %dma_wait3A_91 = arith.constant 0 : i32
        %dma_wait3A_92 = tpu.memref_slice %arg8[%dma_wait3A_89, %dma_wait3A_90, %dma_wait3A_91] : memref<2x128x128xf32, #tpu.memory_space<vmem>> -> memref<1x128x128xf32, #tpu.memory_space<vmem>>
        %dma_wait3A_93 = tpu.memref_squeeze %dma_wait3A_92 : memref<1x128x128xf32, #tpu.memory_space<vmem>> -> memref<128x128xf32, #tpu.memory_space<vmem>>
        %dma_wait3A_94 = arith.constant 0 : i32
        %dma_wait3A_95 = tpu.memref_slice %arg6[%add3A_61, %dma_wait3A_94] : memref<16x128xi32, #tpu.memory_space<vmem>> -> memref<1x128xi32, #tpu.memory_space<vmem>>
        %dma_wait3A_96 = tpu.memref_squeeze %dma_wait3A_95 : memref<1x128xi32, #tpu.memory_space<vmem>> -> memref<128xi32, #tpu.memory_space<vmem>>
        %dma_wait3A_97 = arith.constant 0 : i32
        %dma_wait3A_98 = arith.constant 0 : i32
        %dma_wait3A_99 = tpu.memref_slice %arg4[%dma_wait3A_97, %dma_wait3A_98] : memref<10240x128xf32, #tpu.memory_space<hbm>> -> memref<10240x128xf32, #tpu.memory_space<hbm>>
        tpu.wait_indirect_dma semaphore(%arg12 : memref<!tpu.dma_semaphore, #tpu.memory_space<semaphore_mem>>) src(%dma_wait3A_99 : memref<10240x128xf32, #tpu.memory_space<hbm>>) dst(%dma_wait3A_93 : memref<128x128xf32, #tpu.memory_space<vmem>>)
        %run_scoped3A_100 = arith.constant 1 : i32
        "tpu.region"() ({
          %run_scoped3A_101 = tpu.sem_alloc : memref<!tpu.dma_semaphore, #tpu.memory_space<semaphore_mem>>
          %dma_start3A_102 = arith.constant 0 : i32
          %dma_start3A_103 = arith.constant 0 : i32
          %dma_start3A_104 = tpu.memref_slice %arg8[%run_scoped3A_100, %dma_start3A_102, %dma_start3A_103] : memref<2x128x128xf32, #tpu.memory_space<vmem>> -> memref<1x128x128xf32, #tpu.memory_space<vmem>>
          %dma_start3A_105 = tpu.memref_squeeze %dma_start3A_104 : memref<1x128x128xf32, #tpu.memory_space<vmem>> -> memref<128x128xf32, #tpu.memory_space<vmem>>
          %dma_start3A_106 = arith.constant 0 : i32
          %dma_start3A_107 = tpu.memref_slice %arg7[%add3A_61, %dma_start3A_106] : memref<16x128xi32, #tpu.memory_space<vmem>> -> memref<1x128xi32, #tpu.memory_space<vmem>>
          %dma_start3A_108 = tpu.memref_squeeze %dma_start3A_107 : memref<1x128xi32, #tpu.memory_space<vmem>> -> memref<128xi32, #tpu.memory_space<vmem>>
          %dma_start3A_109 = arith.constant 0 : i32
          %dma_start3A_110 = arith.constant 0 : i32
          %dma_start3A_111 = tpu.memref_slice %arg10[%dma_start3A_109, %dma_start3A_110] : memref<10240x128xf32, #tpu.memory_space<vmem_shared>> -> memref<10240x128xf32, #tpu.memory_space<vmem_shared>>
          tpu.enqueue_indirect_dma source(%dma_start3A_105 : memref<128x128xf32, #tpu.memory_space<vmem>>) target(%dma_start3A_111 : memref<10240x128xf32, #tpu.memory_space<vmem_shared>>) offsets(%dma_start3A_108 : memref<128xi32, #tpu.memory_space<vmem>>) semaphore(%run_scoped3A_101 : memref<!tpu.dma_semaphore, #tpu.memory_space<semaphore_mem>>) {add = true}
          %dma_wait3A_112 = arith.constant 0 : i32
          %dma_wait3A_113 = arith.constant 0 : i32
          %dma_wait3A_114 = tpu.memref_slice %arg8[%run_scoped3A_100, %dma_wait3A_112, %dma_wait3A_113] : memref<2x128x128xf32, #tpu.memory_space<vmem>> -> memref<1x128x128xf32, #tpu.memory_space<vmem>>
          %dma_wait3A_115 = tpu.memref_squeeze %dma_wait3A_114 : memref<1x128x128xf32, #tpu.memory_space<vmem>> -> memref<128x128xf32, #tpu.memory_space<vmem>>
          %dma_wait3A_116 = arith.constant 0 : i32
          %dma_wait3A_117 = tpu.memref_slice %arg7[%add3A_61, %dma_wait3A_116] : memref<16x128xi32, #tpu.memory_space<vmem>> -> memref<1x128xi32, #tpu.memory_space<vmem>>
          %dma_wait3A_118 = tpu.memref_squeeze %dma_wait3A_117 : memref<1x128xi32, #tpu.memory_space<vmem>> -> memref<128xi32, #tpu.memory_space<vmem>>
          %dma_wait3A_119 = arith.constant 0 : i32
          %dma_wait3A_120 = arith.constant 0 : i32
          %dma_wait3A_121 = tpu.memref_slice %arg10[%dma_wait3A_119, %dma_wait3A_120] : memref<10240x128xf32, #tpu.memory_space<vmem_shared>> -> memref<10240x128xf32, #tpu.memory_space<vmem_shared>>
          tpu.wait_indirect_dma semaphore(%run_scoped3A_101 : memref<!tpu.dma_semaphore, #tpu.memory_space<semaphore_mem>>) src(%dma_wait3A_115 : memref<128x128xf32, #tpu.memory_space<vmem>>) dst(%dma_wait3A_121 : memref<10240x128xf32, #tpu.memory_space<vmem_shared>>)
          tpu.yield
        }) : () -> ()
      }
      %scan3A_56 = arith.constant 8 : i32
    }
    %barrier3A_29 = arith.constant 0 : index
    tpu.barrier barrier_id(%barrier3A_29)
    %eq3A_30 = arith.constant 0 : i32
    %eq3A_31 = arith.cmpi eq, %arg0, %eq3A_30 : i32
    %convert_element_type3A = arith.extui %eq3A_31 : i1 to i32
    %cond3A = arith.constant 0 : i32
    %cond3A_32 = arith.cmpi ne, %convert_element_type3A, %cond3A : i32
    scf.if %cond3A_32 {
      %mul3A_33 = arith.constant 640 : i32
      %mul3A_34 = arith.muli %arg1, %mul3A_33 : i32
      %mul3A_35 = arith.constant 640 : i32
      %mul3A_36 = arith.muli %arg1, %mul3A_35 : i32
      "tpu.region"() ({
        %run_scoped3A = tpu.sem_alloc : memref<!tpu.dma_semaphore, #tpu.memory_space<semaphore_mem>>
        %dma_start3A = arith.constant 0 : i32
        %dma_start3A_37 = tpu.memref_slice %arg5[%arg0, %mul3A_36, %dma_start3A] : memref<2x10240x128xf32, #tpu.memory_space<hbm>> -> memref<1x640x128xf32, #tpu.memory_space<hbm>>
        %dma_start3A_38 = tpu.memref_squeeze %dma_start3A_37 : memref<1x640x128xf32, #tpu.memory_space<hbm>> -> memref<640x128xf32, #tpu.memory_space<hbm>>
        %dma_start3A_39 = arith.constant 0 : i32
        %dma_start3A_40 = tpu.memref_slice %arg10[%mul3A_34, %dma_start3A_39] : memref<10240x128xf32, #tpu.memory_space<vmem_shared>> -> memref<640x128xf32, #tpu.memory_space<vmem_shared>>
        tpu.enqueue_dma source(%dma_start3A_40 : memref<640x128xf32, #tpu.memory_space<vmem_shared>>) target(%dma_start3A_38 : memref<640x128xf32, #tpu.memory_space<hbm>>) target_semaphore(%run_scoped3A : memref<!tpu.dma_semaphore, #tpu.memory_space<semaphore_mem>>)
        %dma_wait3A = arith.constant 0 : i32
        %dma_wait3A_41 = tpu.memref_slice %arg5[%arg0, %mul3A_36, %dma_wait3A] : memref<2x10240x128xf32, #tpu.memory_space<hbm>> -> memref<1x640x128xf32, #tpu.memory_space<hbm>>
        %dma_wait3A_42 = tpu.memref_squeeze %dma_wait3A_41 : memref<1x640x128xf32, #tpu.memory_space<hbm>> -> memref<640x128xf32, #tpu.memory_space<hbm>>
        %dma_wait3A_43 = arith.constant 0 : i32
        %dma_wait3A_44 = tpu.memref_slice %arg10[%mul3A_34, %dma_wait3A_43] : memref<10240x128xf32, #tpu.memory_space<vmem_shared>> -> memref<640x128xf32, #tpu.memory_space<vmem_shared>>
        tpu.wait_dma2 semaphore(%run_scoped3A : memref<!tpu.dma_semaphore, #tpu.memory_space<semaphore_mem>>) src(%dma_wait3A_44 : memref<640x128xf32, #tpu.memory_space<vmem_shared>>) dst(%dma_wait3A_42 : memref<640x128xf32, #tpu.memory_space<hbm>>)
        tpu.yield
      }) : () -> ()
    } else {
    }
    return
  }
}

#map = affine_map<(d0, d1) -> (0, 0)>
#map1 = affine_map<(d0, d1) -> (0, 0, 0)>
module attributes {stable_mosaic.version = 14 : i64} {
  func.func @_edge_kernel(%arg0: i32, %arg1: i32, %arg2: memref<2560x128xi32, #tpu.memory_space<hbm>>, %arg3: memref<2560x128xi32, #tpu.memory_space<hbm>>, %arg4: memref<10240x128xf32, #tpu.memory_space<hbm>>, %arg5: memref<2x10240x128xf32, #tpu.memory_space<hbm>>, %arg6: memref<16x128xi32, #tpu.memory_space<vmem>>, %arg7: memref<16x128xi32, #tpu.memory_space<vmem>>, %arg8: memref<2x128x128xf32, #tpu.memory_space<vmem>>, %arg9: memref<64x128xf32, #tpu.memory_space<vmem>>, %arg10: memref<10240x128xf32, #tpu.memory_space<vmem_shared>>, %arg11: memref<!tpu.dma_semaphore, #tpu.memory_space<semaphore_mem>>, %arg12: memref<!tpu.dma_semaphore, #tpu.memory_space<semaphore_mem>>) attributes {dimension_semantics = [#tpu.dimension_semantics<core_parallel>, #tpu.dimension_semantics<subcore_parallel>], iteration_bounds = array<i64: 2, 16>, scalar_prefetch = 0 : i64, scratch_operands = 7 : i64, tpu.core_type = #tpu.core_type<sc_vector_subcore>, window_params = [{transform_indices = #map}, {transform_indices = #map}, {transform_indices = #map}, {transform_indices = #map1}]} {
    %eq3A = arith.constant 0 : i32
    %eq3A_0 = arith.cmpi eq, %arg0, %eq3A : i32
    %mul3A = arith.constant 160 : i32
    %mul3A_1 = arith.muli %arg1, %mul3A : i32
    %mul3A_2 = arith.constant 0 : i32
    %mul3A_3 = arith.muli %arg1, %mul3A_2 : i32
    %add3A = arith.constant 2560 : i32
    %add3A_4 = arith.addi %add3A, %mul3A_3 : i32
    %select_n3A = arith.select %eq3A_0, %mul3A_1, %add3A_4 : i32
    %eq3A_5 = arith.constant 0 : i32
    %eq3A_6 = arith.cmpi eq, %arg0, %eq3A_5 : i32
    %jit3A = arith.constant 10 : i32
    %jit3A_7 = arith.constant 0 : i32
    %select_n3A_8 = arith.select %eq3A_6, %jit3A, %jit3A_7 : i32
    %scan3A = arith.constant 0 : i32
    %scan3A_9 = arith.constant 0 : i32
    %scan3A_10 = arith.constant 512 : i32
    %scan3A_11 = arith.addi %scan3A_9, %scan3A_10 : i32
    %scan3A_12 = arith.constant 1 : i32
    scf.for %scan3A_33 = %scan3A_9 to %scan3A_11 step %scan3A_12  : i32 {
      %broadcast_in_dim3A = arith.constant 0.000000e+00 : f32
      %broadcast_in_dim3A_34 = vector.broadcast %broadcast_in_dim3A : f32 to vector<16xf32>
      %jit3A_35 = arith.constant 8 : i32
      %div3A = arith.divsi %scan3A_33, %jit3A_35 : i32
      %sign3A = arith.constant 0 : i32
      %sign3A_36 = arith.cmpi sgt, %scan3A_33, %sign3A : i32
      %sign3A_37 = arith.extui %sign3A_36 : i1 to i32
      %sign3A_38 = arith.constant 0 : i32
      %sign3A_39 = arith.cmpi slt, %scan3A_33, %sign3A_38 : i32
      %sign3A_40 = arith.extui %sign3A_39 : i1 to i32
      %sign3A_41 = arith.subi %sign3A_37, %sign3A_40 : i32
      %sign3A_42 = arith.constant 0 : i32
      %sign3A_43 = arith.cmpi sgt, %jit3A_35, %sign3A_42 : i32
      %sign3A_44 = arith.extui %sign3A_43 : i1 to i32
      %sign3A_45 = arith.constant 0 : i32
      %sign3A_46 = arith.cmpi slt, %jit3A_35, %sign3A_45 : i32
      %sign3A_47 = arith.extui %sign3A_46 : i1 to i32
      %sign3A_48 = arith.subi %sign3A_44, %sign3A_47 : i32
      %ne3A = arith.cmpi ne, %sign3A_41, %sign3A_48 : i32
      %rem3A = arith.remsi %scan3A_33, %jit3A_35 : i32
      %ne3A_49 = arith.constant 0 : i32
      %ne3A_50 = arith.cmpi ne, %rem3A, %ne3A_49 : i32
      %and3A = arith.andi %ne3A, %ne3A_50 : i1
      %sub3A = arith.constant 1 : i32
      %sub3A_51 = arith.subi %div3A, %sub3A : i32
      %select_n3A_52 = arith.select %and3A, %sub3A_51, %div3A : i32
      %jit3A_53 = arith.constant 8 : i32
      %eq3A_54 = arith.constant 0 : i32
      %eq3A_55 = arith.cmpi eq, %jit3A_53, %eq3A_54 : i32
      %jit3A_56 = arith.constant 1 : i32
      %select_n3A_57 = arith.select %eq3A_55, %jit3A_56, %jit3A_53 : i32
      %rem3A_58 = arith.remsi %scan3A_33, %select_n3A_57 : i32
      %ne3A_59 = arith.constant 0 : i32
      %ne3A_60 = arith.cmpi ne, %rem3A_58, %ne3A_59 : i32
      %lt3A = arith.constant 0 : i32
      %lt3A_61 = arith.cmpi slt, %rem3A_58, %lt3A : i32
      %lt3A_62 = arith.constant 0 : i32
      %lt3A_63 = arith.cmpi slt, %select_n3A_57, %lt3A_62 : i32
      %ne3A_64 = arith.xori %lt3A_61, %lt3A_63 : i1
      %and3A_65 = arith.andi %ne3A_64, %ne3A_60 : i1
      %add3A_66 = arith.addi %rem3A_58, %select_n3A_57 : i32
      %select_n3A_67 = arith.select %and3A_65, %add3A_66, %rem3A_58 : i32
      %mul3A_68 = arith.constant 16 : i32
      %mul3A_69 = arith.muli %select_n3A_67, %mul3A_68 : i32
      %swap3A = arith.index_cast %select_n3A_52 : i32 to index
      %swap3A_70 = arith.index_cast %mul3A_69 : i32 to index
      %swap3A_71 = tpu.vector_load %arg9[%swap3A, %swap3A_70] {strides = array<i32>} : memref<64x128xf32, #tpu.memory_space<vmem>>, vector<16xf32>,
      tpu.vector_store %arg9[%swap3A, %swap3A_70], %broadcast_in_dim3A_34 {strides = array<i32>} : memref<64x128xf32, #tpu.memory_space<vmem>>, vector<16xf32>,
    }
    %scan3A_13 = arith.constant 512 : i32
    %scan3A_14 = arith.constant 0 : i32
    %scan3A_15 = arith.constant 0 : i32
    %scan3A_16 = arith.constant 10 : i32
    %scan3A_17 = arith.addi %scan3A_15, %scan3A_16 : i32
    %scan3A_18 = arith.constant 1 : i32
    scf.for %scan3A_33 = %scan3A_15 to %scan3A_17 step %scan3A_18  : i32 {
      %mul3A_34 = arith.constant 640 : i32
      %mul3A_35 = arith.muli %arg1, %mul3A_34 : i32
      %mul3A_36 = arith.constant 64 : i32
      %mul3A_37 = arith.muli %scan3A_33, %mul3A_36 : i32
      %add3A_38 = arith.addi %mul3A_35, %mul3A_37 : i32
      "tpu.region"() ({
        %run_scoped3A = tpu.sem_alloc : memref<!tpu.dma_semaphore, #tpu.memory_space<semaphore_mem>>
        %dma_start3A = arith.constant 0 : i32
        %dma_start3A_39 = tpu.memref_slice %arg10[%add3A_38, %dma_start3A] : memref<10240x128xf32, #tpu.memory_space<vmem_shared>> -> memref<64x128xf32, #tpu.memory_space<vmem_shared>>
        %dma_start3A_40 = arith.constant 0 : i32
        %dma_start3A_41 = tpu.memref_slice %arg10[%add3A_38, %dma_start3A_40] : memref<10240x128xf32, #tpu.memory_space<vmem_shared>> -> memref<64x128xf32, #tpu.memory_space<vmem_shared>>
        tpu.enqueue_dma source(%arg9 : memref<64x128xf32, #tpu.memory_space<vmem>>) target(%dma_start3A_41 : memref<64x128xf32, #tpu.memory_space<vmem_shared>>) target_semaphore(%run_scoped3A : memref<!tpu.dma_semaphore, #tpu.memory_space<semaphore_mem>>)
        %dma_wait3A = arith.constant 0 : i32
        %dma_wait3A_42 = tpu.memref_slice %arg10[%add3A_38, %dma_wait3A] : memref<10240x128xf32, #tpu.memory_space<vmem_shared>> -> memref<64x128xf32, #tpu.memory_space<vmem_shared>>
        %dma_wait3A_43 = arith.constant 0 : i32
        %dma_wait3A_44 = tpu.memref_slice %arg10[%add3A_38, %dma_wait3A_43] : memref<10240x128xf32, #tpu.memory_space<vmem_shared>> -> memref<64x128xf32, #tpu.memory_space<vmem_shared>>
        tpu.wait_dma2 semaphore(%run_scoped3A : memref<!tpu.dma_semaphore, #tpu.memory_space<semaphore_mem>>) src(%arg9 : memref<64x128xf32, #tpu.memory_space<vmem>>) dst(%dma_wait3A_44 : memref<64x128xf32, #tpu.memory_space<vmem_shared>>)
        tpu.yield
      }) : () -> ()
    }
    %scan3A_19 = arith.constant 10 : i32
    %barrier3A = arith.constant 0 : index
    tpu.barrier barrier_id(%barrier3A)
    %while3A = arith.constant 0 : i32
    %while3A_20 = arith.constant 0 : i32
    %while3A_21 = arith.subi %select_n3A_8, %while3A_20 : i32
    %while3A_22 = arith.addi %while3A_20, %while3A_21 : i32
    %while3A_23 = arith.constant 1 : i32
    %while3A_24 = arith.divsi %while3A_21, %while3A_23 : i32
    %while3A_25 = arith.muli %while3A_24, %while3A_23 : i32
    %while3A_26 = arith.addi %while3A_20, %while3A_25 : i32
    %while3A_27 = arith.constant 1 : i32
    scf.for %while3A_33 = %while3A_20 to %while3A_26 step %while3A_27  : i32 {
      %mul3A_34 = arith.constant 16 : i32
      %mul3A_35 = arith.muli %while3A_33, %mul3A_34 : i32
      %add3A_36 = arith.addi %select_n3A, %mul3A_35 : i32
      "tpu.region"() ({
        %run_scoped3A = tpu.sem_alloc : memref<!tpu.dma_semaphore, #tpu.memory_space<semaphore_mem>>
        %dma_start3A_57 = arith.constant 0 : i32
        %dma_start3A_58 = tpu.memref_slice %arg2[%add3A_36, %dma_start3A_57] : memref<2560x128xi32, #tpu.memory_space<hbm>> -> memref<16x128xi32, #tpu.memory_space<hbm>>
        %dma_start3A_59 = arith.constant 0 : i32
        %dma_start3A_60 = tpu.memref_slice %arg2[%add3A_36, %dma_start3A_59] : memref<2560x128xi32, #tpu.memory_space<hbm>> -> memref<16x128xi32, #tpu.memory_space<hbm>>
        tpu.enqueue_dma source(%dma_start3A_60 : memref<16x128xi32, #tpu.memory_space<hbm>>) target(%arg6 : memref<16x128xi32, #tpu.memory_space<vmem>>) target_semaphore(%run_scoped3A : memref<!tpu.dma_semaphore, #tpu.memory_space<semaphore_mem>>)
        %dma_wait3A = arith.constant 0 : i32
        %dma_wait3A_61 = tpu.memref_slice %arg2[%add3A_36, %dma_wait3A] : memref<2560x128xi32, #tpu.memory_space<hbm>> -> memref<16x128xi32, #tpu.memory_space<hbm>>
        %dma_wait3A_62 = arith.constant 0 : i32
        %dma_wait3A_63 = tpu.memref_slice %arg2[%add3A_36, %dma_wait3A_62] : memref<2560x128xi32, #tpu.memory_space<hbm>> -> memref<16x128xi32, #tpu.memory_space<hbm>>
        tpu.wait_dma2 semaphore(%run_scoped3A : memref<!tpu.dma_semaphore, #tpu.memory_space<semaphore_mem>>) src(%dma_wait3A_63 : memref<16x128xi32, #tpu.memory_space<hbm>>) dst(%arg6 : memref<16x128xi32, #tpu.memory_space<vmem>>)
        tpu.yield
      }) : () -> ()
      %mul3A_37 = arith.constant 16 : i32
      %mul3A_38 = arith.muli %while3A_33, %mul3A_37 : i32
      %add3A_39 = arith.addi %select_n3A, %mul3A_38 : i32
      "tpu.region"() ({
        %run_scoped3A = tpu.sem_alloc : memref<!tpu.dma_semaphore, #tpu.memory_space<semaphore_mem>>
        %dma_start3A_57 = arith.constant 0 : i32
        %dma_start3A_58 = tpu.memref_slice %arg3[%add3A_39, %dma_start3A_57] : memref<2560x128xi32, #tpu.memory_space<hbm>> -> memref<16x128xi32, #tpu.memory_space<hbm>>
        %dma_start3A_59 = arith.constant 0 : i32
        %dma_start3A_60 = tpu.memref_slice %arg3[%add3A_39, %dma_start3A_59] : memref<2560x128xi32, #tpu.memory_space<hbm>> -> memref<16x128xi32, #tpu.memory_space<hbm>>
        tpu.enqueue_dma source(%dma_start3A_60 : memref<16x128xi32, #tpu.memory_space<hbm>>) target(%arg7 : memref<16x128xi32, #tpu.memory_space<vmem>>) target_semaphore(%run_scoped3A : memref<!tpu.dma_semaphore, #tpu.memory_space<semaphore_mem>>)
        %dma_wait3A = arith.constant 0 : i32
        %dma_wait3A_61 = tpu.memref_slice %arg3[%add3A_39, %dma_wait3A] : memref<2560x128xi32, #tpu.memory_space<hbm>> -> memref<16x128xi32, #tpu.memory_space<hbm>>
        %dma_wait3A_62 = arith.constant 0 : i32
        %dma_wait3A_63 = tpu.memref_slice %arg3[%add3A_39, %dma_wait3A_62] : memref<2560x128xi32, #tpu.memory_space<hbm>> -> memref<16x128xi32, #tpu.memory_space<hbm>>
        tpu.wait_dma2 semaphore(%run_scoped3A : memref<!tpu.dma_semaphore, #tpu.memory_space<semaphore_mem>>) src(%dma_wait3A_63 : memref<16x128xi32, #tpu.memory_space<hbm>>) dst(%arg7 : memref<16x128xi32, #tpu.memory_space<vmem>>)
        tpu.yield
      }) : () -> ()
      %dma_start3A = arith.constant 0 : i32
      %dma_start3A_40 = arith.constant 0 : i32
      %dma_start3A_41 = arith.constant 0 : i32
      %dma_start3A_42 = arith.constant 0 : i32
      %dma_start3A_43 = tpu.memref_slice %arg8[%dma_start3A_40, %dma_start3A_41, %dma_start3A_42] : memref<2x128x128xf32, #tpu.memory_space<vmem>> -> memref<1x128x128xf32, #tpu.memory_space<vmem>>
      %dma_start3A_44 = tpu.memref_squeeze %dma_start3A_43 : memref<1x128x128xf32, #tpu.memory_space<vmem>> -> memref<128x128xf32, #tpu.memory_space<vmem>>
      %dma_start3A_45 = arith.constant 0 : i32
      %dma_start3A_46 = tpu.memref_slice %arg6[%dma_start3A, %dma_start3A_45] : memref<16x128xi32, #tpu.memory_space<vmem>> -> memref<1x128xi32, #tpu.memory_space<vmem>>
      %dma_start3A_47 = tpu.memref_squeeze %dma_start3A_46 : memref<1x128xi32, #tpu.memory_space<vmem>> -> memref<128xi32, #tpu.memory_space<vmem>>
      %dma_start3A_48 = arith.constant 0 : i32
      %dma_start3A_49 = arith.constant 0 : i32
      %dma_start3A_50 = tpu.memref_slice %arg4[%dma_start3A_48, %dma_start3A_49] : memref<10240x128xf32, #tpu.memory_space<hbm>> -> memref<10240x128xf32, #tpu.memory_space<hbm>>
      tpu.enqueue_indirect_dma source(%dma_start3A_50 : memref<10240x128xf32, #tpu.memory_space<hbm>>) target(%dma_start3A_44 : memref<128x128xf32, #tpu.memory_space<vmem>>) offsets(%dma_start3A_47 : memref<128xi32, #tpu.memory_space<vmem>>) semaphore(%arg11 : memref<!tpu.dma_semaphore, #tpu.memory_space<semaphore_mem>>)
      %scan3A_51 = arith.constant 0 : i32
      %scan3A_52 = arith.constant 0 : i32
      %scan3A_53 = arith.constant 8 : i32
      %scan3A_54 = arith.addi %scan3A_52, %scan3A_53 : i32
      %scan3A_55 = arith.constant 1 : i32
      scf.for %scan3A_57 = %scan3A_52 to %scan3A_54 step %scan3A_55  : i32 {
        %mul3A_58 = arith.constant 2 : i32
        %mul3A_59 = arith.muli %mul3A_58, %scan3A_57 : i32
        %add3A_60 = arith.constant 1 : i32
        %add3A_61 = arith.addi %mul3A_59, %add3A_60 : i32
        %dma_start3A_62 = arith.constant 1 : i32
        %dma_start3A_63 = arith.constant 0 : i32
        %dma_start3A_64 = arith.constant 0 : i32
        %dma_start3A_65 = tpu.memref_slice %arg8[%dma_start3A_62, %dma_start3A_63, %dma_start3A_64] : memref<2x128x128xf32, #tpu.memory_space<vmem>> -> memref<1x128x128xf32, #tpu.memory_space<vmem>>
        %dma_start3A_66 = tpu.memref_squeeze %dma_start3A_65 : memref<1x128x128xf32, #tpu.memory_space<vmem>> -> memref<128x128xf32, #tpu.memory_space<vmem>>
        %dma_start3A_67 = arith.constant 0 : i32
        %dma_start3A_68 = tpu.memref_slice %arg6[%add3A_61, %dma_start3A_67] : memref<16x128xi32, #tpu.memory_space<vmem>> -> memref<1x128xi32, #tpu.memory_space<vmem>>
        %dma_start3A_69 = tpu.memref_squeeze %dma_start3A_68 : memref<1x128xi32, #tpu.memory_space<vmem>> -> memref<128xi32, #tpu.memory_space<vmem>>
        %dma_start3A_70 = arith.constant 0 : i32
        %dma_start3A_71 = arith.constant 0 : i32
        %dma_start3A_72 = tpu.memref_slice %arg4[%dma_start3A_70, %dma_start3A_71] : memref<10240x128xf32, #tpu.memory_space<hbm>> -> memref<10240x128xf32, #tpu.memory_space<hbm>>
        tpu.enqueue_indirect_dma source(%dma_start3A_72 : memref<10240x128xf32, #tpu.memory_space<hbm>>) target(%dma_start3A_66 : memref<128x128xf32, #tpu.memory_space<vmem>>) offsets(%dma_start3A_69 : memref<128xi32, #tpu.memory_space<vmem>>) semaphore(%arg12 : memref<!tpu.dma_semaphore, #tpu.memory_space<semaphore_mem>>)
        %dma_wait3A = arith.constant 0 : i32
        %dma_wait3A_73 = arith.constant 0 : i32
        %dma_wait3A_74 = arith.constant 0 : i32
        %dma_wait3A_75 = tpu.memref_slice %arg8[%dma_wait3A, %dma_wait3A_73, %dma_wait3A_74] : memref<2x128x128xf32, #tpu.memory_space<vmem>> -> memref<1x128x128xf32, #tpu.memory_space<vmem>>
        %dma_wait3A_76 = tpu.memref_squeeze %dma_wait3A_75 : memref<1x128x128xf32, #tpu.memory_space<vmem>> -> memref<128x128xf32, #tpu.memory_space<vmem>>
        %dma_wait3A_77 = arith.constant 0 : i32
        %dma_wait3A_78 = tpu.memref_slice %arg6[%mul3A_59, %dma_wait3A_77] : memref<16x128xi32, #tpu.memory_space<vmem>> -> memref<1x128xi32, #tpu.memory_space<vmem>>
        %dma_wait3A_79 = tpu.memref_squeeze %dma_wait3A_78 : memref<1x128xi32, #tpu.memory_space<vmem>> -> memref<128xi32, #tpu.memory_space<vmem>>
        %dma_wait3A_80 = arith.constant 0 : i32
        %dma_wait3A_81 = arith.constant 0 : i32
        %dma_wait3A_82 = tpu.memref_slice %arg4[%dma_wait3A_80, %dma_wait3A_81] : memref<10240x128xf32, #tpu.memory_space<hbm>> -> memref<10240x128xf32, #tpu.memory_space<hbm>>
        tpu.wait_indirect_dma semaphore(%arg11 : memref<!tpu.dma_semaphore, #tpu.memory_space<semaphore_mem>>) src(%dma_wait3A_82 : memref<10240x128xf32, #tpu.memory_space<hbm>>) dst(%dma_wait3A_76 : memref<128x128xf32, #tpu.memory_space<vmem>>)
        %run_scoped3A = arith.constant 0 : i32
        "tpu.region"() ({
          %run_scoped3A_101 = tpu.sem_alloc : memref<!tpu.dma_semaphore, #tpu.memory_space<semaphore_mem>>
          %dma_start3A_102 = arith.constant 0 : i32
          %dma_start3A_103 = arith.constant 0 : i32
          %dma_start3A_104 = tpu.memref_slice %arg8[%run_scoped3A, %dma_start3A_102, %dma_start3A_103] : memref<2x128x128xf32, #tpu.memory_space<vmem>> -> memref<1x128x128xf32, #tpu.memory_space<vmem>>
          %dma_start3A_105 = tpu.memref_squeeze %dma_start3A_104 : memref<1x128x128xf32, #tpu.memory_space<vmem>> -> memref<128x128xf32, #tpu.memory_space<vmem>>
          %dma_start3A_106 = arith.constant 0 : i32
          %dma_start3A_107 = tpu.memref_slice %arg7[%mul3A_59, %dma_start3A_106] : memref<16x128xi32, #tpu.memory_space<vmem>> -> memref<1x128xi32, #tpu.memory_space<vmem>>
          %dma_start3A_108 = tpu.memref_squeeze %dma_start3A_107 : memref<1x128xi32, #tpu.memory_space<vmem>> -> memref<128xi32, #tpu.memory_space<vmem>>
          %dma_start3A_109 = arith.constant 0 : i32
          %dma_start3A_110 = arith.constant 0 : i32
          %dma_start3A_111 = tpu.memref_slice %arg10[%dma_start3A_109, %dma_start3A_110] : memref<10240x128xf32, #tpu.memory_space<vmem_shared>> -> memref<10240x128xf32, #tpu.memory_space<vmem_shared>>
          tpu.enqueue_indirect_dma source(%dma_start3A_105 : memref<128x128xf32, #tpu.memory_space<vmem>>) target(%dma_start3A_111 : memref<10240x128xf32, #tpu.memory_space<vmem_shared>>) offsets(%dma_start3A_108 : memref<128xi32, #tpu.memory_space<vmem>>) semaphore(%run_scoped3A_101 : memref<!tpu.dma_semaphore, #tpu.memory_space<semaphore_mem>>) {add = true}
          %dma_wait3A_112 = arith.constant 0 : i32
          %dma_wait3A_113 = arith.constant 0 : i32
          %dma_wait3A_114 = tpu.memref_slice %arg8[%run_scoped3A, %dma_wait3A_112, %dma_wait3A_113] : memref<2x128x128xf32, #tpu.memory_space<vmem>> -> memref<1x128x128xf32, #tpu.memory_space<vmem>>
          %dma_wait3A_115 = tpu.memref_squeeze %dma_wait3A_114 : memref<1x128x128xf32, #tpu.memory_space<vmem>> -> memref<128x128xf32, #tpu.memory_space<vmem>>
          %dma_wait3A_116 = arith.constant 0 : i32
          %dma_wait3A_117 = tpu.memref_slice %arg7[%mul3A_59, %dma_wait3A_116] : memref<16x128xi32, #tpu.memory_space<vmem>> -> memref<1x128xi32, #tpu.memory_space<vmem>>
          %dma_wait3A_118 = tpu.memref_squeeze %dma_wait3A_117 : memref<1x128xi32, #tpu.memory_space<vmem>> -> memref<128xi32, #tpu.memory_space<vmem>>
          %dma_wait3A_119 = arith.constant 0 : i32
          %dma_wait3A_120 = arith.constant 0 : i32
          %dma_wait3A_121 = tpu.memref_slice %arg10[%dma_wait3A_119, %dma_wait3A_120] : memref<10240x128xf32, #tpu.memory_space<vmem_shared>> -> memref<10240x128xf32, #tpu.memory_space<vmem_shared>>
          tpu.wait_indirect_dma semaphore(%run_scoped3A_101 : memref<!tpu.dma_semaphore, #tpu.memory_space<semaphore_mem>>) src(%dma_wait3A_115 : memref<128x128xf32, #tpu.memory_space<vmem>>) dst(%dma_wait3A_121 : memref<10240x128xf32, #tpu.memory_space<vmem_shared>>)
          tpu.yield
        }) : () -> ()
        %add3A_83 = arith.constant 1 : i32
        %add3A_84 = arith.addi %add3A_61, %add3A_83 : i32
        %lt3A = arith.constant 16 : i32
        %lt3A_85 = arith.cmpi slt, %add3A_84, %lt3A : i32
        %convert_element_type3A_86 = arith.extui %lt3A_85 : i1 to i32
        %cond3A_87 = arith.constant 0 : i32
        %cond3A_88 = arith.cmpi ne, %convert_element_type3A_86, %cond3A_87 : i32
        scf.if %cond3A_88 {
          %add3A_101 = arith.constant 1 : i32
          %add3A_102 = arith.addi %add3A_61, %add3A_101 : i32
          %dma_start3A_103 = arith.constant 0 : i32
          %dma_start3A_104 = arith.constant 0 : i32
          %dma_start3A_105 = arith.constant 0 : i32
          %dma_start3A_106 = tpu.memref_slice %arg8[%dma_start3A_103, %dma_start3A_104, %dma_start3A_105] : memref<2x128x128xf32, #tpu.memory_space<vmem>> -> memref<1x128x128xf32, #tpu.memory_space<vmem>>
          %dma_start3A_107 = tpu.memref_squeeze %dma_start3A_106 : memref<1x128x128xf32, #tpu.memory_space<vmem>> -> memref<128x128xf32, #tpu.memory_space<vmem>>
          %dma_start3A_108 = arith.constant 0 : i32
          %dma_start3A_109 = tpu.memref_slice %arg6[%add3A_102, %dma_start3A_108] : memref<16x128xi32, #tpu.memory_space<vmem>> -> memref<1x128xi32, #tpu.memory_space<vmem>>
          %dma_start3A_110 = tpu.memref_squeeze %dma_start3A_109 : memref<1x128xi32, #tpu.memory_space<vmem>> -> memref<128xi32, #tpu.memory_space<vmem>>
          %dma_start3A_111 = arith.constant 0 : i32
          %dma_start3A_112 = arith.constant 0 : i32
          %dma_start3A_113 = tpu.memref_slice %arg4[%dma_start3A_111, %dma_start3A_112] : memref<10240x128xf32, #tpu.memory_space<hbm>> -> memref<10240x128xf32, #tpu.memory_space<hbm>>
          tpu.enqueue_indirect_dma source(%dma_start3A_113 : memref<10240x128xf32, #tpu.memory_space<hbm>>) target(%dma_start3A_107 : memref<128x128xf32, #tpu.memory_space<vmem>>) offsets(%dma_start3A_110 : memref<128xi32, #tpu.memory_space<vmem>>) semaphore(%arg11 : memref<!tpu.dma_semaphore, #tpu.memory_space<semaphore_mem>>)
        } else {
        }
        %dma_wait3A_89 = arith.constant 1 : i32
        %dma_wait3A_90 = arith.constant 0 : i32
        %dma_wait3A_91 = arith.constant 0 : i32
        %dma_wait3A_92 = tpu.memref_slice %arg8[%dma_wait3A_89, %dma_wait3A_90, %dma_wait3A_91] : memref<2x128x128xf32, #tpu.memory_space<vmem>> -> memref<1x128x128xf32, #tpu.memory_space<vmem>>
        %dma_wait3A_93 = tpu.memref_squeeze %dma_wait3A_92 : memref<1x128x128xf32, #tpu.memory_space<vmem>> -> memref<128x128xf32, #tpu.memory_space<vmem>>
        %dma_wait3A_94 = arith.constant 0 : i32
        %dma_wait3A_95 = tpu.memref_slice %arg6[%add3A_61, %dma_wait3A_94] : memref<16x128xi32, #tpu.memory_space<vmem>> -> memref<1x128xi32, #tpu.memory_space<vmem>>
        %dma_wait3A_96 = tpu.memref_squeeze %dma_wait3A_95 : memref<1x128xi32, #tpu.memory_space<vmem>> -> memref<128xi32, #tpu.memory_space<vmem>>
        %dma_wait3A_97 = arith.constant 0 : i32
        %dma_wait3A_98 = arith.constant 0 : i32
        %dma_wait3A_99 = tpu.memref_slice %arg4[%dma_wait3A_97, %dma_wait3A_98] : memref<10240x128xf32, #tpu.memory_space<hbm>> -> memref<10240x128xf32, #tpu.memory_space<hbm>>
        tpu.wait_indirect_dma semaphore(%arg12 : memref<!tpu.dma_semaphore, #tpu.memory_space<semaphore_mem>>) src(%dma_wait3A_99 : memref<10240x128xf32, #tpu.memory_space<hbm>>) dst(%dma_wait3A_93 : memref<128x128xf32, #tpu.memory_space<vmem>>)
        %run_scoped3A_100 = arith.constant 1 : i32
        "tpu.region"() ({
          %run_scoped3A_101 = tpu.sem_alloc : memref<!tpu.dma_semaphore, #tpu.memory_space<semaphore_mem>>
          %dma_start3A_102 = arith.constant 0 : i32
          %dma_start3A_103 = arith.constant 0 : i32
          %dma_start3A_104 = tpu.memref_slice %arg8[%run_scoped3A_100, %dma_start3A_102, %dma_start3A_103] : memref<2x128x128xf32, #tpu.memory_space<vmem>> -> memref<1x128x128xf32, #tpu.memory_space<vmem>>
          %dma_start3A_105 = tpu.memref_squeeze %dma_start3A_104 : memref<1x128x128xf32, #tpu.memory_space<vmem>> -> memref<128x128xf32, #tpu.memory_space<vmem>>
          %dma_start3A_106 = arith.constant 0 : i32
          %dma_start3A_107 = tpu.memref_slice %arg7[%add3A_61, %dma_start3A_106] : memref<16x128xi32, #tpu.memory_space<vmem>> -> memref<1x128xi32, #tpu.memory_space<vmem>>
          %dma_start3A_108 = tpu.memref_squeeze %dma_start3A_107 : memref<1x128xi32, #tpu.memory_space<vmem>> -> memref<128xi32, #tpu.memory_space<vmem>>
          %dma_start3A_109 = arith.constant 0 : i32
          %dma_start3A_110 = arith.constant 0 : i32
          %dma_start3A_111 = tpu.memref_slice %arg10[%dma_start3A_109, %dma_start3A_110] : memref<10240x128xf32, #tpu.memory_space<vmem_shared>> -> memref<10240x128xf32, #tpu.memory_space<vmem_shared>>
          tpu.enqueue_indirect_dma source(%dma_start3A_105 : memref<128x128xf32, #tpu.memory_space<vmem>>) target(%dma_start3A_111 : memref<10240x128xf32, #tpu.memory_space<vmem_shared>>) offsets(%dma_start3A_108 : memref<128xi32, #tpu.memory_space<vmem>>) semaphore(%run_scoped3A_101 : memref<!tpu.dma_semaphore, #tpu.memory_space<semaphore_mem>>) {add = true}
          %dma_wait3A_112 = arith.constant 0 : i32
          %dma_wait3A_113 = arith.constant 0 : i32
          %dma_wait3A_114 = tpu.memref_slice %arg8[%run_scoped3A_100, %dma_wait3A_112, %dma_wait3A_113] : memref<2x128x128xf32, #tpu.memory_space<vmem>> -> memref<1x128x128xf32, #tpu.memory_space<vmem>>
          %dma_wait3A_115 = tpu.memref_squeeze %dma_wait3A_114 : memref<1x128x128xf32, #tpu.memory_space<vmem>> -> memref<128x128xf32, #tpu.memory_space<vmem>>
          %dma_wait3A_116 = arith.constant 0 : i32
          %dma_wait3A_117 = tpu.memref_slice %arg7[%add3A_61, %dma_wait3A_116] : memref<16x128xi32, #tpu.memory_space<vmem>> -> memref<1x128xi32, #tpu.memory_space<vmem>>
          %dma_wait3A_118 = tpu.memref_squeeze %dma_wait3A_117 : memref<1x128xi32, #tpu.memory_space<vmem>> -> memref<128xi32, #tpu.memory_space<vmem>>
          %dma_wait3A_119 = arith.constant 0 : i32
          %dma_wait3A_120 = arith.constant 0 : i32
          %dma_wait3A_121 = tpu.memref_slice %arg10[%dma_wait3A_119, %dma_wait3A_120] : memref<10240x128xf32, #tpu.memory_space<vmem_shared>> -> memref<10240x128xf32, #tpu.memory_space<vmem_shared>>
          tpu.wait_indirect_dma semaphore(%run_scoped3A_101 : memref<!tpu.dma_semaphore, #tpu.memory_space<semaphore_mem>>) src(%dma_wait3A_115 : memref<128x128xf32, #tpu.memory_space<vmem>>) dst(%dma_wait3A_121 : memref<10240x128xf32, #tpu.memory_space<vmem_shared>>)
          tpu.yield
        }) : () -> ()
      }
      %scan3A_56 = arith.constant 8 : i32
    }
    %while3A_28 = arith.constant 1 : i32
    scf.for %while3A_33 = %while3A_26 to %while3A_22 step %while3A_28  : i32 {
      %mul3A_34 = arith.constant 16 : i32
      %mul3A_35 = arith.muli %while3A_33, %mul3A_34 : i32
      %add3A_36 = arith.addi %select_n3A, %mul3A_35 : i32
      "tpu.region"() ({
        %run_scoped3A = tpu.sem_alloc : memref<!tpu.dma_semaphore, #tpu.memory_space<semaphore_mem>>
        %dma_start3A_57 = arith.constant 0 : i32
        %dma_start3A_58 = tpu.memref_slice %arg2[%add3A_36, %dma_start3A_57] : memref<2560x128xi32, #tpu.memory_space<hbm>> -> memref<16x128xi32, #tpu.memory_space<hbm>>
        %dma_start3A_59 = arith.constant 0 : i32
        %dma_start3A_60 = tpu.memref_slice %arg2[%add3A_36, %dma_start3A_59] : memref<2560x128xi32, #tpu.memory_space<hbm>> -> memref<16x128xi32, #tpu.memory_space<hbm>>
        tpu.enqueue_dma source(%dma_start3A_60 : memref<16x128xi32, #tpu.memory_space<hbm>>) target(%arg6 : memref<16x128xi32, #tpu.memory_space<vmem>>) target_semaphore(%run_scoped3A : memref<!tpu.dma_semaphore, #tpu.memory_space<semaphore_mem>>)
        %dma_wait3A = arith.constant 0 : i32
        %dma_wait3A_61 = tpu.memref_slice %arg2[%add3A_36, %dma_wait3A] : memref<2560x128xi32, #tpu.memory_space<hbm>> -> memref<16x128xi32, #tpu.memory_space<hbm>>
        %dma_wait3A_62 = arith.constant 0 : i32
        %dma_wait3A_63 = tpu.memref_slice %arg2[%add3A_36, %dma_wait3A_62] : memref<2560x128xi32, #tpu.memory_space<hbm>> -> memref<16x128xi32, #tpu.memory_space<hbm>>
        tpu.wait_dma2 semaphore(%run_scoped3A : memref<!tpu.dma_semaphore, #tpu.memory_space<semaphore_mem>>) src(%dma_wait3A_63 : memref<16x128xi32, #tpu.memory_space<hbm>>) dst(%arg6 : memref<16x128xi32, #tpu.memory_space<vmem>>)
        tpu.yield
      }) : () -> ()
      %mul3A_37 = arith.constant 16 : i32
      %mul3A_38 = arith.muli %while3A_33, %mul3A_37 : i32
      %add3A_39 = arith.addi %select_n3A, %mul3A_38 : i32
      "tpu.region"() ({
        %run_scoped3A = tpu.sem_alloc : memref<!tpu.dma_semaphore, #tpu.memory_space<semaphore_mem>>
        %dma_start3A_57 = arith.constant 0 : i32
        %dma_start3A_58 = tpu.memref_slice %arg3[%add3A_39, %dma_start3A_57] : memref<2560x128xi32, #tpu.memory_space<hbm>> -> memref<16x128xi32, #tpu.memory_space<hbm>>
        %dma_start3A_59 = arith.constant 0 : i32
        %dma_start3A_60 = tpu.memref_slice %arg3[%add3A_39, %dma_start3A_59] : memref<2560x128xi32, #tpu.memory_space<hbm>> -> memref<16x128xi32, #tpu.memory_space<hbm>>
        tpu.enqueue_dma source(%dma_start3A_60 : memref<16x128xi32, #tpu.memory_space<hbm>>) target(%arg7 : memref<16x128xi32, #tpu.memory_space<vmem>>) target_semaphore(%run_scoped3A : memref<!tpu.dma_semaphore, #tpu.memory_space<semaphore_mem>>)
        %dma_wait3A = arith.constant 0 : i32
        %dma_wait3A_61 = tpu.memref_slice %arg3[%add3A_39, %dma_wait3A] : memref<2560x128xi32, #tpu.memory_space<hbm>> -> memref<16x128xi32, #tpu.memory_space<hbm>>
        %dma_wait3A_62 = arith.constant 0 : i32
        %dma_wait3A_63 = tpu.memref_slice %arg3[%add3A_39, %dma_wait3A_62] : memref<2560x128xi32, #tpu.memory_space<hbm>> -> memref<16x128xi32, #tpu.memory_space<hbm>>
        tpu.wait_dma2 semaphore(%run_scoped3A : memref<!tpu.dma_semaphore, #tpu.memory_space<semaphore_mem>>) src(%dma_wait3A_63 : memref<16x128xi32, #tpu.memory_space<hbm>>) dst(%arg7 : memref<16x128xi32, #tpu.memory_space<vmem>>)
        tpu.yield
      }) : () -> ()
      %dma_start3A = arith.constant 0 : i32
      %dma_start3A_40 = arith.constant 0 : i32
      %dma_start3A_41 = arith.constant 0 : i32
      %dma_start3A_42 = arith.constant 0 : i32
      %dma_start3A_43 = tpu.memref_slice %arg8[%dma_start3A_40, %dma_start3A_41, %dma_start3A_42] : memref<2x128x128xf32, #tpu.memory_space<vmem>> -> memref<1x128x128xf32, #tpu.memory_space<vmem>>
      %dma_start3A_44 = tpu.memref_squeeze %dma_start3A_43 : memref<1x128x128xf32, #tpu.memory_space<vmem>> -> memref<128x128xf32, #tpu.memory_space<vmem>>
      %dma_start3A_45 = arith.constant 0 : i32
      %dma_start3A_46 = tpu.memref_slice %arg6[%dma_start3A, %dma_start3A_45] : memref<16x128xi32, #tpu.memory_space<vmem>> -> memref<1x128xi32, #tpu.memory_space<vmem>>
      %dma_start3A_47 = tpu.memref_squeeze %dma_start3A_46 : memref<1x128xi32, #tpu.memory_space<vmem>> -> memref<128xi32, #tpu.memory_space<vmem>>
      %dma_start3A_48 = arith.constant 0 : i32
      %dma_start3A_49 = arith.constant 0 : i32
      %dma_start3A_50 = tpu.memref_slice %arg4[%dma_start3A_48, %dma_start3A_49] : memref<10240x128xf32, #tpu.memory_space<hbm>> -> memref<10240x128xf32, #tpu.memory_space<hbm>>
      tpu.enqueue_indirect_dma source(%dma_start3A_50 : memref<10240x128xf32, #tpu.memory_space<hbm>>) target(%dma_start3A_44 : memref<128x128xf32, #tpu.memory_space<vmem>>) offsets(%dma_start3A_47 : memref<128xi32, #tpu.memory_space<vmem>>) semaphore(%arg11 : memref<!tpu.dma_semaphore, #tpu.memory_space<semaphore_mem>>)
      %scan3A_51 = arith.constant 0 : i32
      %scan3A_52 = arith.constant 0 : i32
      %scan3A_53 = arith.constant 8 : i32
      %scan3A_54 = arith.addi %scan3A_52, %scan3A_53 : i32
      %scan3A_55 = arith.constant 1 : i32
      scf.for %scan3A_57 = %scan3A_52 to %scan3A_54 step %scan3A_55  : i32 {
        %mul3A_58 = arith.constant 2 : i32
        %mul3A_59 = arith.muli %mul3A_58, %scan3A_57 : i32
        %add3A_60 = arith.constant 1 : i32
        %add3A_61 = arith.addi %mul3A_59, %add3A_60 : i32
        %dma_start3A_62 = arith.constant 1 : i32
        %dma_start3A_63 = arith.constant 0 : i32
        %dma_start3A_64 = arith.constant 0 : i32
        %dma_start3A_65 = tpu.memref_slice %arg8[%dma_start3A_62, %dma_start3A_63, %dma_start3A_64] : memref<2x128x128xf32, #tpu.memory_space<vmem>> -> memref<1x128x128xf32, #tpu.memory_space<vmem>>
        %dma_start3A_66 = tpu.memref_squeeze %dma_start3A_65 : memref<1x128x128xf32, #tpu.memory_space<vmem>> -> memref<128x128xf32, #tpu.memory_space<vmem>>
        %dma_start3A_67 = arith.constant 0 : i32
        %dma_start3A_68 = tpu.memref_slice %arg6[%add3A_61, %dma_start3A_67] : memref<16x128xi32, #tpu.memory_space<vmem>> -> memref<1x128xi32, #tpu.memory_space<vmem>>
        %dma_start3A_69 = tpu.memref_squeeze %dma_start3A_68 : memref<1x128xi32, #tpu.memory_space<vmem>> -> memref<128xi32, #tpu.memory_space<vmem>>
        %dma_start3A_70 = arith.constant 0 : i32
        %dma_start3A_71 = arith.constant 0 : i32
        %dma_start3A_72 = tpu.memref_slice %arg4[%dma_start3A_70, %dma_start3A_71] : memref<10240x128xf32, #tpu.memory_space<hbm>> -> memref<10240x128xf32, #tpu.memory_space<hbm>>
        tpu.enqueue_indirect_dma source(%dma_start3A_72 : memref<10240x128xf32, #tpu.memory_space<hbm>>) target(%dma_start3A_66 : memref<128x128xf32, #tpu.memory_space<vmem>>) offsets(%dma_start3A_69 : memref<128xi32, #tpu.memory_space<vmem>>) semaphore(%arg12 : memref<!tpu.dma_semaphore, #tpu.memory_space<semaphore_mem>>)
        %dma_wait3A = arith.constant 0 : i32
        %dma_wait3A_73 = arith.constant 0 : i32
        %dma_wait3A_74 = arith.constant 0 : i32
        %dma_wait3A_75 = tpu.memref_slice %arg8[%dma_wait3A, %dma_wait3A_73, %dma_wait3A_74] : memref<2x128x128xf32, #tpu.memory_space<vmem>> -> memref<1x128x128xf32, #tpu.memory_space<vmem>>
        %dma_wait3A_76 = tpu.memref_squeeze %dma_wait3A_75 : memref<1x128x128xf32, #tpu.memory_space<vmem>> -> memref<128x128xf32, #tpu.memory_space<vmem>>
        %dma_wait3A_77 = arith.constant 0 : i32
        %dma_wait3A_78 = tpu.memref_slice %arg6[%mul3A_59, %dma_wait3A_77] : memref<16x128xi32, #tpu.memory_space<vmem>> -> memref<1x128xi32, #tpu.memory_space<vmem>>
        %dma_wait3A_79 = tpu.memref_squeeze %dma_wait3A_78 : memref<1x128xi32, #tpu.memory_space<vmem>> -> memref<128xi32, #tpu.memory_space<vmem>>
        %dma_wait3A_80 = arith.constant 0 : i32
        %dma_wait3A_81 = arith.constant 0 : i32
        %dma_wait3A_82 = tpu.memref_slice %arg4[%dma_wait3A_80, %dma_wait3A_81] : memref<10240x128xf32, #tpu.memory_space<hbm>> -> memref<10240x128xf32, #tpu.memory_space<hbm>>
        tpu.wait_indirect_dma semaphore(%arg11 : memref<!tpu.dma_semaphore, #tpu.memory_space<semaphore_mem>>) src(%dma_wait3A_82 : memref<10240x128xf32, #tpu.memory_space<hbm>>) dst(%dma_wait3A_76 : memref<128x128xf32, #tpu.memory_space<vmem>>)
        %run_scoped3A = arith.constant 0 : i32
        "tpu.region"() ({
          %run_scoped3A_101 = tpu.sem_alloc : memref<!tpu.dma_semaphore, #tpu.memory_space<semaphore_mem>>
          %dma_start3A_102 = arith.constant 0 : i32
          %dma_start3A_103 = arith.constant 0 : i32
          %dma_start3A_104 = tpu.memref_slice %arg8[%run_scoped3A, %dma_start3A_102, %dma_start3A_103] : memref<2x128x128xf32, #tpu.memory_space<vmem>> -> memref<1x128x128xf32, #tpu.memory_space<vmem>>
          %dma_start3A_105 = tpu.memref_squeeze %dma_start3A_104 : memref<1x128x128xf32, #tpu.memory_space<vmem>> -> memref<128x128xf32, #tpu.memory_space<vmem>>
          %dma_start3A_106 = arith.constant 0 : i32
          %dma_start3A_107 = tpu.memref_slice %arg7[%mul3A_59, %dma_start3A_106] : memref<16x128xi32, #tpu.memory_space<vmem>> -> memref<1x128xi32, #tpu.memory_space<vmem>>
          %dma_start3A_108 = tpu.memref_squeeze %dma_start3A_107 : memref<1x128xi32, #tpu.memory_space<vmem>> -> memref<128xi32, #tpu.memory_space<vmem>>
          %dma_start3A_109 = arith.constant 0 : i32
          %dma_start3A_110 = arith.constant 0 : i32
          %dma_start3A_111 = tpu.memref_slice %arg10[%dma_start3A_109, %dma_start3A_110] : memref<10240x128xf32, #tpu.memory_space<vmem_shared>> -> memref<10240x128xf32, #tpu.memory_space<vmem_shared>>
          tpu.enqueue_indirect_dma source(%dma_start3A_105 : memref<128x128xf32, #tpu.memory_space<vmem>>) target(%dma_start3A_111 : memref<10240x128xf32, #tpu.memory_space<vmem_shared>>) offsets(%dma_start3A_108 : memref<128xi32, #tpu.memory_space<vmem>>) semaphore(%run_scoped3A_101 : memref<!tpu.dma_semaphore, #tpu.memory_space<semaphore_mem>>) {add = true}
          %dma_wait3A_112 = arith.constant 0 : i32
          %dma_wait3A_113 = arith.constant 0 : i32
          %dma_wait3A_114 = tpu.memref_slice %arg8[%run_scoped3A, %dma_wait3A_112, %dma_wait3A_113] : memref<2x128x128xf32, #tpu.memory_space<vmem>> -> memref<1x128x128xf32, #tpu.memory_space<vmem>>
          %dma_wait3A_115 = tpu.memref_squeeze %dma_wait3A_114 : memref<1x128x128xf32, #tpu.memory_space<vmem>> -> memref<128x128xf32, #tpu.memory_space<vmem>>
          %dma_wait3A_116 = arith.constant 0 : i32
          %dma_wait3A_117 = tpu.memref_slice %arg7[%mul3A_59, %dma_wait3A_116] : memref<16x128xi32, #tpu.memory_space<vmem>> -> memref<1x128xi32, #tpu.memory_space<vmem>>
          %dma_wait3A_118 = tpu.memref_squeeze %dma_wait3A_117 : memref<1x128xi32, #tpu.memory_space<vmem>> -> memref<128xi32, #tpu.memory_space<vmem>>
          %dma_wait3A_119 = arith.constant 0 : i32
          %dma_wait3A_120 = arith.constant 0 : i32
          %dma_wait3A_121 = tpu.memref_slice %arg10[%dma_wait3A_119, %dma_wait3A_120] : memref<10240x128xf32, #tpu.memory_space<vmem_shared>> -> memref<10240x128xf32, #tpu.memory_space<vmem_shared>>
          tpu.wait_indirect_dma semaphore(%run_scoped3A_101 : memref<!tpu.dma_semaphore, #tpu.memory_space<semaphore_mem>>) src(%dma_wait3A_115 : memref<128x128xf32, #tpu.memory_space<vmem>>) dst(%dma_wait3A_121 : memref<10240x128xf32, #tpu.memory_space<vmem_shared>>)
          tpu.yield
        }) : () -> ()
        %add3A_83 = arith.constant 1 : i32
        %add3A_84 = arith.addi %add3A_61, %add3A_83 : i32
        %lt3A = arith.constant 16 : i32
        %lt3A_85 = arith.cmpi slt, %add3A_84, %lt3A : i32
        %convert_element_type3A_86 = arith.extui %lt3A_85 : i1 to i32
        %cond3A_87 = arith.constant 0 : i32
        %cond3A_88 = arith.cmpi ne, %convert_element_type3A_86, %cond3A_87 : i32
        scf.if %cond3A_88 {
          %add3A_101 = arith.constant 1 : i32
          %add3A_102 = arith.addi %add3A_61, %add3A_101 : i32
          %dma_start3A_103 = arith.constant 0 : i32
          %dma_start3A_104 = arith.constant 0 : i32
          %dma_start3A_105 = arith.constant 0 : i32
          %dma_start3A_106 = tpu.memref_slice %arg8[%dma_start3A_103, %dma_start3A_104, %dma_start3A_105] : memref<2x128x128xf32, #tpu.memory_space<vmem>> -> memref<1x128x128xf32, #tpu.memory_space<vmem>>
          %dma_start3A_107 = tpu.memref_squeeze %dma_start3A_106 : memref<1x128x128xf32, #tpu.memory_space<vmem>> -> memref<128x128xf32, #tpu.memory_space<vmem>>
          %dma_start3A_108 = arith.constant 0 : i32
          %dma_start3A_109 = tpu.memref_slice %arg6[%add3A_102, %dma_start3A_108] : memref<16x128xi32, #tpu.memory_space<vmem>> -> memref<1x128xi32, #tpu.memory_space<vmem>>
          %dma_start3A_110 = tpu.memref_squeeze %dma_start3A_109 : memref<1x128xi32, #tpu.memory_space<vmem>> -> memref<128xi32, #tpu.memory_space<vmem>>
          %dma_start3A_111 = arith.constant 0 : i32
          %dma_start3A_112 = arith.constant 0 : i32
          %dma_start3A_113 = tpu.memref_slice %arg4[%dma_start3A_111, %dma_start3A_112] : memref<10240x128xf32, #tpu.memory_space<hbm>> -> memref<10240x128xf32, #tpu.memory_space<hbm>>
          tpu.enqueue_indirect_dma source(%dma_start3A_113 : memref<10240x128xf32, #tpu.memory_space<hbm>>) target(%dma_start3A_107 : memref<128x128xf32, #tpu.memory_space<vmem>>) offsets(%dma_start3A_110 : memref<128xi32, #tpu.memory_space<vmem>>) semaphore(%arg11 : memref<!tpu.dma_semaphore, #tpu.memory_space<semaphore_mem>>)
        } else {
        }
        %dma_wait3A_89 = arith.constant 1 : i32
        %dma_wait3A_90 = arith.constant 0 : i32
        %dma_wait3A_91 = arith.constant 0 : i32
        %dma_wait3A_92 = tpu.memref_slice %arg8[%dma_wait3A_89, %dma_wait3A_90, %dma_wait3A_91] : memref<2x128x128xf32, #tpu.memory_space<vmem>> -> memref<1x128x128xf32, #tpu.memory_space<vmem>>
        %dma_wait3A_93 = tpu.memref_squeeze %dma_wait3A_92 : memref<1x128x128xf32, #tpu.memory_space<vmem>> -> memref<128x128xf32, #tpu.memory_space<vmem>>
        %dma_wait3A_94 = arith.constant 0 : i32
        %dma_wait3A_95 = tpu.memref_slice %arg6[%add3A_61, %dma_wait3A_94] : memref<16x128xi32, #tpu.memory_space<vmem>> -> memref<1x128xi32, #tpu.memory_space<vmem>>
        %dma_wait3A_96 = tpu.memref_squeeze %dma_wait3A_95 : memref<1x128xi32, #tpu.memory_space<vmem>> -> memref<128xi32, #tpu.memory_space<vmem>>
        %dma_wait3A_97 = arith.constant 0 : i32
        %dma_wait3A_98 = arith.constant 0 : i32
        %dma_wait3A_99 = tpu.memref_slice %arg4[%dma_wait3A_97, %dma_wait3A_98] : memref<10240x128xf32, #tpu.memory_space<hbm>> -> memref<10240x128xf32, #tpu.memory_space<hbm>>
        tpu.wait_indirect_dma semaphore(%arg12 : memref<!tpu.dma_semaphore, #tpu.memory_space<semaphore_mem>>) src(%dma_wait3A_99 : memref<10240x128xf32, #tpu.memory_space<hbm>>) dst(%dma_wait3A_93 : memref<128x128xf32, #tpu.memory_space<vmem>>)
        %run_scoped3A_100 = arith.constant 1 : i32
        "tpu.region"() ({
          %run_scoped3A_101 = tpu.sem_alloc : memref<!tpu.dma_semaphore, #tpu.memory_space<semaphore_mem>>
          %dma_start3A_102 = arith.constant 0 : i32
          %dma_start3A_103 = arith.constant 0 : i32
          %dma_start3A_104 = tpu.memref_slice %arg8[%run_scoped3A_100, %dma_start3A_102, %dma_start3A_103] : memref<2x128x128xf32, #tpu.memory_space<vmem>> -> memref<1x128x128xf32, #tpu.memory_space<vmem>>
          %dma_start3A_105 = tpu.memref_squeeze %dma_start3A_104 : memref<1x128x128xf32, #tpu.memory_space<vmem>> -> memref<128x128xf32, #tpu.memory_space<vmem>>
          %dma_start3A_106 = arith.constant 0 : i32
          %dma_start3A_107 = tpu.memref_slice %arg7[%add3A_61, %dma_start3A_106] : memref<16x128xi32, #tpu.memory_space<vmem>> -> memref<1x128xi32, #tpu.memory_space<vmem>>
          %dma_start3A_108 = tpu.memref_squeeze %dma_start3A_107 : memref<1x128xi32, #tpu.memory_space<vmem>> -> memref<128xi32, #tpu.memory_space<vmem>>
          %dma_start3A_109 = arith.constant 0 : i32
          %dma_start3A_110 = arith.constant 0 : i32
          %dma_start3A_111 = tpu.memref_slice %arg10[%dma_start3A_109, %dma_start3A_110] : memref<10240x128xf32, #tpu.memory_space<vmem_shared>> -> memref<10240x128xf32, #tpu.memory_space<vmem_shared>>
          tpu.enqueue_indirect_dma source(%dma_start3A_105 : memref<128x128xf32, #tpu.memory_space<vmem>>) target(%dma_start3A_111 : memref<10240x128xf32, #tpu.memory_space<vmem_shared>>) offsets(%dma_start3A_108 : memref<128xi32, #tpu.memory_space<vmem>>) semaphore(%run_scoped3A_101 : memref<!tpu.dma_semaphore, #tpu.memory_space<semaphore_mem>>) {add = true}
          %dma_wait3A_112 = arith.constant 0 : i32
          %dma_wait3A_113 = arith.constant 0 : i32
          %dma_wait3A_114 = tpu.memref_slice %arg8[%run_scoped3A_100, %dma_wait3A_112, %dma_wait3A_113] : memref<2x128x128xf32, #tpu.memory_space<vmem>> -> memref<1x128x128xf32, #tpu.memory_space<vmem>>
          %dma_wait3A_115 = tpu.memref_squeeze %dma_wait3A_114 : memref<1x128x128xf32, #tpu.memory_space<vmem>> -> memref<128x128xf32, #tpu.memory_space<vmem>>
          %dma_wait3A_116 = arith.constant 0 : i32
          %dma_wait3A_117 = tpu.memref_slice %arg7[%add3A_61, %dma_wait3A_116] : memref<16x128xi32, #tpu.memory_space<vmem>> -> memref<1x128xi32, #tpu.memory_space<vmem>>
          %dma_wait3A_118 = tpu.memref_squeeze %dma_wait3A_117 : memref<1x128xi32, #tpu.memory_space<vmem>> -> memref<128xi32, #tpu.memory_space<vmem>>
          %dma_wait3A_119 = arith.constant 0 : i32
          %dma_wait3A_120 = arith.constant 0 : i32
          %dma_wait3A_121 = tpu.memref_slice %arg10[%dma_wait3A_119, %dma_wait3A_120] : memref<10240x128xf32, #tpu.memory_space<vmem_shared>> -> memref<10240x128xf32, #tpu.memory_space<vmem_shared>>
          tpu.wait_indirect_dma semaphore(%run_scoped3A_101 : memref<!tpu.dma_semaphore, #tpu.memory_space<semaphore_mem>>) src(%dma_wait3A_115 : memref<128x128xf32, #tpu.memory_space<vmem>>) dst(%dma_wait3A_121 : memref<10240x128xf32, #tpu.memory_space<vmem_shared>>)
          tpu.yield
        }) : () -> ()
      }
      %scan3A_56 = arith.constant 8 : i32
    }
    %barrier3A_29 = arith.constant 0 : index
    tpu.barrier barrier_id(%barrier3A_29)
    %eq3A_30 = arith.constant 0 : i32
    %eq3A_31 = arith.cmpi eq, %arg0, %eq3A_30 : i32
    %convert_element_type3A = arith.extui %eq3A_31 : i1 to i32
    %cond3A = arith.constant 0 : i32
    %cond3A_32 = arith.cmpi ne, %convert_element_type3A, %cond3A : i32
    scf.if %cond3A_32 {
      %mul3A_33 = arith.constant 640 : i32
      %mul3A_34 = arith.muli %arg1, %mul3A_33 : i32
      %mul3A_35 = arith.constant 640 : i32
      %mul3A_36 = arith.muli %arg1, %mul3A_35 : i32
      "tpu.region"() ({
        %run_scoped3A = tpu.sem_alloc : memref<!tpu.dma_semaphore, #tpu.memory_space<semaphore_mem>>
        %dma_start3A = arith.constant 0 : i32
        %dma_start3A_37 = tpu.memref_slice %arg5[%arg0, %mul3A_36, %dma_start3A] : memref<2x10240x128xf32, #tpu.memory_space<hbm>> -> memref<1x640x128xf32, #tpu.memory_space<hbm>>
        %dma_start3A_38 = tpu.memref_squeeze %dma_start3A_37 : memref<1x640x128xf32, #tpu.memory_space<hbm>> -> memref<640x128xf32, #tpu.memory_space<hbm>>
        %dma_start3A_39 = arith.constant 0 : i32
        %dma_start3A_40 = tpu.memref_slice %arg10[%mul3A_34, %dma_start3A_39] : memref<10240x128xf32, #tpu.memory_space<vmem_shared>> -> memref<640x128xf32, #tpu.memory_space<vmem_shared>>
        tpu.enqueue_dma source(%dma_start3A_40 : memref<640x128xf32, #tpu.memory_space<vmem_shared>>) target(%dma_start3A_38 : memref<640x128xf32, #tpu.memory_space<hbm>>) target_semaphore(%run_scoped3A : memref<!tpu.dma_semaphore, #tpu.memory_space<semaphore_mem>>)
        %dma_wait3A = arith.constant 0 : i32
        %dma_wait3A_41 = tpu.memref_slice %arg5[%arg0, %mul3A_36, %dma_wait3A] : memref<2x10240x128xf32, #tpu.memory_space<hbm>> -> memref<1x640x128xf32, #tpu.memory_space<hbm>>
        %dma_wait3A_42 = tpu.memref_squeeze %dma_wait3A_41 : memref<1x640x128xf32, #tpu.memory_space<hbm>> -> memref<640x128xf32, #tpu.memory_space<hbm>>
        %dma_wait3A_43 = arith.constant 0 : i32
        %dma_wait3A_44 = tpu.memref_slice %arg10[%mul3A_34, %dma_wait3A_43] : memref<10240x128xf32, #tpu.memory_space<vmem_shared>> -> memref<640x128xf32, #tpu.memory_space<vmem_shared>>
        tpu.wait_dma2 semaphore(%run_scoped3A : memref<!tpu.dma_semaphore, #tpu.memory_space<semaphore_mem>>) src(%dma_wait3A_44 : memref<640x128xf32, #tpu.memory_space<vmem_shared>>) dst(%dma_wait3A_42 : memref<640x128xf32, #tpu.memory_space<hbm>>)
        tpu.yield
      }) : () -> ()
    } else {
    }
    return
  }
}

module attributes {stable_mosaic.version = 14 : i64} {
  func.func @_t1_body(%arg0: memref<10240x32xf32, #tpu.memory_space<vmem>>, %arg1: memref<10000x128xf32, #tpu.memory_space<vmem>>, %arg2: memref<128x128xf32, #tpu.memory_space<vmem>>, %arg3: memref<10240x128xf32, #tpu.memory_space<vmem>>, %arg4: memref<10240x1xf32, #tpu.memory_space<vmem>>) attributes {dimension_semantics = [], scalar_prefetch = 0 : i64, scratch_operands = 0 : i64, tpu.core_type = #tpu.core_type<tc>} {
    %get3A = arith.constant 0 : index
    %get3A_0 = arith.constant 0 : index
    %get3A_1 = vector.load %arg0[%get3A, %get3A_0] : memref<10240x32xf32, #tpu.memory_space<vmem>>, vector<10240x32xf32>
    %reduce_sum3A = arith.constant dense<0.000000e+00> : vector<10240xf32>
    %reduce_sum3A_2 = vector.multi_reduction <add>, %get3A_1, %reduce_sum3A [1] : vector<10240x32xf32> to vector<10240xf32>
    %broadcast_in_dim3A = vector.shape_cast %reduce_sum3A_2 : vector<10240xf32> to vector<10240x1xf32>
    %add3A = arith.constant 1.000000e+00 : f32
    %add3A_3 = vector.broadcast %add3A : f32 to vector<10240x1xf32>
    %add3A_4 = arith.addf %broadcast_in_dim3A, %add3A_3 : vector<10240x1xf32>
    %rsqrt3A = math.rsqrt %add3A_4 : vector<10240x1xf32>
    %swap3A = arith.constant 0 : index
    %swap3A_5 = arith.constant 0 : index
    %swap3A_6 = vector.load %arg4[%swap3A, %swap3A_5] : memref<10240x1xf32, #tpu.memory_space<vmem>>, vector<10240x1xf32>
    tpu.vector_store %arg4[%swap3A, %swap3A_5], %rsqrt3A {strides = array<i32>} : memref<10240x1xf32, #tpu.memory_space<vmem>>, vector<10240x1xf32>,
    %get3A_7 = arith.constant 0 : index
    %get3A_8 = arith.constant 0 : index
    %get3A_9 = vector.load %arg1[%get3A_7, %get3A_8] : memref<10000x128xf32, #tpu.memory_space<vmem>>, vector<10000x128xf32>
    %get3A_10 = arith.constant 0 : index
    %get3A_11 = arith.constant 0 : index
    %get3A_12 = vector.load %arg2[%get3A_10, %get3A_11] : memref<128x128xf32, #tpu.memory_space<vmem>>, vector<128x128xf32>
    %dot_general3A = arith.constant dense<0.000000e+00> : vector<10000x128xf32>
    %dot_general3A_13 = tpu.matmul %get3A_9, %get3A_12, %dot_general3A {dimension_numbers = #tpu.dot_dimension_numbers<[1], [0], [0], [1], [0, 0, 1, 1], [], []>, transpose_lhs_hint = false} : vector<10000x128xf32>, vector<128x128xf32>, vector<10000x128xf32> -> vector<10000x128xf32>
    %slice3A = vector.extract_strided_slice %rsqrt3A {offsets = [0, 0], sizes = [10000, 1], strides = [1, 1]} : vector<10240x1xf32> to vector<10000x1xf32>
    %mul3A = vector.broadcast %slice3A : vector<10000x1xf32> to vector<10000x128xf32>
    %mul3A_14 = arith.mulf %dot_general3A_13, %mul3A : vector<10000x128xf32>
    %swap3A_15 = arith.constant 0 : index
    %swap3A_16 = arith.constant 0 : index
    %swap3A_17 = vector.load %arg3[%swap3A_15, %swap3A_16] : memref<10240x128xf32, #tpu.memory_space<vmem>>, vector<10000x128xf32>
    tpu.vector_store %arg3[%swap3A_15, %swap3A_16], %mul3A_14 {strides = array<i32>} : memref<10240x128xf32, #tpu.memory_space<vmem>>, vector<10000x128xf32>,
    %broadcast_in_dim3A_18 = arith.constant 0.000000e+00 : f32
    %broadcast_in_dim3A_19 = vector.broadcast %broadcast_in_dim3A_18 : f32 to vector<240x128xf32>
    %swap3A_20 = arith.constant 10000 : index
    %swap3A_21 = arith.constant 0 : index
    %swap3A_22 = vector.load %arg3[%swap3A_20, %swap3A_21] : memref<10240x128xf32, #tpu.memory_space<vmem>>, vector<240x128xf32>
    tpu.vector_store %arg3[%swap3A_20, %swap3A_21], %broadcast_in_dim3A_19 {strides = array<i32>} : memref<10240x128xf32, #tpu.memory_space<vmem>>, vector<240x128xf32>,
    return
  }
}

module attributes {stable_mosaic.version = 14 : i64} {
  func.func @_t2_body(%arg0: memref<2x10240x128xf32, #tpu.memory_space<vmem>>, %arg1: memref<10240x128xf32, #tpu.memory_space<vmem>>, %arg2: memref<10240x1xf32, #tpu.memory_space<vmem>>, %arg3: memref<1x128xf32, #tpu.memory_space<vmem>>, %arg4: memref<1x128xf32, #tpu.memory_space<vmem>>, %arg5: memref<1x128xf32, #tpu.memory_space<vmem>>, %arg6: memref<128x128xf32, #tpu.memory_space<vmem>>, %arg7: memref<10240x128xf32, #tpu.memory_space<vmem>>) attributes {dimension_semantics = [], scalar_prefetch = 0 : i64, scratch_operands = 0 : i64, tpu.core_type = #tpu.core_type<tc>} {
    %get3A = arith.constant 0 : index
    %get3A_0 = arith.constant 0 : index
    %get3A_1 = vector.load %arg2[%get3A, %get3A_0] : memref<10240x1xf32, #tpu.memory_space<vmem>>, vector<10000x1xf32>
    %get3A_2 = arith.constant 0 : index
    %get3A_3 = arith.constant 0 : index
    %get3A_4 = arith.constant 0 : index
    %get3A_5 = vector.load %arg0[%get3A_2, %get3A_3, %get3A_4] : memref<2x10240x128xf32, #tpu.memory_space<vmem>>, vector<1x10000x128xf32>
    %get3A_6 = vector.shape_cast %get3A_5 : vector<1x10000x128xf32> to vector<10000x128xf32>
    %get3A_7 = arith.constant 1 : index
    %get3A_8 = arith.constant 0 : index
    %get3A_9 = arith.constant 0 : index
    %get3A_10 = vector.load %arg0[%get3A_7, %get3A_8, %get3A_9] : memref<2x10240x128xf32, #tpu.memory_space<vmem>>, vector<1x10000x128xf32>
    %get3A_11 = vector.shape_cast %get3A_10 : vector<1x10000x128xf32> to vector<10000x128xf32>
    %add3A = arith.addf %get3A_6, %get3A_11 : vector<10000x128xf32>
    %get3A_12 = arith.constant 0 : index
    %get3A_13 = arith.constant 0 : index
    %get3A_14 = vector.load %arg1[%get3A_12, %get3A_13] : memref<10240x128xf32, #tpu.memory_space<vmem>>, vector<10000x128xf32>
    %add3A_15 = arith.addf %add3A, %get3A_14 : vector<10000x128xf32>
    %mul3A = vector.broadcast %get3A_1 : vector<10000x1xf32> to vector<10000x128xf32>
    %mul3A_16 = arith.mulf %add3A_15, %mul3A : vector<10000x128xf32>
    %get3A_17 = arith.constant 0 : index
    %get3A_18 = arith.constant 0 : index
    %get3A_19 = vector.load %arg3[%get3A_17, %get3A_18] : memref<1x128xf32, #tpu.memory_space<vmem>>, vector<1x128xf32>
    %add3A_20 = vector.broadcast %get3A_19 : vector<1x128xf32> to vector<10000x128xf32>
    %add3A_21 = arith.addf %mul3A_16, %add3A_20 : vector<10000x128xf32>
    %reduce_sum3A = arith.constant dense<0.000000e+00> : vector<128xf32>
    %reduce_sum3A_22 = vector.multi_reduction <add>, %add3A_21, %reduce_sum3A [0] : vector<10000x128xf32> to vector<128xf32>
    %broadcast_in_dim3A = vector.shape_cast %reduce_sum3A_22 : vector<128xf32> to vector<1x128xf32>
    %div3A = arith.constant 1.000000e+04 : f32
    %div3A_23 = vector.broadcast %div3A : f32 to vector<1x128xf32>
    %div3A_24 = arith.divf %broadcast_in_dim3A, %div3A_23 : vector<1x128xf32>
    %sub3A = vector.broadcast %div3A_24 : vector<1x128xf32> to vector<10000x128xf32>
    %sub3A_25 = arith.subf %add3A_21, %sub3A : vector<10000x128xf32>
    %mul3A_26 = arith.mulf %sub3A_25, %sub3A_25 : vector<10000x128xf32>
    %reduce_sum3A_27 = arith.constant dense<0.000000e+00> : vector<128xf32>
    %reduce_sum3A_28 = vector.multi_reduction <add>, %mul3A_26, %reduce_sum3A_27 [0] : vector<10000x128xf32> to vector<128xf32>
    %broadcast_in_dim3A_29 = vector.shape_cast %reduce_sum3A_28 : vector<128xf32> to vector<1x128xf32>
    %div3A_30 = arith.constant 1.000000e+04 : f32
    %div3A_31 = vector.broadcast %div3A_30 : f32 to vector<1x128xf32>
    %div3A_32 = arith.divf %broadcast_in_dim3A_29, %div3A_31 : vector<1x128xf32>
    %add3A_33 = arith.constant 9.99999974E-6 : f32
    %add3A_34 = vector.broadcast %add3A_33 : f32 to vector<1x128xf32>
    %add3A_35 = arith.addf %div3A_32, %add3A_34 : vector<1x128xf32>
    %rsqrt3A = math.rsqrt %add3A_35 : vector<1x128xf32>
    %mul3A_36 = vector.broadcast %rsqrt3A : vector<1x128xf32> to vector<10000x128xf32>
    %mul3A_37 = arith.mulf %sub3A_25, %mul3A_36 : vector<10000x128xf32>
    %get3A_38 = arith.constant 0 : index
    %get3A_39 = arith.constant 0 : index
    %get3A_40 = vector.load %arg4[%get3A_38, %get3A_39] : memref<1x128xf32, #tpu.memory_space<vmem>>, vector<1x128xf32>
    %mul3A_41 = vector.broadcast %get3A_40 : vector<1x128xf32> to vector<10000x128xf32>
    %mul3A_42 = arith.mulf %mul3A_37, %mul3A_41 : vector<10000x128xf32>
    %get3A_43 = arith.constant 0 : index
    %get3A_44 = arith.constant 0 : index
    %get3A_45 = vector.load %arg5[%get3A_43, %get3A_44] : memref<1x128xf32, #tpu.memory_space<vmem>>, vector<1x128xf32>
    %add3A_46 = vector.broadcast %get3A_45 : vector<1x128xf32> to vector<10000x128xf32>
    %add3A_47 = arith.addf %mul3A_42, %add3A_46 : vector<10000x128xf32>
    %max3A = arith.constant 0.000000e+00 : f32
    %max3A_48 = vector.broadcast %max3A : f32 to vector<10000x128xf32>
    %max3A_49 = arith.maximumf %add3A_47, %max3A_48 : vector<10000x128xf32>
    %get3A_50 = arith.constant 0 : index
    %get3A_51 = arith.constant 0 : index
    %get3A_52 = vector.load %arg6[%get3A_50, %get3A_51] : memref<128x128xf32, #tpu.memory_space<vmem>>, vector<128x128xf32>
    %dot_general3A = arith.constant dense<0.000000e+00> : vector<10000x128xf32>
    %dot_general3A_53 = tpu.matmul %max3A_49, %get3A_52, %dot_general3A {dimension_numbers = #tpu.dot_dimension_numbers<[1], [0], [0], [1], [0, 0, 1, 1], [], []>, transpose_lhs_hint = false} : vector<10000x128xf32>, vector<128x128xf32>, vector<10000x128xf32> -> vector<10000x128xf32>
    %mul3A_54 = vector.broadcast %get3A_1 : vector<10000x1xf32> to vector<10000x128xf32>
    %mul3A_55 = arith.mulf %dot_general3A_53, %mul3A_54 : vector<10000x128xf32>
    %swap3A = arith.constant 0 : index
    %swap3A_56 = arith.constant 0 : index
    %swap3A_57 = vector.load %arg7[%swap3A, %swap3A_56] : memref<10240x128xf32, #tpu.memory_space<vmem>>, vector<10000x128xf32>
    tpu.vector_store %arg7[%swap3A, %swap3A_56], %mul3A_55 {strides = array<i32>} : memref<10240x128xf32, #tpu.memory_space<vmem>>, vector<10000x128xf32>,
    %broadcast_in_dim3A_58 = arith.constant 0.000000e+00 : f32
    %broadcast_in_dim3A_59 = vector.broadcast %broadcast_in_dim3A_58 : f32 to vector<240x128xf32>
    %swap3A_60 = arith.constant 10000 : index
    %swap3A_61 = arith.constant 0 : index
    %swap3A_62 = vector.load %arg7[%swap3A_60, %swap3A_61] : memref<10240x128xf32, #tpu.memory_space<vmem>>, vector<240x128xf32>
    tpu.vector_store %arg7[%swap3A_60, %swap3A_61], %broadcast_in_dim3A_59 {strides = array<i32>} : memref<10240x128xf32, #tpu.memory_space<vmem>>, vector<240x128xf32>,
    return
  }
}

module attributes {stable_mosaic.version = 14 : i64} {
  func.func @_t3_body(%arg0: memref<2x10240x128xf32, #tpu.memory_space<vmem>>, %arg1: memref<10240x128xf32, #tpu.memory_space<vmem>>, %arg2: memref<10240x1xf32, #tpu.memory_space<vmem>>, %arg3: memref<10240x32xf32, #tpu.memory_space<vmem>>, %arg4: memref<1x128xf32, #tpu.memory_space<vmem>>, %arg5: memref<1x128xf32, #tpu.memory_space<vmem>>, %arg6: memref<1x128xf32, #tpu.memory_space<vmem>>, %arg7: memref<128x128xf32, #tpu.memory_space<vmem>>, %arg8: memref<1x128xf32, #tpu.memory_space<vmem>>, %arg9: memref<1x128xf32, #tpu.memory_space<vmem>>) attributes {dimension_semantics = [], scalar_prefetch = 0 : i64, scratch_operands = 0 : i64, tpu.core_type = #tpu.core_type<tc>} {
    %get3A = arith.constant 0 : index
    %get3A_0 = arith.constant 0 : index
    %get3A_1 = vector.load %arg2[%get3A, %get3A_0] : memref<10240x1xf32, #tpu.memory_space<vmem>>, vector<10000x1xf32>
    %get3A_2 = arith.constant 0 : index
    %get3A_3 = arith.constant 0 : index
    %get3A_4 = arith.constant 0 : index
    %get3A_5 = vector.load %arg0[%get3A_2, %get3A_3, %get3A_4] : memref<2x10240x128xf32, #tpu.memory_space<vmem>>, vector<1x10000x128xf32>
    %get3A_6 = vector.shape_cast %get3A_5 : vector<1x10000x128xf32> to vector<10000x128xf32>
    %get3A_7 = arith.constant 1 : index
    %get3A_8 = arith.constant 0 : index
    %get3A_9 = arith.constant 0 : index
    %get3A_10 = vector.load %arg0[%get3A_7, %get3A_8, %get3A_9] : memref<2x10240x128xf32, #tpu.memory_space<vmem>>, vector<1x10000x128xf32>
    %get3A_11 = vector.shape_cast %get3A_10 : vector<1x10000x128xf32> to vector<10000x128xf32>
    %add3A = arith.addf %get3A_6, %get3A_11 : vector<10000x128xf32>
    %get3A_12 = arith.constant 0 : index
    %get3A_13 = arith.constant 0 : index
    %get3A_14 = vector.load %arg1[%get3A_12, %get3A_13] : memref<10240x128xf32, #tpu.memory_space<vmem>>, vector<10000x128xf32>
    %add3A_15 = arith.addf %add3A, %get3A_14 : vector<10000x128xf32>
    %mul3A = vector.broadcast %get3A_1 : vector<10000x1xf32> to vector<10000x128xf32>
    %mul3A_16 = arith.mulf %add3A_15, %mul3A : vector<10000x128xf32>
    %get3A_17 = arith.constant 0 : index
    %get3A_18 = arith.constant 0 : index
    %get3A_19 = vector.load %arg4[%get3A_17, %get3A_18] : memref<1x128xf32, #tpu.memory_space<vmem>>, vector<1x128xf32>
    %add3A_20 = vector.broadcast %get3A_19 : vector<1x128xf32> to vector<10000x128xf32>
    %add3A_21 = arith.addf %mul3A_16, %add3A_20 : vector<10000x128xf32>
    %reduce_sum3A = arith.constant dense<0.000000e+00> : vector<128xf32>
    %reduce_sum3A_22 = vector.multi_reduction <add>, %add3A_21, %reduce_sum3A [0] : vector<10000x128xf32> to vector<128xf32>
    %broadcast_in_dim3A = vector.shape_cast %reduce_sum3A_22 : vector<128xf32> to vector<1x128xf32>
    %div3A = arith.constant 1.000000e+04 : f32
    %div3A_23 = vector.broadcast %div3A : f32 to vector<1x128xf32>
    %div3A_24 = arith.divf %broadcast_in_dim3A, %div3A_23 : vector<1x128xf32>
    %sub3A = vector.broadcast %div3A_24 : vector<1x128xf32> to vector<10000x128xf32>
    %sub3A_25 = arith.subf %add3A_21, %sub3A : vector<10000x128xf32>
    %mul3A_26 = arith.mulf %sub3A_25, %sub3A_25 : vector<10000x128xf32>
    %reduce_sum3A_27 = arith.constant dense<0.000000e+00> : vector<128xf32>
    %reduce_sum3A_28 = vector.multi_reduction <add>, %mul3A_26, %reduce_sum3A_27 [0] : vector<10000x128xf32> to vector<128xf32>
    %broadcast_in_dim3A_29 = vector.shape_cast %reduce_sum3A_28 : vector<128xf32> to vector<1x128xf32>
    %div3A_30 = arith.constant 1.000000e+04 : f32
    %div3A_31 = vector.broadcast %div3A_30 : f32 to vector<1x128xf32>
    %div3A_32 = arith.divf %broadcast_in_dim3A_29, %div3A_31 : vector<1x128xf32>
    %add3A_33 = arith.constant 9.99999974E-6 : f32
    %add3A_34 = vector.broadcast %add3A_33 : f32 to vector<1x128xf32>
    %add3A_35 = arith.addf %div3A_32, %add3A_34 : vector<1x128xf32>
    %rsqrt3A = math.rsqrt %add3A_35 : vector<1x128xf32>
    %mul3A_36 = vector.broadcast %rsqrt3A : vector<1x128xf32> to vector<10000x128xf32>
    %mul3A_37 = arith.mulf %sub3A_25, %mul3A_36 : vector<10000x128xf32>
    %get3A_38 = arith.constant 0 : index
    %get3A_39 = arith.constant 0 : index
    %get3A_40 = vector.load %arg5[%get3A_38, %get3A_39] : memref<1x128xf32, #tpu.memory_space<vmem>>, vector<1x128xf32>
    %mul3A_41 = vector.broadcast %get3A_40 : vector<1x128xf32> to vector<10000x128xf32>
    %mul3A_42 = arith.mulf %mul3A_37, %mul3A_41 : vector<10000x128xf32>
    %get3A_43 = arith.constant 0 : index
    %get3A_44 = arith.constant 0 : index
    %get3A_45 = vector.load %arg6[%get3A_43, %get3A_44] : memref<1x128xf32, #tpu.memory_space<vmem>>, vector<1x128xf32>
    %add3A_46 = vector.broadcast %get3A_45 : vector<1x128xf32> to vector<10000x128xf32>
    %add3A_47 = arith.addf %mul3A_42, %add3A_46 : vector<10000x128xf32>
    %max3A = arith.constant 0.000000e+00 : f32
    %max3A_48 = vector.broadcast %max3A : f32 to vector<10000x128xf32>
    %max3A_49 = arith.maximumf %add3A_47, %max3A_48 : vector<10000x128xf32>
    %get3A_50 = arith.constant 0 : index
    %get3A_51 = arith.constant 0 : index
    %get3A_52 = vector.load %arg3[%get3A_50, %get3A_51] : memref<10240x32xf32, #tpu.memory_space<vmem>>, vector<10240x32xf32>
    %reduce_sum3A_53 = arith.constant dense<0.000000e+00> : vector<10240xf32>
    %reduce_sum3A_54 = vector.multi_reduction <add>, %get3A_52, %reduce_sum3A_53 [1] : vector<10240x32xf32> to vector<10240xf32>
    %broadcast_in_dim3A_55 = vector.shape_cast %reduce_sum3A_54 : vector<10240xf32> to vector<10240x1xf32>
    %slice3A = vector.extract_strided_slice %broadcast_in_dim3A_55 {offsets = [0, 0], sizes = [10000, 1], strides = [1, 1]} : vector<10240x1xf32> to vector<10000x1xf32>
    %add3A_56 = arith.addf %slice3A, %get3A_1 : vector<10000x1xf32>
    %mul3A_57 = arith.mulf %get3A_1, %add3A_56 : vector<10000x1xf32>
    %mul3A_58 = vector.broadcast %mul3A_57 : vector<10000x1xf32> to vector<10000x128xf32>
    %mul3A_59 = arith.mulf %max3A_49, %mul3A_58 : vector<10000x128xf32>
    %reduce_sum3A_60 = arith.constant dense<0.000000e+00> : vector<128xf32>
    %reduce_sum3A_61 = vector.multi_reduction <add>, %mul3A_59, %reduce_sum3A_60 [0] : vector<10000x128xf32> to vector<128xf32>
    %broadcast_in_dim3A_62 = vector.shape_cast %reduce_sum3A_61 : vector<128xf32> to vector<1x128xf32>
    %get3A_63 = arith.constant 0 : index
    %get3A_64 = arith.constant 0 : index
    %get3A_65 = vector.load %arg7[%get3A_63, %get3A_64] : memref<128x128xf32, #tpu.memory_space<vmem>>, vector<128x128xf32>
    %dot_general3A = arith.constant dense<0.000000e+00> : vector<1x128xf32>
    %dot_general3A_66 = tpu.matmul %broadcast_in_dim3A_62, %get3A_65, %dot_general3A {dimension_numbers = #tpu.dot_dimension_numbers<[1], [0], [0], [1], [0, 0, 1, 1], [], []>, transpose_lhs_hint = false} : vector<1x128xf32>, vector<128x128xf32>, vector<1x128xf32> -> vector<1x128xf32>
    %mul3A_67 = arith.constant 9.99999974E-5 : f32
    %mul3A_68 = vector.broadcast %mul3A_67 : f32 to vector<1x128xf32>
    %mul3A_69 = arith.mulf %dot_general3A_66, %mul3A_68 : vector<1x128xf32>
    %get3A_70 = arith.constant 0 : index
    %get3A_71 = arith.constant 0 : index
    %get3A_72 = vector.load %arg8[%get3A_70, %get3A_71] : memref<1x128xf32, #tpu.memory_space<vmem>>, vector<1x128xf32>
    %add3A_73 = arith.addf %mul3A_69, %get3A_72 : vector<1x128xf32>
    %swap3A = arith.constant 0 : index
    %swap3A_74 = arith.constant 0 : index
    %swap3A_75 = vector.load %arg9[%swap3A, %swap3A_74] : memref<1x128xf32, #tpu.memory_space<vmem>>, vector<1x128xf32>
    tpu.vector_store %arg9[%swap3A, %swap3A_74], %add3A_73 {strides = array<i32>} : memref<1x128xf32, #tpu.memory_space<vmem>>, vector<1x128xf32>,
    return
  }
}

</mosaic_0001>

<sc_bundles>
// kernel: kernel.12.cloned.1.call-start
scs
__scs_entry_jumppad:
0x0: {  	(pc) =	sbr.rel $0x88, $3  }
0x1: {  	(tag) =	ssettag $0x0;
	lr =	simm.s32 $0x1  }
0x2: {  	[smem:$0x3F95] =	sst lr;
	_ =	strace $0xD0000000  }
0x3: {  	_ = 	snop  }
0x4: {  	_ = 	snop  }
0x5: {  	_ = 	snop  }
0x6: {  	_ = 	snop  }
0x7: {  	_ = 	snop  }
__scs_overlays_trampoline_lowered:
0x8: {  	[smem:$0x3FA4] =	sst s0  }
0x9: {  	[smem:$0x3FA5] =	sst s1  }
0xa: {  	[smem:$0x3FA6] =	sst s2  }
0xb: {  	[smem:$0x3FA7] =	sst s3  }
0xc: {  	[smem:$0x3FA8] =	sst s4  }
0xd: {  	[smem:$0x3FA9] =	sst s5  }
0xe: {  	[smem:$0x3FAA] =	sst s6  }
0xf: {  	[smem:$0x3FAB] =	sst s7  }
0x10: {  	[smem:$0x3FAC] =	sst s8  }
0x11: {  	[smem:$0x3FAD] =	sst s9;
	s0 =	simm.s32 @!p0 $0x0  }
0x12: {  	s1 =	sld [smem:$0x3F93];
	s0 =	simm.s32 @p0 $0x1  }
0x13: {  	[smem:$0x3FAE] =	sst s0;
	s0 =	simm.s32 @!p1 $0x0  }
0x14: {  	s2 =	sld [smem:$0x3F92];
	s0 =	simm.s32 @p1 $0x1  }
0x15: {  	[smem:$0x3FAF] =	sst s0;
	s0 =	simm.s32 @!p2 $0x0  }
0x16: {  	s3 =	sld [smem:$0x3FDB];
	s0 =	simm.s32 @p2 $0x1  }
0x17: {  	s4 =	simm.s32 $0x1BF5;
	[smem:$0x3FB1] =	sst s0  }
0x18: {  	s0 =	sld [smem:$0x3F94];
	_ =	swait.ge [sflag:s4], $0x0  }
0x19: {  	s7 =	sld [smem:$0x3F95]  }
0x1a: {  	s8 =	sadd.s32 $0xFFFFE003, lr  }
0x1b: {  	s9 =	sadd.s32 $0xFFFFFEF7, lr;
	s5 =	simm.s32 $0xFFFFFFFF;
	p2 =	slt.u32 s8, $0xFFFFF086  }
0x1c: {  	p1 =	slt.u32 s9, $0xF7A;
	s5 =	simm.s32 @!p2 $0x0  }
0x1d: {  	s5 =	simm.s32 @p1 $0x1;
	p0 =	seq.s32 s7, s2  }
0x1e: {  	s7 =	smul.u32 @!p0 $0xF7A, s2;
	p2 =	seq.s32 @!p0 s5, $0x0  }
0x1f: {  	s9 =	smul.u32 $0xF7A, s1;
	s8 =	simm.s32 @!p0 $0x1BF5;
	p2 =	por !p2, p0  }
0x20: {  	[sflag:s8] =	ssyncset.s32 @!p0 $0xFFFFF086;
	s6 =	sadd.s32 @!p0 s3, s7;
	s7 =	simm.s32 @!p0 $0x108  }
0x21: {  	s3 =	sadd.s32 s3, s9;
	s6 =	sadd.s32 @!p0 $0x88, s6;
	s7 =	simm.s32 @p2 $0x1082  }
0x22: {  	[simem:s7], [sflag:s8] =	dma.local @!p0 [hbm:s6], $0xF7A  }
0x23: {  	s9 =	sor.u32 $0xD0000000, s2;
	s6 =	simm.s32 $0x108;
	_ =	swait.ge @!p0 [sflag:s8], $0x0  }
0x24: {  	s3 =	sadd.s32 $0x88, s3;
	s6 =	simm.s32 @!p1 $0x1082;
	[sflag:s4] =	ssyncset.s32 $0xFFFFF086  }
0x25: {  	[simem:s6], [sflag:s4] =	dma.local [hbm:s3], $0xF7A  }
0x26: {  	[smem:$0x3F95] =	sst s1;
	(tag) =	ssettag s2;
	_ =	strace s9  }
0x27: {  	s1 =	sld [smem:$0x3FA5]  }
0x28: {  	s2 =	sld [smem:$0x3FA6]  }
0x29: {  	s4 =	sld [smem:$0x3FA8]  }
0x2a: {  	p0 =	seq.s32 s5, $0x0;
	s5 =	sld [smem:$0x3FA9]  }
0x2b: {  	s6 =	sld [smem:$0x3FAA]  }
0x2c: {  	s7 =	sld [smem:$0x3FAB]  }
0x2d: {  	s3 =	simm.s32 $0x108;
	s8 =	sld [smem:$0x3FAC]  }
0x2e: {  	s3 =	simm.s32 @!p0 $0x1082;
	s9 =	sld [smem:$0x3FAD]  }
0x2f: {  	lr =	sadd.s32 s0, s3;
	s0 =	sld [smem:$0x3FA4]  }
0x30: {  	s3 =	sld [smem:$0x3FA7]  }
0x31: {  	[smem:$0x3FB0] =	sst s10  }
0x32: {  	s10 =	sld [smem:$0x3FAE];
	_ =	sdelay $0x3  }
0x33: {  	p0 =	seq.s32 s10, $0x1;
	s10 =	sld [smem:$0x3FB0];
	_ =	sdelay $0x3  }
0x34: {  	[smem:$0x3FB0] =	sst s10  }
0x35: {  	s10 =	sld [smem:$0x3FAF];
	_ =	sdelay $0x3  }
0x36: {  	p1 =	seq.s32 s10, $0x1;
	s10 =	sld [smem:$0x3FB0];
	_ =	sdelay $0x3  }
0x37: {  	[smem:$0x3FB0] =	sst s10  }
0x38: {  	s10 =	sld [smem:$0x3FB1]  }
0x39: {  	_ = 	snop;
	(pc) =	sbr.ind lr, $3  }
0x3a: {  	_ = 	snop  }
0x3b: {  	_ = 	snop  }
0x3c: {  	p2 =	seq.s32 s10, $0x1;
	s10 =	sld [smem:$0x3FB0]  }
0x3d: {  	_ =	shalt  }
0x3e: {  	_ =	shalt  }
0x3f: {  	_ =	shalt  }
0x40: {  	_ =	shalt  }
0x41: {  	_ =	shalt  }
0x42: {  	_ =	shalt  }
0x43: {  	_ =	shalt  }
0x44: {  	_ =	shalt  }
0x45: {  	_ =	shalt  }
0x46: {  	_ =	shalt  }
0x47: {  	_ =	shalt  }
0x48: {  	_ =	shalt  }
0x49: {  	_ =	shalt  }
0x4a: {  	_ =	shalt  }
0x4b: {  	_ =	shalt  }
0x4c: {  	_ =	shalt  }
0x4d: {  	_ =	shalt  }
0x4e: {  	_ =	shalt  }
0x4f: {  	_ =	shalt  }
0x50: {  	_ =	shalt  }
0x51: {  	_ =	shalt  }
0x52: {  	_ =	shalt  }
0x53: {  	_ =	shalt  }
0x54: {  	_ =	shalt  }
0x55: {  	_ =	shalt  }
0x56: {  	_ =	shalt  }
0x57: {  	_ =	shalt  }
0x58: {  	_ =	shalt  }
0x59: {  	_ =	shalt  }
0x5a: {  	_ =	shalt  }
0x5b: {  	_ =	shalt  }
0x5c: {  	_ =	shalt  }
0x5d: {  	_ =	shalt  }
0x5e: {  	_ =	shalt  }
0x5f: {  	_ =	shalt  }
0x60: {  	_ =	shalt  }
0x61: {  	_ =	shalt  }
0x62: {  	_ =	shalt  }
0x63: {  	_ =	shalt  }
0x64: {  	_ =	shalt  }
0x65: {  	_ =	shalt  }
0x66: {  	_ =	shalt  }
0x67: {  	_ =	shalt  }
0x68: {  	_ =	shalt  }
0x69: {  	_ =	shalt  }
0x6a: {  	_ =	shalt  }
0x6b: {  	_ =	shalt  }
0x6c: {  	_ =	shalt  }
0x6d: {  	_ =	shalt  }
0x6e: {  	_ =	shalt  }
0x6f: {  	_ =	shalt  }
0x70: {  	_ =	shalt  }
0x71: {  	_ =	shalt  }
0x72: {  	_ =	shalt  }
0x73: {  	_ =	shalt  }
0x74: {  	_ =	shalt  }
0x75: {  	_ =	shalt  }
0x76: {  	_ =	shalt  }
0x77: {  	_ =	shalt  }
0x78: {  	_ =	shalt  }
0x79: {  	_ =	shalt  }
0x7a: {  	_ =	shalt  }
0x7b: {  	_ =	shalt  }
0x7c: {  	_ =	shalt  }
0x7d: {  	_ =	shalt  }
0x7e: {  	_ =	shalt  }
0x7f: {  	_ =	shalt  }
0x80: {  	_ =	shalt  }
0x81: {  	_ =	shalt  }
0x82: {  	_ =	shalt  }
0x83: {  	_ =	shalt  }
0x84: {  	_ =	shalt  }
0x85: {  	_ =	shalt  }
0x86: {  	_ =	shalt  }
0x87: {  	_ =	shalt  }
.Lfunc_end0:
.L_simem_size_0:
called_computation.1_lowered:
.L_overlay_start_0:
0x88: {  	s2 =	sld [smem:$0x3FD9]  }
0x89: {  	s3 =	sld [smem:$0x3FFE];
	_ =	sdelay $0x1  }
0x8a: {  	s1 =	srdreg.scid  }
0x8b: {  	s0 =	sand.u32 $0x1, s1  }
0x8c: {  	s16 =	sshll.u32 s0, $0xA;
	s2 =	sadd.s32 s3, s2  }
0x8d: {  	s2 =	sadd.s32 s2, s16  }
0x8e: {  	[smem:$0x3FBC] =	sst s2  }
0x8f: {  	_ = 	snop  }
0x90: {  	(tm) =	ssettm $0x1  }
0x91: {  	s17 =	sld [smem:$0x3FFB];
	_ =	sdelay $0x3  }
0x92: {  	_ =	strace s17  }
0x93: {  	s2 =	sld [smem:$0x3FFC];
	_ =	sdelay $0x3  }
0x94: {  	_ =	strace s2  }
0x95: {  	s2 =	sld [smem:$0x3FFD];
	_ =	sdelay $0x3  }
0x96: {  	_ =	strace s2  }
0x97: {  	_ =	strace $0x8FFFFFFF  }
0x98: {  	s18 =	sld [smem:$0x3FDB];
	_ =	sdelay $0x1  }
0x99: {  	s19 =	simm.s32 $_scs_section_size  }
0x9a: {  	s4 =	simm.s32 $_size__tile_overlayer_lowered;
	s5 =	simm.s32 $_tile_overlayer_lowered  }
0x9b: {  	s22 =	simm.s32 $0x1BFF;
	s21 =	sshll.u32 s5, $0x1;
	s2 =	sadd.s32 s19, s18  }
0x9c: {  	s6 =	simm.s32 $0x0;
	s20 =	sshll.u32 s4, $0x1;
	s4 =	sadd.s32 s21, s2  }
0x9d: {  	[timem:s6], [sflag:s22] =	dma.local [hbm:s4], s20  }
0x9e: {  	_ =	swait.ge [sflag:s22], s20  }
0x9f: {  	s3 =	ssub.s32 $0x0, s20;
	[sflag:s22] =	ssyncset.done $0x0  }
0xa0: {  	[sflag:s22] =	ssyncadd.s32 s3;
	_ =	sdelay $0x1  }
0xa1: {  	s23 =	simm.s32 $0x1B8B  }
0xa2: {  	_ =	swait.ge [sflag:s23], $0x1  }
0xa3: {  	[sflag:s23] =	ssyncset.done $0x0  }
0xa4: {  	s25 =	simm.s32 $0x1B8E;
	s24 =	sld [smem:$0x3FFE];
	[sflag:s23] =	ssyncadd.s32 $0xFFFFFFFF  }
0xa5: {  	s26 =	simm.s32 $execute0_lowered;
	[smem:$0x3FD2] =	sst s25  }
0xa6: {  	s4 =	sshll.u32 s26, $0x1;
	_ =	strace $0x80000049;
	[dreg:$0x1] =	wrdreg $0xFFFFFFFF  }
0xa7: {  	s28 =	simm.s32 $_size_execute0_lowered;
	s2 =	sadd.s32 s2, s4;
	[dreg:$0x0] =	wrdreg $0x0  }
0xa8: {  	s4 =	sshll.u32 s28, $0x1;
	[dreg:$0x2] =	wrdreg s2  }
0xa9: {  	[dreg:$0x3] =	wrdreg s4  }
0xaa: {  	[dreg:$0x4] =	wrdreg $0xC0  }
0xab: {  	_ =	task [dreg:s6], $0x5FFFF  }
0xac: {  	[dreg:$0x1] =	wrdreg $0xFFFFFFFF  }
0xad: {  	[dreg:$0x0] =	wrdreg $0x60  }
0xae: {  	[dreg:$0x2] =	wrdreg s24  }
0xaf: {  	[dreg:$0x3] =	wrdreg $0xB0000  }
0xb0: {  	[dreg:$0x4] =	wrdreg $0xA  }
0xb1: {  	_ =	task.clear_ibuf [dreg:s6], $0x5FFFF;
	_ =	strace $0x90000049  }
0xb2: {  	s29 =	simm.s32 $0xA;
	_ =	strace $0x8000004B  }
0xb3: {  	_ =	swait.ge [sflag:s29], $0x1  }
0xb4: {  	[sflag:s29] =	ssyncadd.s32 $0xFFFFFFFF  }
0xb5: {  	_ =	strace $0x9000004B  }
0xb6: {  	_ =	sfence  }
0xb7: {  	s30 =	sld [smem:$0x0];
	_ =	sdelay $0x2  }
0xb8: {  	s31 =	sshll.u32 s1, $0xD;
	s1 =	sshrl.u32 s1, $0x2  }
0xb9: {  	s3 =	sand.u32 $0x4000, s31;
	s1 =	sadd.s32 s1, s30  }
0xba: {  	s0 =	sor.u32 s3, s0;
	s1 =	sshll.u32 s1, $0x11  }
0xbb: {  	s0 =	sor.u32 s1, s0  }
0xbc: {  	s0 =	sadd.s32 $0x8F2B, s0  }
0xbd: {  	[sflag:s0] =	ssyncadd.remote.s32 $0x1  }
0xbe: {  	_ =	sfence.sel $0xFFFF  }
0xbf: {  	[dreg:$0x0] =	wrdreg $0xFFFFFFFF;
	(pc) =	sbr.abs _section_cstart, $3  }
0xc0: {  	[dreg:$0x1] =	wrdreg $0xFFFFFFFF  }
0xc1: {  	_ =	task.clear_ibuf [dreg:s6], $0x2FFFF;
	_ =	strace $0x9FFFFFFF  }
0xc2: {  	(tm) =	ssettm $0x7FFFFFFF  }
0xc3: {  	_ =	shalt  }
tec
execute0_lowered:
.L_overlay_start_1:
0x0: {  	(tag) =	ssettag $0x1  }
0x1: {  	s0 =	rddreg [dreg:$0x0]  }
0x2: {  	s2 =	rddreg [dreg:$0x1];
	s3 =	simm.s32 $0x0;
	s7 =	stileid.u32  }
0x3: {  	s4 =	srdreg.scid;
	s11 =	simm.s32 $0x100;
	s13 =	simm.s32 $0x880  }
0x4: {  	s15 =	simm.s32 $0x180;
	s17 =	simm.s32 $0x900;
	s19 =	simm.s32 $0x200  }
0x5: {  	s20 =	simm.s32 $0x980;
	s28 =	simm.s32 $0x480;
	s29 =	simm.s32 $0xC00  }
0x6: {  	s30 =	simm.s32 $0x500;
	s31 =	simm.s32 $0xC80;
	[smem:$0x7FF] =	sst s3  }
0x7: {  	s1 =	smul.u32 $0xA00, s7;
	_ =	strace $0x8000004A;
	[dreg:$0x5] =	wrdreg s11  }
0x8: {  	s5 =	sand.u32 $0x1, s4;
	s6 =	smul.u32 $0x50000, s7;
	[dreg:$0x6] =	wrdreg s13  }
0x9: {  	s7 =	smul.u32 $0x2800, s7;
	s4 =	sadd.s32 $0x17000, s0;
	[dreg:$0x7] =	wrdreg s15  }
0xa: {  	s8 =	ssub.s32 $0x2, s5;
	[dreg:$0x8] =	wrdreg s17;
	p0 =	sne.s32 s5, $0x0  }
0xb: {  	[dreg:$0x9] =	wrdreg s19;
	s1 =	sadd.s32 s1, s0;
	s0 =	sadd.s32 s7, s0  }
0xc: {  	[dreg:$0xa] =	wrdreg s20;
	s9 =	sshrl.u32 s8, $0x1;
	s0 =	sadd.s32 $0x3F000, s0  }
0xd: {  	s6 =	sshrl.u32 s6, $0x2;
	s26 =	sadd.s32 $0x3000, s1;
	[dreg:$0x12] =	wrdreg s0  }
0xe: {  	s21 =	ssub.s32 s8, s9;
	s9 =	sadd.s32 $0xD000, s1;
	[dreg:$0x3] =	wrdreg s26  }
0xf: {  	s19 =	simm.s32 $0x800;
	s6 =	sadd.s32 s6, s2;
	[dreg:$0x4] =	wrdreg s9  }
0x10: {  	s20 =	simm.s32 $0x80;
	s22 =	smax.u32 s21, $0x1;
	[dreg:$0x11] =	wrdreg s6  }
0x11: {  	s11 =	simm.s32 $0xE80;
	s23 =	sadd.s32 $0x2000, s6;
	[dreg:$0x13] =	wrdreg s22  }
0x12: {  	s13 =	simm.s32 $0xF00;
	s24 =	sadd.s32 $0x4000, s6;
	[dreg:$0x14] =	wrdreg s23  }
0x13: {  	s15 =	simm.s32 $0x0;
	s25 =	sadd.s32 $0x6000, s6;
	[dreg:$0x15] =	wrdreg s24  }
0x14: {  	s7 =	simm.s32 $0xD80;
	s8 =	sadd.s32 $0x8000, s6;
	[dreg:$0x16] =	wrdreg s25  }
0x15: {  	s1 =	simm.s32 $0xD00;
	s10 =	sadd.s32 $0xA000, s6;
	[dreg:$0x17] =	wrdreg s8  }
0x16: {  	s12 =	sadd.s32 $0xC000, s6;
	s14 =	sadd.s32 $0xE000, s6;
	[dreg:$0x18] =	wrdreg s10  }
0x17: {  	s16 =	sadd.s32 $0x10000, s6;
	s18 =	sadd.s32 $0x12000, s6;
	[dreg:$0x19] =	wrdreg s12  }
0x18: {  	s21 =	simm.s32 $0x280;
	s26 =	simm.s32 $0xB00;
	[dreg:$0x1a] =	wrdreg s14  }
0x19: {  	s0 =	simm.s32 $0x580;
	s6 =	simm.s32 $0x600;
	[dreg:$0x1b] =	wrdreg s16  }
0x1a: {  	s9 =	simm.s32 $0xE00;
	[dreg:$0x1c] =	wrdreg s18;
	s18 =	simm.s32 $0x3  }
0x1b: {  	[dreg:$0xb] =	wrdreg s21;
	s22 =	simm.s32 $0xA00;
	s23 =	simm.s32 $0x300  }
0x1c: {  	s24 =	simm.s32 $0xA80;
	s21 =	simm.s32 $0x1000;
	[dreg:$0x10] =	wrdreg s26  }
.Ltmp0:
0x1d: {  	s25 =	simm.s32 $0x380;
	[dreg:$0xc] =	wrdreg s22;
	(pc) =	sbr.rel .LBB2_1-.Ltmp0, $4  }
0x1e: {  	s26 =	simm.s32 $0xB80;
	s8 =	simm.s32 $0x680;
	[dreg:$0xd] =	wrdreg s23  }
0x1f: {  	s10 =	simm.s32 $0x700;
	s12 =	simm.s32 $0x780;
	[dreg:$0xe] =	wrdreg s24  }
0x20: {  	s14 =	simm.s32 $0xF80;
	s22 =	simm.s32 $0x5000;
	[dreg:$0xf] =	wrdreg s25  }
0x21: {  	v0 =	vimm.f32 $0.0e+00;
	s23 =	simm.s32 $0x1;
	s24 =	simm.s32 $0x2;
	s25 =	simm.s32 $0x400  }
.LBB2_7:
0x22: {  	[bflag:$0x0] =	sbarrier.arrive $0xFFFF  }
0x23: {  	s15 =	rddreg [dreg:$0x1d]  }
.LBB2_8:
0x24: {  	s15 =	sadd.s32 $0x1, s15;
	s5 =	rddreg [dreg:$0x13]  }
0x25: {  	p1 =	sne.s32 s15, s5  }
.Ltmp1:
0x26: {  	_ = 	snop;
	(pc) =	sbr.rel @!p1 .LBB2_9-.Ltmp1, $1  }
0x27: {  	_ =	sdelay $0x3  }
.LBB2_1:
0x28: {  	s5 =	sand.u32 $0x7E00, s3  }
0x29: {  	[dreg:$0x1d] =	wrdreg s15;
	s16 =	sand.u32 $0x70, s3;
	s17 =	sshrl.u32 s5, $0x2  }
0x2a: {  	s5 =	simm.s32 $0x40;
	s17 =	sor.u32 s16, s17;
	s16 =	simm.s32 $0x0  }
.LBB2_2:
0x2b: {  	p1 =	sne.s32 s5, $0x7FC0  }
0x2c: {  	[tilespmem:s17+$0x9000] =	vst v0;
	s16 =	sadd.s32 $0x10, s16;
	s17 =	smov.u32 s5;
	s5 =	sadd.s32 $0x40, s5  }
.Ltmp2:
0x2d: {  	(pc) =	sbr.rel @p1 .LBB2_2-.Ltmp2, $4  }
0x2e: {  	_ = 	snop  }
0x2f: {  	s17 =	sand.u32 $0x7E00, s17  }
0x30: {  	s15 =	sand.u32 $0x70, s16;
	s17 =	sshrl.u32 s17, $0x2  }
0x31: {  	s17 =	sor.u32 s15, s17  }
0x32: {  	[tilespmem:s17+$0x9000] =	vst v0;
	s5 =	rddreg [dreg:$0x11];
	s15 =	simm.s32 $0x9000  }
0x33: {  	[spmem:s5] =	stream.linear.scatter [tilespmem:s15], [sflag:$0x3], $0x2000, $0x38;
	[tilespmem:$0x1F000] =	vst v63  }
0x34: {  	_ =	swait.ge [sflag:s18], $0x2000  }
0x35: {  	[sflag:s18] =	ssyncset.done $0x0  }
0x36: {  	s17 =	rddreg [dreg:$0x14];
	[sflag:s18] =	ssyncadd.s32 $0xFFFFE000  }
0x37: {  	[spmem:s17] =	stream.linear.scatter [tilespmem:s15], [sflag:$0x3], $0x2000, $0x38;
	[tilespmem:$0x1F000] =	vst v63  }
0x38: {  	_ =	swait.ge [sflag:s18], $0x2000  }
0x39: {  	[sflag:s18] =	ssyncset.done $0x0  }
0x3a: {  	s16 =	rddreg [dreg:$0x15];
	[sflag:s18] =	ssyncadd.s32 $0xFFFFE000  }
0x3b: {  	[spmem:s16] =	stream.linear.scatter [tilespmem:s15], [sflag:$0x3], $0x2000, $0x38;
	[tilespmem:$0x1F000] =	vst v63  }
0x3c: {  	_ =	swait.ge [sflag:s18], $0x2000  }
0x3d: {  	[sflag:s18] =	ssyncset.done $0x0  }
0x3e: {  	s17 =	rddreg [dreg:$0x16];
	[sflag:s18] =	ssyncadd.s32 $0xFFFFE000  }
0x3f: {  	[spmem:s17] =	stream.linear.scatter [tilespmem:s15], [sflag:$0x3], $0x2000, $0x38;
	[tilespmem:$0x1F000] =	vst v63  }
0x40: {  	_ =	swait.ge [sflag:s18], $0x2000  }
0x41: {  	[sflag:s18] =	ssyncset.done $0x0  }
0x42: {  	s16 =	rddreg [dreg:$0x17];
	[sflag:s18] =	ssyncadd.s32 $0xFFFFE000  }
0x43: {  	[spmem:s16] =	stream.linear.scatter [tilespmem:s15], [sflag:$0x3], $0x2000, $0x38;
	[tilespmem:$0x1F000] =	vst v63  }
0x44: {  	_ =	swait.ge [sflag:s18], $0x2000  }
0x45: {  	[sflag:s18] =	ssyncset.done $0x0  }
0x46: {  	s17 =	rddreg [dreg:$0x18];
	[sflag:s18] =	ssyncadd.s32 $0xFFFFE000  }
0x47: {  	[spmem:s17] =	stream.linear.scatter [tilespmem:s15], [sflag:$0x3], $0x2000, $0x38;
	[tilespmem:$0x1F000] =	vst v63  }
0x48: {  	_ =	swait.ge [sflag:s18], $0x2000  }
0x49: {  	[sflag:s18] =	ssyncset.done $0x0  }
0x4a: {  	s16 =	rddreg [dreg:$0x19];
	[sflag:s18] =	ssyncadd.s32 $0xFFFFE000  }
0x4b: {  	[spmem:s16] =	stream.linear.scatter [tilespmem:s15], [sflag:$0x3], $0x2000, $0x38;
	[tilespmem:$0x1F000] =	vst v63  }
0x4c: {  	_ =	swait.ge [sflag:s18], $0x2000  }
0x4d: {  	[sflag:s18] =	ssyncset.done $0x0  }
0x4e: {  	s17 =	rddreg [dreg:$0x1a];
	[sflag:s18] =	ssyncadd.s32 $0xFFFFE000  }
0x4f: {  	[spmem:s17] =	stream.linear.scatter [tilespmem:s15], [sflag:$0x3], $0x2000, $0x38;
	[tilespmem:$0x1F000] =	vst v63  }
0x50: {  	_ =	swait.ge [sflag:s18], $0x2000  }
0x51: {  	[sflag:s18] =	ssyncset.done $0x0  }
0x52: {  	s16 =	rddreg [dreg:$0x1b];
	[sflag:s18] =	ssyncadd.s32 $0xFFFFE000  }
0x53: {  	[spmem:s16] =	stream.linear.scatter [tilespmem:s15], [sflag:$0x3], $0x2000, $0x38;
	[tilespmem:$0x1F000] =	vst v63  }
0x54: {  	_ =	swait.ge [sflag:s18], $0x2000  }
0x55: {  	[sflag:s18] =	ssyncset.done $0x0  }
0x56: {  	s17 =	rddreg [dreg:$0x1c];
	[sflag:s18] =	ssyncadd.s32 $0xFFFFE000  }
0x57: {  	[spmem:s17] =	stream.linear.scatter [tilespmem:s15], [sflag:$0x3], $0x2000, $0x38;
	[tilespmem:$0x1F000] =	vst v63  }
.Ltmp3:
0x58: {  	_ =	swait.ge [sflag:s18], $0x2000;
	(pc) =	sbr.rel @p0 .LBB2_7-.Ltmp3, $3  }
0x59: {  	[sflag:s18] =	ssyncset.done $0x0  }
0x5a: {  	[sflag:s18] =	ssyncadd.s32 $0xFFFFE000  }
0x5b: {  	[bflag:$0x0] =	sbarrier.arrive $0xFFFF;
	_ =	sdelay $0x1  }
0x5c: {  	s5 =	rddreg [dreg:$0x4]  }
0x5d: {  	s5 =	sadd.s32 $0x0, s5  }
0x5e: {  	[tilespmem:s3], [sflag:$0x3] =	stream.linear.gather [hbm4b:s5+s3], $0x800, $0x38;
	[tilespmem:$0x1F000] =	vst v63  }
0x5f: {  	_ =	swait.ge [sflag:s18], $0x800  }
0x60: {  	s17 =	rddreg [dreg:$0x3];
	[sflag:s18] =	ssyncset.done $0x0  }
0x61: {  	[sflag:s18] =	ssyncadd.s32 $0xFFFFF800;
	s5 =	sadd.s32 $0x0, s17  }
0x62: {  	[tilespmem:s19], [sflag:$0x3] =	stream.linear.gather [hbm4b:s5+s3], $0x800, $0x38;
	[tilespmem:$0x1F000] =	vst v63  }
0x63: {  	_ =	swait.ge [sflag:s18], $0x800  }
0x64: {  	[sflag:s18] =	ssyncset.done $0x0  }
0x65: {  	[sflag:s18] =	ssyncadd.s32 $0xFFFFF800  }
0x66: {  	[tilespmem:s21], [sflag:$0x1] =	stream.indirect.gather [hbm4b:s4+s20], $0x80, s3, s20, $0xb8;
	[tilespmem:$0x1F000] =	vst v63  }
0x67: {  	_ = 	snop  }
0x68: {  	[tilespmem:s22], [sflag:$0x2] =	stream.indirect.gather [hbm4b:s4+s20], $0x80, s20, s20, $0xb8;
	[tilespmem:$0x1F000] =	vst v63  }
0x69: {  	_ =	swait.ge [sflag:s23], $0x4000  }
0x6a: {  	[sflag:s23] =	ssyncset.done $0x0  }
0x6b: {  	[sflag:s23] =	ssyncadd.s32 $0xFFFFC000  }
0x6c: {  	[spmem:s2] =	stream.indirect.scatter.add.f32 [tilespmem:s21], [sflag:$0x3], $0x80, s19, s20, $0xb8;
	[tilespmem:$0x1F000] =	vst v63  }
0x6d: {  	_ =	swait.ge [sflag:s18], $0x4000  }
0x6e: {  	[sflag:s18] =	ssyncset.done $0x0  }
0x6f: {  	s15 =	rddreg [dreg:$0x5];
	[sflag:s18] =	ssyncadd.s32 $0xFFFFC000  }
0x70: {  	[tilespmem:s21], [sflag:$0x1] =	stream.indirect.gather [hbm4b:s4+s20], $0x80, s15, s20, $0xb8;
	[tilespmem:$0x1F000] =	vst v63  }
0x71: {  	_ =	swait.ge [sflag:s24], $0x4000  }
0x72: {  	[sflag:s24] =	ssyncset.done $0x0  }
0x73: {  	s16 =	rddreg [dreg:$0x6];
	[sflag:s24] =	ssyncadd.s32 $0xFFFFC000  }
0x74: {  	[spmem:s2] =	stream.indirect.scatter.add.f32 [tilespmem:s22], [sflag:$0x3], $0x80, s16, s20, $0xb8;
	[tilespmem:$0x1F000] =	vst v63  }
0x75: {  	_ =	swait.ge [sflag:s18], $0x4000  }
0x76: {  	[sflag:s18] =	ssyncset.done $0x0  }
0x77: {  	s17 =	rddreg [dreg:$0x7];
	[sflag:s18] =	ssyncadd.s32 $0xFFFFC000  }
0x78: {  	[tilespmem:s22], [sflag:$0x2] =	stream.indirect.gather [hbm4b:s4+s20], $0x80, s17, s20, $0xb8;
	[tilespmem:$0x1F000] =	vst v63  }
0x79: {  	_ =	swait.ge [sflag:s23], $0x4000  }
0x7a: {  	[sflag:s23] =	ssyncset.done $0x0  }
0x7b: {  	s15 =	rddreg [dreg:$0x8];
	[sflag:s23] =	ssyncadd.s32 $0xFFFFC000  }
0x7c: {  	[spmem:s2] =	stream.indirect.scatter.add.f32 [tilespmem:s21], [sflag:$0x3], $0x80, s15, s20, $0xb8;
	[tilespmem:$0x1F000] =	vst v63  }
0x7d: {  	_ =	swait.ge [sflag:s18], $0x4000  }
0x7e: {  	[sflag:s18] =	ssyncset.done $0x0  }
0x7f: {  	s16 =	rddreg [dreg:$0x9];
	[sflag:s18] =	ssyncadd.s32 $0xFFFFC000  }
0x80: {  	[tilespmem:s21], [sflag:$0x1] =	stream.indirect.gather [hbm4b:s4+s20], $0x80, s16, s20, $0xb8;
	[tilespmem:$0x1F000] =	vst v63  }
0x81: {  	_ =	swait.ge [sflag:s24], $0x4000  }
0x82: {  	[sflag:s24] =	ssyncset.done $0x0  }
0x83: {  	s17 =	rddreg [dreg:$0xa];
	[sflag:s24] =	ssyncadd.s32 $0xFFFFC000  }
0x84: {  	[spmem:s2] =	stream.indirect.scatter.add.f32 [tilespmem:s22], [sflag:$0x3], $0x80, s17, s20, $0xb8;
	[tilespmem:$0x1F000] =	vst v63  }
0x85: {  	_ =	swait.ge [sflag:s18], $0x4000  }
0x86: {  	[sflag:s18] =	ssyncset.done $0x0  }
0x87: {  	s15 =	rddreg [dreg:$0xb];
	[sflag:s18] =	ssyncadd.s32 $0xFFFFC000  }
0x88: {  	[tilespmem:s22], [sflag:$0x2] =	stream.indirect.gather [hbm4b:s4+s20], $0x80, s15, s20, $0xb8;
	[tilespmem:$0x1F000] =	vst v63  }
0x89: {  	_ =	swait.ge [sflag:s23], $0x4000  }
0x8a: {  	[sflag:s23] =	ssyncset.done $0x0  }
0x8b: {  	s16 =	rddreg [dreg:$0xc];
	[sflag:s23] =	ssyncadd.s32 $0xFFFFC000  }
0x8c: {  	[spmem:s2] =	stream.indirect.scatter.add.f32 [tilespmem:s21], [sflag:$0x3], $0x80, s16, s20, $0xb8;
	[tilespmem:$0x1F000] =	vst v63  }
0x8d: {  	_ =	swait.ge [sflag:s18], $0x4000  }
0x8e: {  	[sflag:s18] =	ssyncset.done $0x0  }
0x8f: {  	s17 =	rddreg [dreg:$0xd];
	[sflag:s18] =	ssyncadd.s32 $0xFFFFC000  }
0x90: {  	[tilespmem:s21], [sflag:$0x1] =	stream.indirect.gather [hbm4b:s4+s20], $0x80, s17, s20, $0xb8;
	[tilespmem:$0x1F000] =	vst v63  }
0x91: {  	_ =	swait.ge [sflag:s24], $0x4000  }
0x92: {  	[sflag:s24] =	ssyncset.done $0x0  }
0x93: {  	s15 =	rddreg [dreg:$0xe];
	[sflag:s24] =	ssyncadd.s32 $0xFFFFC000  }
0x94: {  	[spmem:s2] =	stream.indirect.scatter.add.f32 [tilespmem:s22], [sflag:$0x3], $0x80, s15, s20, $0xb8;
	[tilespmem:$0x1F000] =	vst v63  }
0x95: {  	_ =	swait.ge [sflag:s18], $0x4000  }
0x96: {  	[sflag:s18] =	ssyncset.done $0x0  }
0x97: {  	s16 =	rddreg [dreg:$0xf];
	[sflag:s18] =	ssyncadd.s32 $0xFFFFC000  }
0x98: {  	[tilespmem:s22], [sflag:$0x2] =	stream.indirect.gather [hbm4b:s4+s20], $0x80, s16, s20, $0xb8;
	[tilespmem:$0x1F000] =	vst v63  }
0x99: {  	_ =	swait.ge [sflag:s23], $0x4000  }
0x9a: {  	[sflag:s23] =	ssyncset.done $0x0  }
0x9b: {  	s17 =	rddreg [dreg:$0x10];
	[sflag:s23] =	ssyncadd.s32 $0xFFFFC000  }
0x9c: {  	[spmem:s2] =	stream.indirect.scatter.add.f32 [tilespmem:s21], [sflag:$0x3], $0x80, s17, s20, $0xb8;
	[tilespmem:$0x1F000] =	vst v63  }
0x9d: {  	_ =	swait.ge [sflag:s18], $0x4000  }
0x9e: {  	[sflag:s18] =	ssyncset.done $0x0  }
0x9f: {  	[sflag:s18] =	ssyncadd.s32 $0xFFFFC000  }
0xa0: {  	[tilespmem:s21], [sflag:$0x1] =	stream.indirect.gather [hbm4b:s4+s20], $0x80, s25, s20, $0xb8;
	[tilespmem:$0x1F000] =	vst v63  }
0xa1: {  	_ =	swait.ge [sflag:s24], $0x4000  }
0xa2: {  	[sflag:s24] =	ssyncset.done $0x0  }
0xa3: {  	[sflag:s24] =	ssyncadd.s32 $0xFFFFC000  }
0xa4: {  	[spmem:s2] =	stream.indirect.scatter.add.f32 [tilespmem:s22], [sflag:$0x3], $0x80, s26, s20, $0xb8;
	[tilespmem:$0x1F000] =	vst v63  }
0xa5: {  	_ =	swait.ge [sflag:s18], $0x4000  }
0xa6: {  	[sflag:s18] =	ssyncset.done $0x0  }
0xa7: {  	[sflag:s18] =	ssyncadd.s32 $0xFFFFC000  }
0xa8: {  	[tilespmem:s22], [sflag:$0x2] =	stream.indirect.gather [hbm4b:s4+s20], $0x80, s28, s20, $0xb8;
	[tilespmem:$0x1F000] =	vst v63  }
0xa9: {  	_ =	swait.ge [sflag:s23], $0x4000  }
0xaa: {  	[sflag:s23] =	ssyncset.done $0x0  }
0xab: {  	[sflag:s23] =	ssyncadd.s32 $0xFFFFC000  }
0xac: {  	[spmem:s2] =	stream.indirect.scatter.add.f32 [tilespmem:s21], [sflag:$0x3], $0x80, s29, s20, $0xb8;
	[tilespmem:$0x1F000] =	vst v63  }
0xad: {  	_ =	swait.ge [sflag:s18], $0x4000  }
0xae: {  	[sflag:s18] =	ssyncset.done $0x0  }
0xaf: {  	[sflag:s18] =	ssyncadd.s32 $0xFFFFC000  }
0xb0: {  	[tilespmem:s21], [sflag:$0x1] =	stream.indirect.gather [hbm4b:s4+s20], $0x80, s30, s20, $0xb8;
	[tilespmem:$0x1F000] =	vst v63  }
0xb1: {  	_ =	swait.ge [sflag:s24], $0x4000  }
0xb2: {  	[sflag:s24] =	ssyncset.done $0x0  }
0xb3: {  	[sflag:s24] =	ssyncadd.s32 $0xFFFFC000  }
0xb4: {  	[spmem:s2] =	stream.indirect.scatter.add.f32 [tilespmem:s22], [sflag:$0x3], $0x80, s31, s20, $0xb8;
	[tilespmem:$0x1F000] =	vst v63  }
0xb5: {  	_ =	swait.ge [sflag:s18], $0x4000  }
0xb6: {  	[sflag:s18] =	ssyncset.done $0x0  }
0xb7: {  	[sflag:s18] =	ssyncadd.s32 $0xFFFFC000  }
0xb8: {  	[tilespmem:s22], [sflag:$0x2] =	stream.indirect.gather [hbm4b:s4+s20], $0x80, s0, s20, $0xb8;
	[tilespmem:$0x1F000] =	vst v63  }
0xb9: {  	_ =	swait.ge [sflag:s23], $0x4000  }
0xba: {  	[sflag:s23] =	ssyncset.done $0x0  }
0xbb: {  	[sflag:s23] =	ssyncadd.s32 $0xFFFFC000  }
0xbc: {  	[spmem:s2] =	stream.indirect.scatter.add.f32 [tilespmem:s21], [sflag:$0x3], $0x80, s1, s20, $0xb8;
	[tilespmem:$0x1F000] =	vst v63  }
0xbd: {  	_ =	swait.ge [sflag:s18], $0x4000  }
0xbe: {  	[sflag:s18] =	ssyncset.done $0x0  }
0xbf: {  	[sflag:s18] =	ssyncadd.s32 $0xFFFFC000  }
0xc0: {  	[tilespmem:s21], [sflag:$0x1] =	stream.indirect.gather [hbm4b:s4+s20], $0x80, s6, s20, $0xb8;
	[tilespmem:$0x1F000] =	vst v63  }
0xc1: {  	_ =	swait.ge [sflag:s24], $0x4000  }
0xc2: {  	[sflag:s24] =	ssyncset.done $0x0  }
0xc3: {  	[sflag:s24] =	ssyncadd.s32 $0xFFFFC000  }
0xc4: {  	[spmem:s2] =	stream.indirect.scatter.add.f32 [tilespmem:s22], [sflag:$0x3], $0x80, s7, s20, $0xb8;
	[tilespmem:$0x1F000] =	vst v63  }
0xc5: {  	_ =	swait.ge [sflag:s18], $0x4000  }
0xc6: {  	[sflag:s18] =	ssyncset.done $0x0  }
0xc7: {  	[sflag:s18] =	ssyncadd.s32 $0xFFFFC000  }
0xc8: {  	[tilespmem:s22], [sflag:$0x2] =	stream.indirect.gather [hbm4b:s4+s20], $0x80, s8, s20, $0xb8;
	[tilespmem:$0x1F000] =	vst v63  }
0xc9: {  	_ =	swait.ge [sflag:s23], $0x4000  }
0xca: {  	[sflag:s23] =	ssyncset.done $0x0  }
0xcb: {  	[sflag:s23] =	ssyncadd.s32 $0xFFFFC000  }
0xcc: {  	[spmem:s2] =	stream.indirect.scatter.add.f32 [tilespmem:s21], [sflag:$0x3], $0x80, s9, s20, $0xb8;
	[tilespmem:$0x1F000] =	vst v63  }
0xcd: {  	_ =	swait.ge [sflag:s18], $0x4000  }
0xce: {  	[sflag:s18] =	ssyncset.done $0x0  }
0xcf: {  	[sflag:s18] =	ssyncadd.s32 $0xFFFFC000  }
0xd0: {  	[tilespmem:s21], [sflag:$0x1] =	stream.indirect.gather [hbm4b:s4+s20], $0x80, s10, s20, $0xb8;
	[tilespmem:$0x1F000] =	vst v63  }
0xd1: {  	_ =	swait.ge [sflag:s24], $0x4000  }
0xd2: {  	[sflag:s24] =	ssyncset.done $0x0  }
0xd3: {  	[sflag:s24] =	ssyncadd.s32 $0xFFFFC000  }
0xd4: {  	[spmem:s2] =	stream.indirect.scatter.add.f32 [tilespmem:s22], [sflag:$0x3], $0x80, s11, s20, $0xb8;
	[tilespmem:$0x1F000] =	vst v63  }
0xd5: {  	_ =	swait.ge [sflag:s18], $0x4000  }
0xd6: {  	[sflag:s18] =	ssyncset.done $0x0  }
0xd7: {  	[sflag:s18] =	ssyncadd.s32 $0xFFFFC000  }
0xd8: {  	[tilespmem:s22], [sflag:$0x2] =	stream.indirect.gather [hbm4b:s4+s20], $0x80, s12, s20, $0xb8;
	[tilespmem:$0x1F000] =	vst v63  }
0xd9: {  	_ =	swait.ge [sflag:s23], $0x4000  }
0xda: {  	[sflag:s23] =	ssyncset.done $0x0  }
0xdb: {  	[sflag:s23] =	ssyncadd.s32 $0xFFFFC000  }
0xdc: {  	[spmem:s2] =	stream.indirect.scatter.add.f32 [tilespmem:s21], [sflag:$0x3], $0x80, s13, s20, $0xb8;
	[tilespmem:$0x1F000] =	vst v63  }
0xdd: {  	_ =	swait.ge [sflag:s18], $0x4000  }
0xde: {  	[sflag:s18] =	ssyncset.done $0x0  }
0xdf: {  	[sflag:s18] =	ssyncadd.s32 $0xFFFFC000  }
0xe0: {  	_ =	swait.ge [sflag:s24], $0x4000  }
0xe1: {  	[sflag:s24] =	ssyncset.done $0x0  }
0xe2: {  	[sflag:s24] =	ssyncadd.s32 $0xFFFFC000  }
0xe3: {  	[spmem:s2] =	stream.indirect.scatter.add.f32 [tilespmem:s22], [sflag:$0x3], $0x80, s14, s20, $0xb8;
	[tilespmem:$0x1F000] =	vst v63  }
0xe4: {  	s5 =	simm.s32 $0x200;
	_ =	swait.ge [sflag:s18], $0x4000  }
0xe5: {  	s16 =	simm.s32 $0x100;
	s17 =	rddreg [dreg:$0x4];
	[sflag:s18] =	ssyncset.done $0x0  }
.LBB2_5:
0xe6: {  	[sflag:s18] =	ssyncadd.s32 $0xFFFFC000;
	s17 =	sadd.s32 s16, s17  }
0xe7: {  	[tilespmem:s3], [sflag:$0x3] =	stream.linear.gather [hbm4b:s17+s3], $0x800, $0x38;
	[tilespmem:$0x1F000] =	vst v63  }
0xe8: {  	_ =	swait.ge [sflag:s18], $0x800  }
0xe9: {  	s17 =	rddreg [dreg:$0x3];
	[sflag:s18] =	ssyncset.done $0x0  }
0xea: {  	[sflag:s18] =	ssyncadd.s32 $0xFFFFF800;
	s17 =	sadd.s32 s16, s17  }
0xeb: {  	[tilespmem:s19], [sflag:$0x3] =	stream.linear.gather [hbm4b:s17+s3], $0x800, $0x38;
	[tilespmem:$0x1F000] =	vst v63  }
0xec: {  	_ =	swait.ge [sflag:s18], $0x800  }
0xed: {  	[sflag:s18] =	ssyncset.done $0x0  }
0xee: {  	[sflag:s18] =	ssyncadd.s32 $0xFFFFF800  }
0xef: {  	[tilespmem:s21], [sflag:$0x1] =	stream.indirect.gather [hbm4b:s4+s20], $0x80, s3, s20, $0xb8;
	[tilespmem:$0x1F000] =	vst v63  }
0xf0: {  	_ = 	snop  }
0xf1: {  	[tilespmem:s22], [sflag:$0x2] =	stream.indirect.gather [hbm4b:s4+s20], $0x80, s20, s20, $0xb8;
	[tilespmem:$0x1F000] =	vst v63  }
0xf2: {  	_ =	swait.ge [sflag:s23], $0x4000  }
0xf3: {  	[sflag:s23] =	ssyncset.done $0x0  }
0xf4: {  	[sflag:s23] =	ssyncadd.s32 $0xFFFFC000  }
0xf5: {  	[spmem:s2] =	stream.indirect.scatter.add.f32 [tilespmem:s21], [sflag:$0x3], $0x80, s19, s20, $0xb8;
	[tilespmem:$0x1F000] =	vst v63  }
0xf6: {  	_ =	swait.ge [sflag:s18], $0x4000  }
0xf7: {  	[sflag:s18] =	ssyncset.done $0x0  }
0xf8: {  	s17 =	rddreg [dreg:$0x5];
	[sflag:s18] =	ssyncadd.s32 $0xFFFFC000  }
0xf9: {  	[tilespmem:s21], [sflag:$0x1] =	stream.indirect.gather [hbm4b:s4+s20], $0x80, s17, s20, $0xb8;
	[tilespmem:$0x1F000] =	vst v63  }
0xfa: {  	_ =	swait.ge [sflag:s24], $0x4000  }
0xfb: {  	[sflag:s24] =	ssyncset.done $0x0  }
0xfc: {  	s17 =	rddreg [dreg:$0x6];
	[sflag:s24] =	ssyncadd.s32 $0xFFFFC000  }
0xfd: {  	[spmem:s2] =	stream.indirect.scatter.add.f32 [tilespmem:s22], [sflag:$0x3], $0x80, s17, s20, $0xb8;
	[tilespmem:$0x1F000] =	vst v63  }
0xfe: {  	_ =	swait.ge [sflag:s18], $0x4000  }
0xff: {  	[sflag:s18] =	ssyncset.done $0x0  }
0x100: {  	s17 =	rddreg [dreg:$0x7];
	[sflag:s18] =	ssyncadd.s32 $0xFFFFC000  }
0x101: {  	[tilespmem:s22], [sflag:$0x2] =	stream.indirect.gather [hbm4b:s4+s20], $0x80, s17, s20, $0xb8;
	[tilespmem:$0x1F000] =	vst v63  }
0x102: {  	_ =	swait.ge [sflag:s23], $0x4000  }
0x103: {  	[sflag:s23] =	ssyncset.done $0x0  }
0x104: {  	s17 =	rddreg [dreg:$0x8];
	[sflag:s23] =	ssyncadd.s32 $0xFFFFC000  }
0x105: {  	[spmem:s2] =	stream.indirect.scatter.add.f32 [tilespmem:s21], [sflag:$0x3], $0x80, s17, s20, $0xb8;
	[tilespmem:$0x1F000] =	vst v63  }
0x106: {  	_ =	swait.ge [sflag:s18], $0x4000  }
0x107: {  	[sflag:s18] =	ssyncset.done $0x0  }
0x108: {  	s17 =	rddreg [dreg:$0x9];
	[sflag:s18] =	ssyncadd.s32 $0xFFFFC000  }
0x109: {  	[tilespmem:s21], [sflag:$0x1] =	stream.indirect.gather [hbm4b:s4+s20], $0x80, s17, s20, $0xb8;
	[tilespmem:$0x1F000] =	vst v63  }
0x10a: {  	_ =	swait.ge [sflag:s24], $0x4000  }
0x10b: {  	[sflag:s24] =	ssyncset.done $0x0  }
0x10c: {  	s17 =	rddreg [dreg:$0xa];
	[sflag:s24] =	ssyncadd.s32 $0xFFFFC000  }
0x10d: {  	[spmem:s2] =	stream.indirect.scatter.add.f32 [tilespmem:s22], [sflag:$0x3], $0x80, s17, s20, $0xb8;
	[tilespmem:$0x1F000] =	vst v63  }
0x10e: {  	_ =	swait.ge [sflag:s18], $0x4000  }
0x10f: {  	[sflag:s18] =	ssyncset.done $0x0  }
0x110: {  	s17 =	rddreg [dreg:$0xb];
	[sflag:s18] =	ssyncadd.s32 $0xFFFFC000  }
0x111: {  	[tilespmem:s22], [sflag:$0x2] =	stream.indirect.gather [hbm4b:s4+s20], $0x80, s17, s20, $0xb8;
	[tilespmem:$0x1F000] =	vst v63  }
0x112: {  	_ =	swait.ge [sflag:s23], $0x4000  }
0x113: {  	[sflag:s23] =	ssyncset.done $0x0  }
0x114: {  	s17 =	rddreg [dreg:$0xc];
	[sflag:s23] =	ssyncadd.s32 $0xFFFFC000  }
0x115: {  	[spmem:s2] =	stream.indirect.scatter.add.f32 [tilespmem:s21], [sflag:$0x3], $0x80, s17, s20, $0xb8;
	[tilespmem:$0x1F000] =	vst v63  }
0x116: {  	_ =	swait.ge [sflag:s18], $0x4000  }
0x117: {  	[sflag:s18] =	ssyncset.done $0x0  }
0x118: {  	s17 =	rddreg [dreg:$0xd];
	[sflag:s18] =	ssyncadd.s32 $0xFFFFC000  }
0x119: {  	[tilespmem:s21], [sflag:$0x1] =	stream.indirect.gather [hbm4b:s4+s20], $0x80, s17, s20, $0xb8;
	[tilespmem:$0x1F000] =	vst v63  }
0x11a: {  	_ =	swait.ge [sflag:s24], $0x4000  }
0x11b: {  	[sflag:s24] =	ssyncset.done $0x0  }
0x11c: {  	s17 =	rddreg [dreg:$0xe];
	[sflag:s24] =	ssyncadd.s32 $0xFFFFC000  }
0x11d: {  	[spmem:s2] =	stream.indirect.scatter.add.f32 [tilespmem:s22], [sflag:$0x3], $0x80, s17, s20, $0xb8;
	[tilespmem:$0x1F000] =	vst v63  }
0x11e: {  	_ =	swait.ge [sflag:s18], $0x4000  }
0x11f: {  	[sflag:s18] =	ssyncset.done $0x0  }
0x120: {  	s17 =	rddreg [dreg:$0xf];
	[sflag:s18] =	ssyncadd.s32 $0xFFFFC000  }
0x121: {  	[tilespmem:s22], [sflag:$0x2] =	stream.indirect.gather [hbm4b:s4+s20], $0x80, s17, s20, $0xb8;
	[tilespmem:$0x1F000] =	vst v63  }
0x122: {  	_ =	swait.ge [sflag:s23], $0x4000  }
0x123: {  	[sflag:s23] =	ssyncset.done $0x0  }
0x124: {  	s17 =	rddreg [dreg:$0x10];
	[sflag:s23] =	ssyncadd.s32 $0xFFFFC000  }
0x125: {  	[spmem:s2] =	stream.indirect.scatter.add.f32 [tilespmem:s21], [sflag:$0x3], $0x80, s17, s20, $0xb8;
	[tilespmem:$0x1F000] =	vst v63  }
0x126: {  	_ =	swait.ge [sflag:s18], $0x4000  }
0x127: {  	[sflag:s18] =	ssyncset.done $0x0  }
0x128: {  	[sflag:s18] =	ssyncadd.s32 $0xFFFFC000  }
0x129: {  	[tilespmem:s21], [sflag:$0x1] =	stream.indirect.gather [hbm4b:s4+s20], $0x80, s25, s20, $0xb8;
	[tilespmem:$0x1F000] =	vst v63  }
0x12a: {  	_ =	swait.ge [sflag:s24], $0x4000  }
0x12b: {  	[sflag:s24] =	ssyncset.done $0x0  }
0x12c: {  	[sflag:s24] =	ssyncadd.s32 $0xFFFFC000  }
0x12d: {  	[spmem:s2] =	stream.indirect.scatter.add.f32 [tilespmem:s22], [sflag:$0x3], $0x80, s26, s20, $0xb8;
	[tilespmem:$0x1F000] =	vst v63  }
0x12e: {  	_ =	swait.ge [sflag:s18], $0x4000  }
0x12f: {  	[sflag:s18] =	ssyncset.done $0x0  }
0x130: {  	[sflag:s18] =	ssyncadd.s32 $0xFFFFC000  }
0x131: {  	[tilespmem:s22], [sflag:$0x2] =	stream.indirect.gather [hbm4b:s4+s20], $0x80, s28, s20, $0xb8;
	[tilespmem:$0x1F000] =	vst v63  }
0x132: {  	_ =	swait.ge [sflag:s23], $0x4000  }
0x133: {  	[sflag:s23] =	ssyncset.done $0x0  }
0x134: {  	[sflag:s23] =	ssyncadd.s32 $0xFFFFC000  }
0x135: {  	[spmem:s2] =	stream.indirect.scatter.add.f32 [tilespmem:s21], [sflag:$0x3], $0x80, s29, s20, $0xb8;
	[tilespmem:$0x1F000] =	vst v63  }
0x136: {  	_ =	swait.ge [sflag:s18], $0x4000  }
0x137: {  	[sflag:s18] =	ssyncset.done $0x0  }
0x138: {  	[sflag:s18] =	ssyncadd.s32 $0xFFFFC000  }
0x139: {  	[tilespmem:s21], [sflag:$0x1] =	stream.indirect.gather [hbm4b:s4+s20], $0x80, s30, s20, $0xb8;
	[tilespmem:$0x1F000] =	vst v63  }
0x13a: {  	_ =	swait.ge [sflag:s24], $0x4000  }
0x13b: {  	[sflag:s24] =	ssyncset.done $0x0  }
0x13c: {  	[sflag:s24] =	ssyncadd.s32 $0xFFFFC000  }
0x13d: {  	[spmem:s2] =	stream.indirect.scatter.add.f32 [tilespmem:s22], [sflag:$0x3], $0x80, s31, s20, $0xb8;
	[tilespmem:$0x1F000] =	vst v63  }
0x13e: {  	_ =	swait.ge [sflag:s18], $0x4000  }
0x13f: {  	[sflag:s18] =	ssyncset.done $0x0  }
0x140: {  	[sflag:s18] =	ssyncadd.s32 $0xFFFFC000  }
0x141: {  	[tilespmem:s22], [sflag:$0x2] =	stream.indirect.gather [hbm4b:s4+s20], $0x80, s0, s20, $0xb8;
	[tilespmem:$0x1F000] =	vst v63  }
0x142: {  	_ =	swait.ge [sflag:s23], $0x4000  }
0x143: {  	[sflag:s23] =	ssyncset.done $0x0  }
0x144: {  	[sflag:s23] =	ssyncadd.s32 $0xFFFFC000  }
0x145: {  	[spmem:s2] =	stream.indirect.scatter.add.f32 [tilespmem:s21], [sflag:$0x3], $0x80, s1, s20, $0xb8;
	[tilespmem:$0x1F000] =	vst v63  }
0x146: {  	_ =	swait.ge [sflag:s18], $0x4000  }
0x147: {  	[sflag:s18] =	ssyncset.done $0x0  }
0x148: {  	[sflag:s18] =	ssyncadd.s32 $0xFFFFC000  }
0x149: {  	[tilespmem:s21], [sflag:$0x1] =	stream.indirect.gather [hbm4b:s4+s20], $0x80, s6, s20, $0xb8;
	[tilespmem:$0x1F000] =	vst v63  }
0x14a: {  	_ =	swait.ge [sflag:s24], $0x4000  }
0x14b: {  	[sflag:s24] =	ssyncset.done $0x0  }
0x14c: {  	[sflag:s24] =	ssyncadd.s32 $0xFFFFC000  }
0x14d: {  	[spmem:s2] =	stream.indirect.scatter.add.f32 [tilespmem:s22], [sflag:$0x3], $0x80, s7, s20, $0xb8;
	[tilespmem:$0x1F000] =	vst v63  }
0x14e: {  	_ =	swait.ge [sflag:s18], $0x4000  }
0x14f: {  	[sflag:s18] =	ssyncset.done $0x0  }
0x150: {  	[sflag:s18] =	ssyncadd.s32 $0xFFFFC000  }
0x151: {  	[tilespmem:s22], [sflag:$0x2] =	stream.indirect.gather [hbm4b:s4+s20], $0x80, s8, s20, $0xb8;
	[tilespmem:$0x1F000] =	vst v63  }
0x152: {  	_ =	swait.ge [sflag:s23], $0x4000  }
0x153: {  	[sflag:s23] =	ssyncset.done $0x0  }
0x154: {  	[sflag:s23] =	ssyncadd.s32 $0xFFFFC000  }
0x155: {  	[spmem:s2] =	stream.indirect.scatter.add.f32 [tilespmem:s21], [sflag:$0x3], $0x80, s9, s20, $0xb8;
	[tilespmem:$0x1F000] =	vst v63  }
0x156: {  	_ =	swait.ge [sflag:s18], $0x4000  }
0x157: {  	[sflag:s18] =	ssyncset.done $0x0  }
0x158: {  	[sflag:s18] =	ssyncadd.s32 $0xFFFFC000  }
0x159: {  	[tilespmem:s21], [sflag:$0x1] =	stream.indirect.gather [hbm4b:s4+s20], $0x80, s10, s20, $0xb8;
	[tilespmem:$0x1F000] =	vst v63  }
0x15a: {  	_ =	swait.ge [sflag:s24], $0x4000  }
0x15b: {  	[sflag:s24] =	ssyncset.done $0x0  }
0x15c: {  	[sflag:s24] =	ssyncadd.s32 $0xFFFFC000  }
0x15d: {  	[spmem:s2] =	stream.indirect.scatter.add.f32 [tilespmem:s22], [sflag:$0x3], $0x80, s11, s20, $0xb8;
	[tilespmem:$0x1F000] =	vst v63  }
0x15e: {  	_ =	swait.ge [sflag:s18], $0x4000  }
0x15f: {  	[sflag:s18] =	ssyncset.done $0x0  }
0x160: {  	[sflag:s18] =	ssyncadd.s32 $0xFFFFC000  }
0x161: {  	[tilespmem:s22], [sflag:$0x2] =	stream.indirect.gather [hbm4b:s4+s20], $0x80, s12, s20, $0xb8;
	[tilespmem:$0x1F000] =	vst v63  }
0x162: {  	_ =	swait.ge [sflag:s23], $0x4000  }
0x163: {  	[sflag:s23] =	ssyncset.done $0x0  }
0x164: {  	[sflag:s23] =	ssyncadd.s32 $0xFFFFC000  }
0x165: {  	[spmem:s2] =	stream.indirect.scatter.add.f32 [tilespmem:s21], [sflag:$0x3], $0x80, s13, s20, $0xb8;
	[tilespmem:$0x1F000] =	vst v63  }
0x166: {  	_ =	swait.ge [sflag:s18], $0x4000  }
0x167: {  	[sflag:s18] =	ssyncset.done $0x0  }
0x168: {  	[sflag:s18] =	ssyncadd.s32 $0xFFFFC000  }
0x169: {  	p1 =	sne.s32 s5, $0x900;
	_ =	swait.ge [sflag:s24], $0x4000  }
.Ltmp4:
0x16a: {  	[sflag:s24] =	ssyncset.done $0x0;
	(pc) =	sbr.rel @p1 .LBB2_5-.Ltmp4, $4  }
0x16b: {  	[sflag:s24] =	ssyncadd.s32 $0xFFFFC000  }
0x16c: {  	[spmem:s2] =	stream.indirect.scatter.add.f32 [tilespmem:s22], [sflag:$0x3], $0x80, s14, s20, $0xb8;
	[tilespmem:$0x1F000] =	vst v63  }
0x16d: {  	s15 =	smov.u32 s5;
	s5 =	sadd.s32 $0x100, s5;
	_ =	swait.ge [sflag:s18], $0x4000  }
0x16e: {  	s16 =	smov.u32 s15;
	s17 =	rddreg [dreg:$0x4];
	[sflag:s18] =	ssyncset.done $0x0  }
0x16f: {  	[sflag:s18] =	ssyncadd.s32 $0xFFFFC000;
	s5 =	sadd.s32 s16, s17  }
0x170: {  	[tilespmem:s3], [sflag:$0x3] =	stream.linear.gather [hbm4b:s5+s3], $0x800, $0x38;
	[tilespmem:$0x1F000] =	vst v63  }
0x171: {  	_ =	swait.ge [sflag:s18], $0x800  }
0x172: {  	s15 =	rddreg [dreg:$0x3];
	[sflag:s18] =	ssyncset.done $0x0  }
0x173: {  	[sflag:s18] =	ssyncadd.s32 $0xFFFFF800;
	s5 =	sadd.s32 s16, s15  }
0x174: {  	[tilespmem:s19], [sflag:$0x3] =	stream.linear.gather [hbm4b:s5+s3], $0x800, $0x38;
	[tilespmem:$0x1F000] =	vst v63  }
0x175: {  	_ =	swait.ge [sflag:s18], $0x800  }
0x176: {  	[sflag:s18] =	ssyncset.done $0x0  }
0x177: {  	[sflag:s18] =	ssyncadd.s32 $0xFFFFF800  }
0x178: {  	[tilespmem:s21], [sflag:$0x1] =	stream.indirect.gather [hbm4b:s4+s20], $0x80, s3, s20, $0xb8;
	[tilespmem:$0x1F000] =	vst v63  }
0x179: {  	_ = 	snop  }
0x17a: {  	[tilespmem:s22], [sflag:$0x2] =	stream.indirect.gather [hbm4b:s4+s20], $0x80, s20, s20, $0xb8;
	[tilespmem:$0x1F000] =	vst v63  }
0x17b: {  	_ =	swait.ge [sflag:s23], $0x4000  }
0x17c: {  	[sflag:s23] =	ssyncset.done $0x0  }
0x17d: {  	[sflag:s23] =	ssyncadd.s32 $0xFFFFC000  }
0x17e: {  	[spmem:s2] =	stream.indirect.scatter.add.f32 [tilespmem:s21], [sflag:$0x3], $0x80, s19, s20, $0xb8;
	[tilespmem:$0x1F000] =	vst v63  }
0x17f: {  	_ =	swait.ge [sflag:s18], $0x4000  }
0x180: {  	[sflag:s18] =	ssyncset.done $0x0  }
0x181: {  	s16 =	rddreg [dreg:$0x5];
	[sflag:s18] =	ssyncadd.s32 $0xFFFFC000  }
0x182: {  	[tilespmem:s21], [sflag:$0x1] =	stream.indirect.gather [hbm4b:s4+s20], $0x80, s16, s20, $0xb8;
	[tilespmem:$0x1F000] =	vst v63  }
0x183: {  	_ =	swait.ge [sflag:s24], $0x4000  }
0x184: {  	[sflag:s24] =	ssyncset.done $0x0  }
0x185: {  	s17 =	rddreg [dreg:$0x6];
	[sflag:s24] =	ssyncadd.s32 $0xFFFFC000  }
0x186: {  	[spmem:s2] =	stream.indirect.scatter.add.f32 [tilespmem:s22], [sflag:$0x3], $0x80, s17, s20, $0xb8;
	[tilespmem:$0x1F000] =	vst v63  }
0x187: {  	_ =	swait.ge [sflag:s18], $0x4000  }
0x188: {  	[sflag:s18] =	ssyncset.done $0x0  }
0x189: {  	s15 =	rddreg [dreg:$0x7];
	[sflag:s18] =	ssyncadd.s32 $0xFFFFC000  }
0x18a: {  	[tilespmem:s22], [sflag:$0x2] =	stream.indirect.gather [hbm4b:s4+s20], $0x80, s15, s20, $0xb8;
	[tilespmem:$0x1F000] =	vst v63  }
0x18b: {  	_ =	swait.ge [sflag:s23], $0x4000  }
0x18c: {  	[sflag:s23] =	ssyncset.done $0x0  }
0x18d: {  	s16 =	rddreg [dreg:$0x8];
	[sflag:s23] =	ssyncadd.s32 $0xFFFFC000  }
0x18e: {  	[spmem:s2] =	stream.indirect.scatter.add.f32 [tilespmem:s21], [sflag:$0x3], $0x80, s16, s20, $0xb8;
	[tilespmem:$0x1F000] =	vst v63  }
0x18f: {  	_ =	swait.ge [sflag:s18], $0x4000  }
0x190: {  	[sflag:s18] =	ssyncset.done $0x0  }
0x191: {  	s17 =	rddreg [dreg:$0x9];
	[sflag:s18] =	ssyncadd.s32 $0xFFFFC000  }
0x192: {  	[tilespmem:s21], [sflag:$0x1] =	stream.indirect.gather [hbm4b:s4+s20], $0x80, s17, s20, $0xb8;
	[tilespmem:$0x1F000] =	vst v63  }
0x193: {  	_ =	swait.ge [sflag:s24], $0x4000  }
0x194: {  	[sflag:s24] =	ssyncset.done $0x0  }
0x195: {  	s15 =	rddreg [dreg:$0xa];
	[sflag:s24] =	ssyncadd.s32 $0xFFFFC000  }
0x196: {  	[spmem:s2] =	stream.indirect.scatter.add.f32 [tilespmem:s22], [sflag:$0x3], $0x80, s15, s20, $0xb8;
	[tilespmem:$0x1F000] =	vst v63  }
0x197: {  	_ =	swait.ge [sflag:s18], $0x4000  }
0x198: {  	[sflag:s18] =	ssyncset.done $0x0  }
0x199: {  	s16 =	rddreg [dreg:$0xb];
	[sflag:s18] =	ssyncadd.s32 $0xFFFFC000  }
0x19a: {  	[tilespmem:s22], [sflag:$0x2] =	stream.indirect.gather [hbm4b:s4+s20], $0x80, s16, s20, $0xb8;
	[tilespmem:$0x1F000] =	vst v63  }
0x19b: {  	_ =	swait.ge [sflag:s23], $0x4000  }
0x19c: {  	[sflag:s23] =	ssyncset.done $0x0  }
0x19d: {  	s17 =	rddreg [dreg:$0xc];
	[sflag:s23] =	ssyncadd.s32 $0xFFFFC000  }
0x19e: {  	[spmem:s2] =	stream.indirect.scatter.add.f32 [tilespmem:s21], [sflag:$0x3], $0x80, s17, s20, $0xb8;
	[tilespmem:$0x1F000] =	vst v63  }
0x19f: {  	_ =	swait.ge [sflag:s18], $0x4000  }
0x1a0: {  	[sflag:s18] =	ssyncset.done $0x0  }
0x1a1: {  	s15 =	rddreg [dreg:$0xd];
	[sflag:s18] =	ssyncadd.s32 $0xFFFFC000  }
0x1a2: {  	[tilespmem:s21], [sflag:$0x1] =	stream.indirect.gather [hbm4b:s4+s20], $0x80, s15, s20, $0xb8;
	[tilespmem:$0x1F000] =	vst v63  }
0x1a3: {  	_ =	swait.ge [sflag:s24], $0x4000  }
0x1a4: {  	[sflag:s24] =	ssyncset.done $0x0  }
0x1a5: {  	s16 =	rddreg [dreg:$0xe];
	[sflag:s24] =	ssyncadd.s32 $0xFFFFC000  }
0x1a6: {  	[spmem:s2] =	stream.indirect.scatter.add.f32 [tilespmem:s22], [sflag:$0x3], $0x80, s16, s20, $0xb8;
	[tilespmem:$0x1F000] =	vst v63  }
0x1a7: {  	_ =	swait.ge [sflag:s18], $0x4000  }
0x1a8: {  	[sflag:s18] =	ssyncset.done $0x0  }
0x1a9: {  	s17 =	rddreg [dreg:$0xf];
	[sflag:s18] =	ssyncadd.s32 $0xFFFFC000  }
0x1aa: {  	[tilespmem:s22], [sflag:$0x2] =	stream.indirect.gather [hbm4b:s4+s20], $0x80, s17, s20, $0xb8;
	[tilespmem:$0x1F000] =	vst v63  }
0x1ab: {  	_ =	swait.ge [sflag:s23], $0x4000  }
0x1ac: {  	[sflag:s23] =	ssyncset.done $0x0  }
0x1ad: {  	s15 =	rddreg [dreg:$0x10];
	[sflag:s23] =	ssyncadd.s32 $0xFFFFC000  }
0x1ae: {  	[spmem:s2] =	stream.indirect.scatter.add.f32 [tilespmem:s21], [sflag:$0x3], $0x80, s15, s20, $0xb8;
	[tilespmem:$0x1F000] =	vst v63  }
0x1af: {  	_ =	swait.ge [sflag:s18], $0x4000  }
0x1b0: {  	[sflag:s18] =	ssyncset.done $0x0  }
0x1b1: {  	[sflag:s18] =	ssyncadd.s32 $0xFFFFC000  }
0x1b2: {  	[tilespmem:s21], [sflag:$0x1] =	stream.indirect.gather [hbm4b:s4+s20], $0x80, s25, s20, $0xb8;
	[tilespmem:$0x1F000] =	vst v63  }
0x1b3: {  	_ =	swait.ge [sflag:s24], $0x4000  }
0x1b4: {  	[sflag:s24] =	ssyncset.done $0x0  }
0x1b5: {  	[sflag:s24] =	ssyncadd.s32 $0xFFFFC000  }
0x1b6: {  	[spmem:s2] =	stream.indirect.scatter.add.f32 [tilespmem:s22], [sflag:$0x3], $0x80, s26, s20, $0xb8;
	[tilespmem:$0x1F000] =	vst v63  }
0x1b7: {  	_ =	swait.ge [sflag:s18], $0x4000  }
0x1b8: {  	[sflag:s18] =	ssyncset.done $0x0  }
0x1b9: {  	[sflag:s18] =	ssyncadd.s32 $0xFFFFC000  }
0x1ba: {  	[tilespmem:s22], [sflag:$0x2] =	stream.indirect.gather [hbm4b:s4+s20], $0x80, s28, s20, $0xb8;
	[tilespmem:$0x1F000] =	vst v63  }
0x1bb: {  	_ =	swait.ge [sflag:s23], $0x4000  }
0x1bc: {  	[sflag:s23] =	ssyncset.done $0x0  }
0x1bd: {  	[sflag:s23] =	ssyncadd.s32 $0xFFFFC000  }
0x1be: {  	[spmem:s2] =	stream.indirect.scatter.add.f32 [tilespmem:s21], [sflag:$0x3], $0x80, s29, s20, $0xb8;
	[tilespmem:$0x1F000] =	vst v63  }
0x1bf: {  	_ =	swait.ge [sflag:s18], $0x4000  }
0x1c0: {  	[sflag:s18] =	ssyncset.done $0x0  }
0x1c1: {  	[sflag:s18] =	ssyncadd.s32 $0xFFFFC000  }
0x1c2: {  	[tilespmem:s21], [sflag:$0x1] =	stream.indirect.gather [hbm4b:s4+s20], $0x80, s30, s20, $0xb8;
	[tilespmem:$0x1F000] =	vst v63  }
0x1c3: {  	_ =	swait.ge [sflag:s24], $0x4000  }
0x1c4: {  	[sflag:s24] =	ssyncset.done $0x0  }
0x1c5: {  	[sflag:s24] =	ssyncadd.s32 $0xFFFFC000  }
0x1c6: {  	[spmem:s2] =	stream.indirect.scatter.add.f32 [tilespmem:s22], [sflag:$0x3], $0x80, s31, s20, $0xb8;
	[tilespmem:$0x1F000] =	vst v63  }
0x1c7: {  	_ =	swait.ge [sflag:s18], $0x4000  }
0x1c8: {  	[sflag:s18] =	ssyncset.done $0x0  }
0x1c9: {  	[sflag:s18] =	ssyncadd.s32 $0xFFFFC000  }
0x1ca: {  	[tilespmem:s22], [sflag:$0x2] =	stream.indirect.gather [hbm4b:s4+s20], $0x80, s0, s20, $0xb8;
	[tilespmem:$0x1F000] =	vst v63  }
0x1cb: {  	_ =	swait.ge [sflag:s23], $0x4000  }
0x1cc: {  	[sflag:s23] =	ssyncset.done $0x0  }
0x1cd: {  	[sflag:s23] =	ssyncadd.s32 $0xFFFFC000  }
0x1ce: {  	[spmem:s2] =	stream.indirect.scatter.add.f32 [tilespmem:s21], [sflag:$0x3], $0x80, s1, s20, $0xb8;
	[tilespmem:$0x1F000] =	vst v63  }
0x1cf: {  	_ =	swait.ge [sflag:s18], $0x4000  }
0x1d0: {  	[sflag:s18] =	ssyncset.done $0x0  }
0x1d1: {  	[sflag:s18] =	ssyncadd.s32 $0xFFFFC000  }
0x1d2: {  	[tilespmem:s21], [sflag:$0x1] =	stream.indirect.gather [hbm4b:s4+s20], $0x80, s6, s20, $0xb8;
	[tilespmem:$0x1F000] =	vst v63  }
0x1d3: {  	_ =	swait.ge [sflag:s24], $0x4000  }
0x1d4: {  	[sflag:s24] =	ssyncset.done $0x0  }
0x1d5: {  	[sflag:s24] =	ssyncadd.s32 $0xFFFFC000  }
0x1d6: {  	[spmem:s2] =	stream.indirect.scatter.add.f32 [tilespmem:s22], [sflag:$0x3], $0x80, s7, s20, $0xb8;
	[tilespmem:$0x1F000] =	vst v63  }
0x1d7: {  	_ =	swait.ge [sflag:s18], $0x4000  }
0x1d8: {  	[sflag:s18] =	ssyncset.done $0x0  }
0x1d9: {  	[sflag:s18] =	ssyncadd.s32 $0xFFFFC000  }
0x1da: {  	[tilespmem:s22], [sflag:$0x2] =	stream.indirect.gather [hbm4b:s4+s20], $0x80, s8, s20, $0xb8;
	[tilespmem:$0x1F000] =	vst v63  }
0x1db: {  	_ =	swait.ge [sflag:s23], $0x4000  }
0x1dc: {  	[sflag:s23] =	ssyncset.done $0x0  }
0x1dd: {  	[sflag:s23] =	ssyncadd.s32 $0xFFFFC000  }
0x1de: {  	[spmem:s2] =	stream.indirect.scatter.add.f32 [tilespmem:s21], [sflag:$0x3], $0x80, s9, s20, $0xb8;
	[tilespmem:$0x1F000] =	vst v63  }
0x1df: {  	_ =	swait.ge [sflag:s18], $0x4000  }
0x1e0: {  	[sflag:s18] =	ssyncset.done $0x0  }
0x1e1: {  	[sflag:s18] =	ssyncadd.s32 $0xFFFFC000  }
0x1e2: {  	[tilespmem:s21], [sflag:$0x1] =	stream.indirect.gather [hbm4b:s4+s20], $0x80, s10, s20, $0xb8;
	[tilespmem:$0x1F000] =	vst v63  }
0x1e3: {  	_ =	swait.ge [sflag:s24], $0x4000  }
0x1e4: {  	[sflag:s24] =	ssyncset.done $0x0  }
0x1e5: {  	[sflag:s24] =	ssyncadd.s32 $0xFFFFC000  }
0x1e6: {  	[spmem:s2] =	stream.indirect.scatter.add.f32 [tilespmem:s22], [sflag:$0x3], $0x80, s11, s20, $0xb8;
	[tilespmem:$0x1F000] =	vst v63  }
0x1e7: {  	_ =	swait.ge [sflag:s18], $0x4000  }
0x1e8: {  	[sflag:s18] =	ssyncset.done $0x0  }
0x1e9: {  	[sflag:s18] =	ssyncadd.s32 $0xFFFFC000  }
0x1ea: {  	[tilespmem:s22], [sflag:$0x2] =	stream.indirect.gather [hbm4b:s4+s20], $0x80, s12, s20, $0xb8;
	[tilespmem:$0x1F000] =	vst v63  }
0x1eb: {  	_ =	swait.ge [sflag:s23], $0x4000  }
0x1ec: {  	[sflag:s23] =	ssyncset.done $0x0  }
0x1ed: {  	[sflag:s23] =	ssyncadd.s32 $0xFFFFC000  }
0x1ee: {  	[spmem:s2] =	stream.indirect.scatter.add.f32 [tilespmem:s21], [sflag:$0x3], $0x80, s13, s20, $0xb8;
	[tilespmem:$0x1F000] =	vst v63  }
0x1ef: {  	_ =	swait.ge [sflag:s18], $0x4000  }
0x1f0: {  	[sflag:s18] =	ssyncset.done $0x0  }
0x1f1: {  	[sflag:s18] =	ssyncadd.s32 $0xFFFFC000  }
0x1f2: {  	_ =	swait.ge [sflag:s24], $0x4000  }
0x1f3: {  	[sflag:s24] =	ssyncset.done $0x0  }
0x1f4: {  	[sflag:s24] =	ssyncadd.s32 $0xFFFFC000  }
0x1f5: {  	[spmem:s2] =	stream.indirect.scatter.add.f32 [tilespmem:s22], [sflag:$0x3], $0x80, s14, s20, $0xb8;
	[tilespmem:$0x1F000] =	vst v63  }
0x1f6: {  	_ =	swait.ge [sflag:s18], $0x4000  }
0x1f7: {  	[sflag:s18] =	ssyncset.done $0x0  }
0x1f8: {  	s16 =	stileid.u32;
	[sflag:s18] =	ssyncadd.s32 $0xFFFFC000  }
0x1f9: {  	s5 =	sshll.u32 s16, $0x6;
	[bflag:$0x0] =	sbarrier.arrive $0xFFFF  }
0x1fa: {  	s5 =	sor.u32 $0x1C03, s5;
	s15 =	rddreg [dreg:$0x11]  }
.Ltmp5:
0x1fb: {  	s17 =	rddreg [dreg:$0x12];
	s15 =	sshrl.u32 s15, $0x3;
	(pc) =	sbr.rel .LBB2_8-.Ltmp5, $4  }
0x1fc: {  	[hbm:s17], [sflag:s5] =	dma.local [spmem:s15], $0x2800  }
0x1fd: {  	_ =	swait.ge [sflag:s18], $0x2800  }
0x1fe: {  	[sflag:s18] =	ssyncset.done $0x0  }
0x1ff: {  	s15 =	rddreg [dreg:$0x1d];
	[sflag:s18] =	ssyncadd.s32 $0xFFFFD800  }
.LBB2_9:
0x200: {  	_ =	sfence.sel $0x180000  }
0x201: {  	[bflag:$0x0] =	sbarrier.arrive $0xFFFF  }
0x202: {  	_ =	strace $0x9000004A  }
0x203: {  	s0 =	stileid.u32;
	[bflag:$0x2] =	sbarrier.arrive $0xFFFF  }
0x204: {  	p0 =	sne.s32 s0, $0x0;
	s0 =	rddreg [dreg:$0x2]  }
0x205: {  	s0 =	sadd.s32 @!p0 $0x100000, s0  }
0x206: {  	[sflag:s0] =	ssyncadd.tile.s32 @!p0 $0x1;
	_ =	shalt  }
.Lfunc_end2:
_tile_overlayer_lowered:
.L_overlay_start_2:
0x207: {  	(tag) =	ssettag $0x2  }
0x208: {  	s0 =	rddreg [dreg:$0x0];
	s2 =	stileid.u32  }
0x209: {  	s1 =	rddreg [dreg:$0x1];
	p0 =	sne.s32 s2, $0x0  }
0x20a: {  	s3 =	rddreg [dreg:$0x2];
	[bflag:$0x3] =	sbarrier.arrive $0xFFFF;
	s2 =	simm.s32 @!p0 $0x1C03  }
0x20b: {  	[timem:s3], [sflag:s2] =	dma.local @!p0 [hbm:s0], s1  }
0x20c: {  	s0 =	simm.s32 @!p0 $0x3  }
0x20d: {  	_ =	swait.ge @!p0 [sflag:s0], s1  }
0x20e: {  	s1 =	ssub.s32 @!p0 $0x0, s1;
	[sflag:s0] =	ssyncset.done @!p0 $0x0  }
0x20f: {  	[sflag:s0] =	ssyncadd.s32 @!p0 s1  }
0x210: {  	[bflag:$0x3] =	sbarrier.arrive $0xFFFF  }
0x211: {  	_ =	shalt  }

// kernel: kernel.15.cloned.1.call-start
scs
__scs_entry_jumppad:
0x0: {  	(pc) =	sbr.rel $0x88, $3  }
0x1: {  	(tag) =	ssettag $0x0;
	lr =	simm.s32 $0x1  }
0x2: {  	[smem:$0x3F95] =	sst lr;
	_ =	strace $0xD0000000  }
0x3: {  	_ = 	snop  }
0x4: {  	_ = 	snop  }
0x5: {  	_ = 	snop  }
0x6: {  	_ = 	snop  }
0x7: {  	_ = 	snop  }
__scs_overlays_trampoline_lowered:
0x8: {  	[smem:$0x3FA4] =	sst s0  }
0x9: {  	[smem:$0x3FA5] =	sst s1  }
0xa: {  	[smem:$0x3FA6] =	sst s2  }
0xb: {  	[smem:$0x3FA7] =	sst s3  }
0xc: {  	[smem:$0x3FA8] =	sst s4  }
0xd: {  	[smem:$0x3FA9] =	sst s5  }
0xe: {  	[smem:$0x3FAA] =	sst s6  }
0xf: {  	[smem:$0x3FAB] =	sst s7  }
0x10: {  	[smem:$0x3FAC] =	sst s8  }
0x11: {  	[smem:$0x3FAD] =	sst s9;
	s0 =	simm.s32 @!p0 $0x0  }
0x12: {  	s1 =	sld [smem:$0x3F93];
	s0 =	simm.s32 @p0 $0x1  }
0x13: {  	[smem:$0x3FAE] =	sst s0;
	s0 =	simm.s32 @!p1 $0x0  }
0x14: {  	s2 =	sld [smem:$0x3F92];
	s0 =	simm.s32 @p1 $0x1  }
0x15: {  	[smem:$0x3FAF] =	sst s0;
	s0 =	simm.s32 @!p2 $0x0  }
0x16: {  	s3 =	sld [smem:$0x3FDB];
	s0 =	simm.s32 @p2 $0x1  }
0x17: {  	s4 =	simm.s32 $0x1BF5;
	[smem:$0x3FB1] =	sst s0  }
0x18: {  	s0 =	sld [smem:$0x3F94];
	_ =	swait.ge [sflag:s4], $0x0  }
0x19: {  	s7 =	sld [smem:$0x3F95]  }
0x1a: {  	s8 =	sadd.s32 $0xFFFFE003, lr  }
0x1b: {  	s9 =	sadd.s32 $0xFFFFFEF7, lr;
	s5 =	simm.s32 $0xFFFFFFFF;
	p2 =	slt.u32 s8, $0xFFFFF086  }
0x1c: {  	p1 =	slt.u32 s9, $0xF7A;
	s5 =	simm.s32 @!p2 $0x0  }
0x1d: {  	s5 =	simm.s32 @p1 $0x1;
	p0 =	seq.s32 s7, s2  }
0x1e: {  	s7 =	smul.u32 @!p0 $0xF7A, s2;
	p2 =	seq.s32 @!p0 s5, $0x0  }
0x1f: {  	s9 =	smul.u32 $0xF7A, s1;
	s8 =	simm.s32 @!p0 $0x1BF5;
	p2 =	por !p2, p0  }
0x20: {  	[sflag:s8] =	ssyncset.s32 @!p0 $0xFFFFF086;
	s6 =	sadd.s32 @!p0 s3, s7;
	s7 =	simm.s32 @!p0 $0x108  }
0x21: {  	s3 =	sadd.s32 s3, s9;
	s6 =	sadd.s32 @!p0 $0x88, s6;
	s7 =	simm.s32 @p2 $0x1082  }
0x22: {  	[simem:s7], [sflag:s8] =	dma.local @!p0 [hbm:s6], $0xF7A  }
0x23: {  	s9 =	sor.u32 $0xD0000000, s2;
	s6 =	simm.s32 $0x108;
	_ =	swait.ge @!p0 [sflag:s8], $0x0  }
0x24: {  	s3 =	sadd.s32 $0x88, s3;
	s6 =	simm.s32 @!p1 $0x1082;
	[sflag:s4] =	ssyncset.s32 $0xFFFFF086  }
0x25: {  	[simem:s6], [sflag:s4] =	dma.local [hbm:s3], $0xF7A  }
0x26: {  	[smem:$0x3F95] =	sst s1;
	(tag) =	ssettag s2;
	_ =	strace s9  }
0x27: {  	s1 =	sld [smem:$0x3FA5]  }
0x28: {  	s2 =	sld [smem:$0x3FA6]  }
0x29: {  	s4 =	sld [smem:$0x3FA8]  }
0x2a: {  	p0 =	seq.s32 s5, $0x0;
	s5 =	sld [smem:$0x3FA9]  }
0x2b: {  	s6 =	sld [smem:$0x3FAA]  }
0x2c: {  	s7 =	sld [smem:$0x3FAB]  }
0x2d: {  	s3 =	simm.s32 $0x108;
	s8 =	sld [smem:$0x3FAC]  }
0x2e: {  	s3 =	simm.s32 @!p0 $0x1082;
	s9 =	sld [smem:$0x3FAD]  }
0x2f: {  	lr =	sadd.s32 s0, s3;
	s0 =	sld [smem:$0x3FA4]  }
0x30: {  	s3 =	sld [smem:$0x3FA7]  }
0x31: {  	[smem:$0x3FB0] =	sst s10  }
0x32: {  	s10 =	sld [smem:$0x3FAE];
	_ =	sdelay $0x3  }
0x33: {  	p0 =	seq.s32 s10, $0x1;
	s10 =	sld [smem:$0x3FB0];
	_ =	sdelay $0x3  }
0x34: {  	[smem:$0x3FB0] =	sst s10  }
0x35: {  	s10 =	sld [smem:$0x3FAF];
	_ =	sdelay $0x3  }
0x36: {  	p1 =	seq.s32 s10, $0x1;
	s10 =	sld [smem:$0x3FB0];
	_ =	sdelay $0x3  }
0x37: {  	[smem:$0x3FB0] =	sst s10  }
0x38: {  	s10 =	sld [smem:$0x3FB1]  }
0x39: {  	_ = 	snop;
	(pc) =	sbr.ind lr, $3  }
0x3a: {  	_ = 	snop  }
0x3b: {  	_ = 	snop  }
0x3c: {  	p2 =	seq.s32 s10, $0x1;
	s10 =	sld [smem:$0x3FB0]  }
0x3d: {  	_ =	shalt  }
0x3e: {  	_ =	shalt  }
0x3f: {  	_ =	shalt  }
0x40: {  	_ =	shalt  }
0x41: {  	_ =	shalt  }
0x42: {  	_ =	shalt  }
0x43: {  	_ =	shalt  }
0x44: {  	_ =	shalt  }
0x45: {  	_ =	shalt  }
0x46: {  	_ =	shalt  }
0x47: {  	_ =	shalt  }
0x48: {  	_ =	shalt  }
0x49: {  	_ =	shalt  }
0x4a: {  	_ =	shalt  }
0x4b: {  	_ =	shalt  }
0x4c: {  	_ =	shalt  }
0x4d: {  	_ =	shalt  }
0x4e: {  	_ =	shalt  }
0x4f: {  	_ =	shalt  }
0x50: {  	_ =	shalt  }
0x51: {  	_ =	shalt  }
0x52: {  	_ =	shalt  }
0x53: {  	_ =	shalt  }
0x54: {  	_ =	shalt  }
0x55: {  	_ =	shalt  }
0x56: {  	_ =	shalt  }
0x57: {  	_ =	shalt  }
0x58: {  	_ =	shalt  }
0x59: {  	_ =	shalt  }
0x5a: {  	_ =	shalt  }
0x5b: {  	_ =	shalt  }
0x5c: {  	_ =	shalt  }
0x5d: {  	_ =	shalt  }
0x5e: {  	_ =	shalt  }
0x5f: {  	_ =	shalt  }
0x60: {  	_ =	shalt  }
0x61: {  	_ =	shalt  }
0x62: {  	_ =	shalt  }
0x63: {  	_ =	shalt  }
0x64: {  	_ =	shalt  }
0x65: {  	_ =	shalt  }
0x66: {  	_ =	shalt  }
0x67: {  	_ =	shalt  }
0x68: {  	_ =	shalt  }
0x69: {  	_ =	shalt  }
0x6a: {  	_ =	shalt  }
0x6b: {  	_ =	shalt  }
0x6c: {  	_ =	shalt  }
0x6d: {  	_ =	shalt  }
0x6e: {  	_ =	shalt  }
0x6f: {  	_ =	shalt  }
0x70: {  	_ =	shalt  }
0x71: {  	_ =	shalt  }
0x72: {  	_ =	shalt  }
0x73: {  	_ =	shalt  }
0x74: {  	_ =	shalt  }
0x75: {  	_ =	shalt  }
0x76: {  	_ =	shalt  }
0x77: {  	_ =	shalt  }
0x78: {  	_ =	shalt  }
0x79: {  	_ =	shalt  }
0x7a: {  	_ =	shalt  }
0x7b: {  	_ =	shalt  }
0x7c: {  	_ =	shalt  }
0x7d: {  	_ =	shalt  }
0x7e: {  	_ =	shalt  }
0x7f: {  	_ =	shalt  }
0x80: {  	_ =	shalt  }
0x81: {  	_ =	shalt  }
0x82: {  	_ =	shalt  }
0x83: {  	_ =	shalt  }
0x84: {  	_ =	shalt  }
0x85: {  	_ =	shalt  }
0x86: {  	_ =	shalt  }
0x87: {  	_ =	shalt  }
.Lfunc_end0:
.L_simem_size_0:
called_computation.2_lowered:
.L_overlay_start_0:
0x88: {  	s2 =	sld [smem:$0x3FD9]  }
0x89: {  	s3 =	sld [smem:$0x3FFE];
	_ =	sdelay $0x1  }
0x8a: {  	s1 =	srdreg.scid  }
0x8b: {  	s0 =	sand.u32 $0x1, s1  }
0x8c: {  	s17 =	sshll.u32 s0, $0xA;
	s2 =	sadd.s32 s3, s2  }
0x8d: {  	s2 =	sadd.s32 s2, s17  }
0x8e: {  	[smem:$0x3FBC] =	sst s2  }
0x8f: {  	_ = 	snop  }
0x90: {  	(tm) =	ssettm $0x1  }
0x91: {  	s18 =	sld [smem:$0x3FFB];
	_ =	sdelay $0x3  }
0x92: {  	_ =	strace s18  }
0x93: {  	s2 =	sld [smem:$0x3FFC];
	_ =	sdelay $0x3  }
0x94: {  	_ =	strace s2  }
0x95: {  	s2 =	sld [smem:$0x3FFD];
	_ =	sdelay $0x3  }
0x96: {  	_ =	strace s2  }
0x97: {  	_ =	strace $0x8FFFFFFF  }
0x98: {  	s19 =	sld [smem:$0x3FDB];
	_ =	sdelay $0x1  }
0x99: {  	s20 =	simm.s32 $_scs_section_size  }
0x9a: {  	s4 =	simm.s32 $_size__tile_overlayer_lowered;
	s5 =	simm.s32 $_tile_overlayer_lowered  }
0x9b: {  	s6 =	simm.s32 $0x1BFF;
	s21 =	sshll.u32 s5, $0x1;
	s3 =	sadd.s32 s20, s19  }
0x9c: {  	s22 =	simm.s32 $0x0;
	s4 =	sshll.u32 s4, $0x1;
	s5 =	sadd.s32 s21, s3  }
0x9d: {  	[timem:s22], [sflag:s6] =	dma.local [hbm:s5], s4  }
0x9e: {  	_ =	swait.ge [sflag:s6], s4  }
0x9f: {  	s4 =	ssub.s32 $0x0, s4;
	[sflag:s6] =	ssyncset.done $0x0  }
0xa0: {  	[sflag:s6] =	ssyncadd.s32 s4;
	_ =	sdelay $0x1  }
0xa1: {  	s23 =	simm.s32 $0x1B8B  }
0xa2: {  	_ =	swait.ge [sflag:s23], $0x1  }
0xa3: {  	[sflag:s23] =	ssyncset.done $0x0  }
0xa4: {  	[sflag:s23] =	ssyncadd.s32 $0xFFFFFFFF  }
0xa5: {  	s4 =	sld [smem:$0x0]  }
0xa6: {  	s5 =	sand.u32 $0xFFFFFFFE, s1  }
0xa7: {  	p0 =	sne.s32 s1, s5  }
0xa8: {  	s5 =	sshll.u32 @p0 s5, $0xE  }
0xa9: {  	s5 =	sadd.s32 @p0 $0x11B8D, s5;
	s6 =	sshll.u32 @p0 s4, $0x11  }
0xaa: {  	s5 =	sor.u32 @p0 s6, s5  }
0xab: {  	[sflag:s5] =	ssyncadd.remote.s32 @p0 $0x1;
	_ =	sdelay $0x1  }
0xac: {  	s5 =	simm.s32 @p0 $0x1B8D  }
0xad: {  	_ =	swait.eq @p0 [sflag:s5], $0x1  }
0xae: {  	[sflag:s5] =	ssyncadd.s32 @p0 $0xFFFFFFFF  }
0xaf: {  	s6 =	sshll.u32 @!p0 s1, $0xE  }
0xb0: {  	s6 =	sor.u32 @!p0 $0x4000, s6;
	s5 =	simm.s32 @!p0 $0x1B8D  }
0xb1: {  	s4 =	sshll.u32 @!p0 s4, $0x11;
	s6 =	sadd.s32 @!p0 $0x11B8D, s6;
	_ =	swait.eq @!p0 [sflag:s5], $0x1  }
0xb2: {  	s4 =	sor.u32 @!p0 s4, s6;
	[sflag:s5] =	ssyncadd.s32 @!p0 $0xFFFFFFFF  }
0xb3: {  	s25 =	simm.s32 $0x1B8E;
	s24 =	sld [smem:$0x3FFE];
	[sflag:s4] =	ssyncadd.remote.s32 @!p0 $0x1  }
0xb4: {  	s26 =	simm.s32 $execute0_lowered;
	[smem:$0x3FD2] =	sst s25  }
0xb5: {  	s5 =	sshll.u32 s26, $0x1;
	_ =	strace $0x8000004C;
	[dreg:$0x1] =	wrdreg $0xFFFFFFFF  }
0xb6: {  	s28 =	simm.s32 $_size_execute0_lowered;
	s3 =	sadd.s32 s3, s5;
	[dreg:$0x0] =	wrdreg $0x0  }
0xb7: {  	s5 =	sshll.u32 s28, $0x1;
	[dreg:$0x2] =	wrdreg s3  }
0xb8: {  	[dreg:$0x3] =	wrdreg s5  }
0xb9: {  	[dreg:$0x4] =	wrdreg $0xC0  }
0xba: {  	_ =	task [dreg:s22], $0x5FFFF  }
0xbb: {  	[dreg:$0x1] =	wrdreg $0xFFFFFFFF  }
0xbc: {  	[dreg:$0x0] =	wrdreg $0x60  }
0xbd: {  	[dreg:$0x2] =	wrdreg s24  }
0xbe: {  	[dreg:$0x3] =	wrdreg $0x9  }
0xbf: {  	_ =	task.clear_ibuf [dreg:s22], $0x4FFFF;
	_ =	strace $0x9000004C  }
0xc0: {  	s29 =	simm.s32 $0x9;
	_ =	strace $0x8000004E  }
0xc1: {  	_ =	swait.ge [sflag:s29], $0x1  }
0xc2: {  	[sflag:s29] =	ssyncadd.s32 $0xFFFFFFFF  }
0xc3: {  	_ =	strace $0x9000004E  }
0xc4: {  	_ =	sfence  }
0xc5: {  	s30 =	sld [smem:$0x0];
	_ =	sdelay $0x2  }
0xc6: {  	s31 =	sshll.u32 s1, $0xD;
	s1 =	sshrl.u32 s1, $0x2  }
0xc7: {  	s4 =	sand.u32 $0x4000, s31;
	s1 =	sadd.s32 s1, s30  }
0xc8: {  	s0 =	sor.u32 s4, s0;
	s1 =	sshll.u32 s1, $0x11  }
0xc9: {  	s0 =	sor.u32 s1, s0  }
0xca: {  	s0 =	sadd.s32 $0x8F2B, s0  }
0xcb: {  	[sflag:s0] =	ssyncadd.remote.s32 $0x1  }
0xcc: {  	_ =	sfence.sel $0xFFFF  }
0xcd: {  	[dreg:$0x0] =	wrdreg $0xFFFFFFFF;
	(pc) =	sbr.abs _section_cstart, $3  }
0xce: {  	[dreg:$0x1] =	wrdreg $0xFFFFFFFF  }
0xcf: {  	_ =	task.clear_ibuf [dreg:s22], $0x2FFFF;
	_ =	strace $0x9FFFFFFF  }
0xd0: {  	(tm) =	ssettm $0x7FFFFFFF  }
0xd1: {  	_ =	shalt  }
tec
execute0_lowered:
.L_overlay_start_1:
0x0: {  	(tag) =	ssettag $0x1  }
0x1: {  	s7 =	rddreg [dreg:$0x0]  }
0x2: {  	s0 =	rddreg [dreg:$0x1];
	s2 =	simm.s32 $0x0  }
0x3: {  	s3 =	srdreg.scid;
	s1 =	stileid.u32;
	s12 =	simm.s32 $0x3800  }
0x4: {  	s13 =	simm.s32 $0x80;
	s14 =	simm.s32 $0x400;
	s15 =	simm.s32 $0x0  }
0x5: {  	[smem:$0x7FF] =	sst s2;
	s6 =	sand.u32 $0x1, s3;
	s30 =	sshrl.u32 s1, $0x2  }
0x6: {  	s4 =	sshll.u32 s1, $0x8;
	s3 =	sadd.s32 $0xD000, s7;
	s9 =	smul.u32 $0x2800, s1  }
0x7: {  	s5 =	smul.u32 $0x14000, s30;
	s8 =	sshll.u32 s6, $0x7;
	s4 =	sand.u32 $0x300, s4  }
0x8: {  	_ =	strace $0x8000004D;
	s10 =	ssub.s32 $0x2, s6;
	p0 =	seq.s32 s6, $0x0  }
0x9: {  	s8 =	sor.u32 s8, s4;
	s4 =	sadd.s32 $0x3000, s7;
	s11 =	sshrl.u32 s10, $0x1  }
0xa: {  	s6 =	sadd.s32 $0x28000, s9;
	s8 =	sor.u32 s5, s8;
	s5 =	sadd.s32 $0x8F000, s7  }
0xb: {  	s31 =	ssub.s32 s10, s11;
	s6 =	smov.u32 @p0 s9;
	s8 =	sshrl.u32 s8, $0x3  }
0xc: {  	s9 =	simm.s32 $0x1000;
	s10 =	simm.s32 $0x1;
	s7 =	sadd.s32 s8, s7  }
0xd: {  	v0 =	vimm.f32 $0.0e+00;
	s11 =	simm.s32 $0x800;
	s8 =	smax.u32 s31, $0x1;
	s7 =	sadd.s32 $0x8F600, s7  }
.LBB2_1:
0xe: {  	[tilespmem:s9], [sflag:$0x1] =	stream.linear.gather [hbm4b:s5+s2], $0x2800, $0x38;
	[tilespmem:$0x6000] =	vst v63  }
0xf: {  	_ =	swait.ge [sflag:s10], $0x2800  }
0x10: {  	[sflag:s10] =	ssyncset.done $0x0  }
0x11: {  	s16 =	simm.s32 $0x40;
	s17 =	simm.s32 $0x0;
	[sflag:s10] =	ssyncadd.s32 $0xFFFFD800  }
.LBB2_2:
0x12: {  	p0 =	sne.s32 s16, $0x9FC0;
	[tilespmem:s17+$0x3800] =	vst v0;
	s17 =	smov.u32 s16;
	s16 =	sadd.s32 $0x40, s16  }
.Ltmp0:
0x13: {  	(pc) =	sbr.rel @p0 .LBB2_2-.Ltmp0, $2  }
0x14: {  	_ =	sdelay $0x2  }
0x15: {  	s17 =	sshra.s32 s17, $0x2  }
0x16: {  	[tilespmem:s17+$0x3800] =	vst v0;
	s16 =	simm.s32 $0x0;
	s17 =	simm.s32 $0x0  }
.LBB2_4:
0x17: {  	s18 =	sshll.u32 s17, $0xB  }
0x18: {  	s18 =	sadd.s32 s6, s18  }
0x19: {  	s18 =	sshrl.u32 s18, $0x3  }
0x1a: {  	s19 =	sadd.s32 s3, s18  }
0x1b: {  	[tilespmem:s16], [sflag:$0x1] =	stream.linear.gather [hbm4b:s19+s16], $0x800, $0x38;
	[tilespmem:$0x6000] =	vst v63  }
0x1c: {  	_ =	swait.ge [sflag:s10], $0x800  }
0x1d: {  	[sflag:s10] =	ssyncset.done $0x0  }
0x1e: {  	s18 =	sadd.s32 s4, s18;
	[sflag:s10] =	ssyncadd.s32 $0xFFFFF800  }
0x1f: {  	[tilespmem:s11], [sflag:$0x1] =	stream.linear.gather [hbm4b:s18+s16], $0x800, $0x38;
	[tilespmem:$0x6000] =	vst v63  }
0x20: {  	_ =	swait.ge [sflag:s10], $0x800  }
0x21: {  	[sflag:s10] =	ssyncset.done $0x0  }
0x22: {  	s19 =	simm.s32 $0x0;
	s18 =	simm.s32 $0x40;
	[sflag:s10] =	ssyncadd.s32 $0xFFFFF800  }
.LBB2_5:
0x23: {  	p0 =	sne.s32 s18, $0x1FC0;
	v1 =	vld [tilespmem:s19+$0x800];
	_ =	sdelay $0x5  }
0x24: {  	v2 =	vld [tilespmem:s19+$0x0];
	_ =	sdelay $0x1  }
0x25: {  	v1 =	vld.idx.msk [tilespmem:v1+s9+$0x0], $0xffff;
	_ =	sdelay $0x1  }
.Ltmp1:
0x26: {  	(pc) =	sbr.rel @p0 .LBB2_5-.Ltmp1, $2  }
0x27: {  	_ =	sdelay $0x2  }
0x28: {  	s19 =	sshra.s32 s18, $0x2;
	s18 =	sadd.s32 $0x40, s18;
	[tilespmem:v2+s12+$0x0] =	vst.idx.add.f32.msk $0xffff, v1  }
0x29: {  	v1 =	vld [tilespmem:s19+$0x800];
	_ =	sdelay $0x4  }
0x2a: {  	v2 =	vld [tilespmem:s19+$0x0];
	_ =	sdelay $0x1  }
0x2b: {  	s17 =	sadd.s32 $0x1, s17  }
0x2c: {  	p0 =	sne.s32 s17, $0x5;
	v1 =	vld.idx.msk [tilespmem:v1+s9+$0x0], $0xffff  }
.Ltmp2:
0x2d: {  	_ = 	snop;
	(pc) =	sbr.rel @p0 .LBB2_4-.Ltmp2, $2  }
0x2e: {  	_ =	sdelay $0x2  }
0x2f: {  	[tilespmem:v2+s12+$0x0] =	vst.idx.add.f32.msk $0xffff, v1  }
0x30: {  	s15 =	sadd.s32 $0x1, s15  }
0x31: {  	p0 =	sne.s32 s15, s8  }
.Ltmp3:
0x32: {  	_ = 	snop;
	(pc) =	sbr.rel @p0 .LBB2_1-.Ltmp3, $4  }
0x33: {  	[hbm4b:s7+s13] =	stream.strided.scatter [tilespmem:s12], [sflag:$0x1], $0x2800, s14, s13, $0x38;
	[tilespmem:$0x6000] =	vst v63  }
0x34: {  	_ =	swait.ge [sflag:s10], $0x2800  }
0x35: {  	[sflag:s10] =	ssyncset.done $0x0  }
0x36: {  	[sflag:s10] =	ssyncadd.s32 $0xFFFFD800  }
0x37: {  	_ =	sfence.sel $0x180000  }
0x38: {  	[bflag:$0x0] =	sbarrier.arrive $0xFFFF  }
0x39: {  	p0 =	sne.s32 s1, $0x0;
	_ =	strace $0x9000004D  }
0x3a: {  	s0 =	sadd.s32 @!p0 $0x100000, s0;
	[bflag:$0x2] =	sbarrier.arrive $0xFFFF  }
0x3b: {  	[sflag:s0] =	ssyncadd.tile.s32 @!p0 $0x1;
	_ =	shalt  }
.Lfunc_end2:
_tile_overlayer_lowered:
.L_overlay_start_2:
0x3c: {  	(tag) =	ssettag $0x2  }
0x3d: {  	s0 =	rddreg [dreg:$0x0];
	s2 =	stileid.u32  }
0x3e: {  	s1 =	rddreg [dreg:$0x1];
	p0 =	sne.s32 s2, $0x0  }
0x3f: {  	s3 =	rddreg [dreg:$0x2];
	[bflag:$0x3] =	sbarrier.arrive $0xFFFF;
	s2 =	simm.s32 @!p0 $0x1C01  }
0x40: {  	[timem:s3], [sflag:s2] =	dma.local @!p0 [hbm:s0], s1  }
0x41: {  	s0 =	simm.s32 @!p0 $0x1  }
0x42: {  	_ =	swait.ge @!p0 [sflag:s0], s1  }
0x43: {  	s1 =	ssub.s32 @!p0 $0x0, s1;
	[sflag:s0] =	ssyncset.done @!p0 $0x0  }
0x44: {  	[sflag:s0] =	ssyncadd.s32 @!p0 s1  }
0x45: {  	[bflag:$0x3] =	sbarrier.arrive $0xFFFF  }
0x46: {  	_ =	shalt  }

// kernel: kernel.18.cloned.1.call-start
scs
__scs_entry_jumppad:
0x0: {  	(pc) =	sbr.rel $0x88, $3  }
0x1: {  	(tag) =	ssettag $0x0;
	lr =	simm.s32 $0x1  }
0x2: {  	[smem:$0x3F95] =	sst lr;
	_ =	strace $0xD0000000  }
0x3: {  	_ = 	snop  }
0x4: {  	_ = 	snop  }
0x5: {  	_ = 	snop  }
0x6: {  	_ = 	snop  }
0x7: {  	_ = 	snop  }
__scs_overlays_trampoline_lowered:
0x8: {  	[smem:$0x3FA4] =	sst s0  }
0x9: {  	[smem:$0x3FA5] =	sst s1  }
0xa: {  	[smem:$0x3FA6] =	sst s2  }
0xb: {  	[smem:$0x3FA7] =	sst s3  }
0xc: {  	[smem:$0x3FA8] =	sst s4  }
0xd: {  	[smem:$0x3FA9] =	sst s5  }
0xe: {  	[smem:$0x3FAA] =	sst s6  }
0xf: {  	[smem:$0x3FAB] =	sst s7  }
0x10: {  	[smem:$0x3FAC] =	sst s8  }
0x11: {  	[smem:$0x3FAD] =	sst s9;
	s0 =	simm.s32 @!p0 $0x0  }
0x12: {  	s1 =	sld [smem:$0x3F93];
	s0 =	simm.s32 @p0 $0x1  }
0x13: {  	[smem:$0x3FAE] =	sst s0;
	s0 =	simm.s32 @!p1 $0x0  }
0x14: {  	s2 =	sld [smem:$0x3F92];
	s0 =	simm.s32 @p1 $0x1  }
0x15: {  	[smem:$0x3FAF] =	sst s0;
	s0 =	simm.s32 @!p2 $0x0  }
0x16: {  	s3 =	sld [smem:$0x3FDB];
	s0 =	simm.s32 @p2 $0x1  }
0x17: {  	s4 =	simm.s32 $0x1BF5;
	[smem:$0x3FB1] =	sst s0  }
0x18: {  	s0 =	sld [smem:$0x3F94];
	_ =	swait.ge [sflag:s4], $0x0  }
0x19: {  	s7 =	sld [smem:$0x3F95]  }
0x1a: {  	s8 =	sadd.s32 $0xFFFFE003, lr  }
0x1b: {  	s9 =	sadd.s32 $0xFFFFFEF7, lr;
	s5 =	simm.s32 $0xFFFFFFFF;
	p2 =	slt.u32 s8, $0xFFFFF086  }
0x1c: {  	p1 =	slt.u32 s9, $0xF7A;
	s5 =	simm.s32 @!p2 $0x0  }
0x1d: {  	s5 =	simm.s32 @p1 $0x1;
	p0 =	seq.s32 s7, s2  }
0x1e: {  	s7 =	smul.u32 @!p0 $0xF7A, s2;
	p2 =	seq.s32 @!p0 s5, $0x0  }
0x1f: {  	s9 =	smul.u32 $0xF7A, s1;
	s8 =	simm.s32 @!p0 $0x1BF5;
	p2 =	por !p2, p0  }
0x20: {  	[sflag:s8] =	ssyncset.s32 @!p0 $0xFFFFF086;
	s6 =	sadd.s32 @!p0 s3, s7;
	s7 =	simm.s32 @!p0 $0x108  }
0x21: {  	s3 =	sadd.s32 s3, s9;
	s6 =	sadd.s32 @!p0 $0x88, s6;
	s7 =	simm.s32 @p2 $0x1082  }
0x22: {  	[simem:s7], [sflag:s8] =	dma.local @!p0 [hbm:s6], $0xF7A  }
0x23: {  	s9 =	sor.u32 $0xD0000000, s2;
	s6 =	simm.s32 $0x108;
	_ =	swait.ge @!p0 [sflag:s8], $0x0  }
0x24: {  	s3 =	sadd.s32 $0x88, s3;
	s6 =	simm.s32 @!p1 $0x1082;
	[sflag:s4] =	ssyncset.s32 $0xFFFFF086  }
0x25: {  	[simem:s6], [sflag:s4] =	dma.local [hbm:s3], $0xF7A  }
0x26: {  	[smem:$0x3F95] =	sst s1;
	(tag) =	ssettag s2;
	_ =	strace s9  }
0x27: {  	s1 =	sld [smem:$0x3FA5]  }
0x28: {  	s2 =	sld [smem:$0x3FA6]  }
0x29: {  	s4 =	sld [smem:$0x3FA8]  }
0x2a: {  	p0 =	seq.s32 s5, $0x0;
	s5 =	sld [smem:$0x3FA9]  }
0x2b: {  	s6 =	sld [smem:$0x3FAA]  }
0x2c: {  	s7 =	sld [smem:$0x3FAB]  }
0x2d: {  	s3 =	simm.s32 $0x108;
	s8 =	sld [smem:$0x3FAC]  }
0x2e: {  	s3 =	simm.s32 @!p0 $0x1082;
	s9 =	sld [smem:$0x3FAD]  }
0x2f: {  	lr =	sadd.s32 s0, s3;
	s0 =	sld [smem:$0x3FA4]  }
0x30: {  	s3 =	sld [smem:$0x3FA7]  }
0x31: {  	[smem:$0x3FB0] =	sst s10  }
0x32: {  	s10 =	sld [smem:$0x3FAE];
	_ =	sdelay $0x3  }
0x33: {  	p0 =	seq.s32 s10, $0x1;
	s10 =	sld [smem:$0x3FB0];
	_ =	sdelay $0x3  }
0x34: {  	[smem:$0x3FB0] =	sst s10  }
0x35: {  	s10 =	sld [smem:$0x3FAF];
	_ =	sdelay $0x3  }
0x36: {  	p1 =	seq.s32 s10, $0x1;
	s10 =	sld [smem:$0x3FB0];
	_ =	sdelay $0x3  }
0x37: {  	[smem:$0x3FB0] =	sst s10  }
0x38: {  	s10 =	sld [smem:$0x3FB1]  }
0x39: {  	_ = 	snop;
	(pc) =	sbr.ind lr, $3  }
0x3a: {  	_ = 	snop  }
0x3b: {  	_ = 	snop  }
0x3c: {  	p2 =	seq.s32 s10, $0x1;
	s10 =	sld [smem:$0x3FB0]  }
0x3d: {  	_ =	shalt  }
0x3e: {  	_ =	shalt  }
0x3f: {  	_ =	shalt  }
0x40: {  	_ =	shalt  }
0x41: {  	_ =	shalt  }
0x42: {  	_ =	shalt  }
0x43: {  	_ =	shalt  }
0x44: {  	_ =	shalt  }
0x45: {  	_ =	shalt  }
0x46: {  	_ =	shalt  }
0x47: {  	_ =	shalt  }
0x48: {  	_ =	shalt  }
0x49: {  	_ =	shalt  }
0x4a: {  	_ =	shalt  }
0x4b: {  	_ =	shalt  }
0x4c: {  	_ =	shalt  }
0x4d: {  	_ =	shalt  }
0x4e: {  	_ =	shalt  }
0x4f: {  	_ =	shalt  }
0x50: {  	_ =	shalt  }
0x51: {  	_ =	shalt  }
0x52: {  	_ =	shalt  }
0x53: {  	_ =	shalt  }
0x54: {  	_ =	shalt  }
0x55: {  	_ =	shalt  }
0x56: {  	_ =	shalt  }
0x57: {  	_ =	shalt  }
0x58: {  	_ =	shalt  }
0x59: {  	_ =	shalt  }
0x5a: {  	_ =	shalt  }
0x5b: {  	_ =	shalt  }
0x5c: {  	_ =	shalt  }
0x5d: {  	_ =	shalt  }
0x5e: {  	_ =	shalt  }
0x5f: {  	_ =	shalt  }
0x60: {  	_ =	shalt  }
0x61: {  	_ =	shalt  }
0x62: {  	_ =	shalt  }
0x63: {  	_ =	shalt  }
0x64: {  	_ =	shalt  }
0x65: {  	_ =	shalt  }
0x66: {  	_ =	shalt  }
0x67: {  	_ =	shalt  }
0x68: {  	_ =	shalt  }
0x69: {  	_ =	shalt  }
0x6a: {  	_ =	shalt  }
0x6b: {  	_ =	shalt  }
0x6c: {  	_ =	shalt  }
0x6d: {  	_ =	shalt  }
0x6e: {  	_ =	shalt  }
0x6f: {  	_ =	shalt  }
0x70: {  	_ =	shalt  }
0x71: {  	_ =	shalt  }
0x72: {  	_ =	shalt  }
0x73: {  	_ =	shalt  }
0x74: {  	_ =	shalt  }
0x75: {  	_ =	shalt  }
0x76: {  	_ =	shalt  }
0x77: {  	_ =	shalt  }
0x78: {  	_ =	shalt  }
0x79: {  	_ =	shalt  }
0x7a: {  	_ =	shalt  }
0x7b: {  	_ =	shalt  }
0x7c: {  	_ =	shalt  }
0x7d: {  	_ =	shalt  }
0x7e: {  	_ =	shalt  }
0x7f: {  	_ =	shalt  }
0x80: {  	_ =	shalt  }
0x81: {  	_ =	shalt  }
0x82: {  	_ =	shalt  }
0x83: {  	_ =	shalt  }
0x84: {  	_ =	shalt  }
0x85: {  	_ =	shalt  }
0x86: {  	_ =	shalt  }
0x87: {  	_ =	shalt  }
.Lfunc_end0:
.L_simem_size_0:
called_computation.3_lowered:
.L_overlay_start_0:
0x88: {  	s2 =	sld [smem:$0x3FD9]  }
0x89: {  	s3 =	sld [smem:$0x3FFE];
	_ =	sdelay $0x1  }
0x8a: {  	s1 =	srdreg.scid  }
0x8b: {  	s0 =	sand.u32 $0x1, s1  }
0x8c: {  	s17 =	sshll.u32 s0, $0xA;
	s2 =	sadd.s32 s3, s2  }
0x8d: {  	s2 =	sadd.s32 s2, s17  }
0x8e: {  	[smem:$0x3FBC] =	sst s2  }
0x8f: {  	_ = 	snop  }
0x90: {  	(tm) =	ssettm $0x1  }
0x91: {  	s18 =	sld [smem:$0x3FFB];
	_ =	sdelay $0x3  }
0x92: {  	_ =	strace s18  }
0x93: {  	s2 =	sld [smem:$0x3FFC];
	_ =	sdelay $0x3  }
0x94: {  	_ =	strace s2  }
0x95: {  	s2 =	sld [smem:$0x3FFD];
	_ =	sdelay $0x3  }
0x96: {  	_ =	strace s2  }
0x97: {  	_ =	strace $0x8FFFFFFF  }
0x98: {  	s19 =	sld [smem:$0x3FDB];
	_ =	sdelay $0x1  }
0x99: {  	s20 =	simm.s32 $_scs_section_size  }
0x9a: {  	s4 =	simm.s32 $_size__tile_overlayer_lowered;
	s5 =	simm.s32 $_tile_overlayer_lowered  }
0x9b: {  	s6 =	simm.s32 $0x1BFF;
	s21 =	sshll.u32 s5, $0x1;
	s3 =	sadd.s32 s20, s19  }
0x9c: {  	s22 =	simm.s32 $0x0;
	s4 =	sshll.u32 s4, $0x1;
	s5 =	sadd.s32 s21, s3  }
0x9d: {  	[timem:s22], [sflag:s6] =	dma.local [hbm:s5], s4  }
0x9e: {  	_ =	swait.ge [sflag:s6], s4  }
0x9f: {  	s4 =	ssub.s32 $0x0, s4;
	[sflag:s6] =	ssyncset.done $0x0  }
0xa0: {  	[sflag:s6] =	ssyncadd.s32 s4;
	_ =	sdelay $0x1  }
0xa1: {  	s23 =	simm.s32 $0x1B8B  }
0xa2: {  	_ =	swait.ge [sflag:s23], $0x1  }
0xa3: {  	[sflag:s23] =	ssyncset.done $0x0  }
0xa4: {  	[sflag:s23] =	ssyncadd.s32 $0xFFFFFFFF  }
0xa5: {  	s4 =	sld [smem:$0x0]  }
0xa6: {  	s5 =	sand.u32 $0xFFFFFFFE, s1  }
0xa7: {  	p0 =	sne.s32 s1, s5  }
0xa8: {  	s5 =	sshll.u32 @p0 s5, $0xE  }
0xa9: {  	s5 =	sadd.s32 @p0 $0x11B8D, s5;
	s6 =	sshll.u32 @p0 s4, $0x11  }
0xaa: {  	s5 =	sor.u32 @p0 s6, s5  }
0xab: {  	[sflag:s5] =	ssyncadd.remote.s32 @p0 $0x1;
	_ =	sdelay $0x1  }
0xac: {  	s5 =	simm.s32 @p0 $0x1B8D  }
0xad: {  	_ =	swait.eq @p0 [sflag:s5], $0x1  }
0xae: {  	[sflag:s5] =	ssyncadd.s32 @p0 $0xFFFFFFFF  }
0xaf: {  	s6 =	sshll.u32 @!p0 s1, $0xE  }
0xb0: {  	s6 =	sor.u32 @!p0 $0x4000, s6;
	s5 =	simm.s32 @!p0 $0x1B8D  }
0xb1: {  	s4 =	sshll.u32 @!p0 s4, $0x11;
	s6 =	sadd.s32 @!p0 $0x11B8D, s6;
	_ =	swait.eq @!p0 [sflag:s5], $0x1  }
0xb2: {  	s4 =	sor.u32 @!p0 s4, s6;
	[sflag:s5] =	ssyncadd.s32 @!p0 $0xFFFFFFFF  }
0xb3: {  	s25 =	simm.s32 $0x1B8E;
	s24 =	sld [smem:$0x3FFE];
	[sflag:s4] =	ssyncadd.remote.s32 @!p0 $0x1  }
0xb4: {  	s26 =	simm.s32 $execute0_lowered;
	[smem:$0x3FD2] =	sst s25  }
0xb5: {  	s5 =	sshll.u32 s26, $0x1;
	_ =	strace $0x8000004F;
	[dreg:$0x1] =	wrdreg $0xFFFFFFFF  }
0xb6: {  	s28 =	simm.s32 $_size_execute0_lowered;
	s3 =	sadd.s32 s3, s5;
	[dreg:$0x0] =	wrdreg $0x0  }
0xb7: {  	s5 =	sshll.u32 s28, $0x1;
	[dreg:$0x2] =	wrdreg s3  }
0xb8: {  	[dreg:$0x3] =	wrdreg s5  }
0xb9: {  	[dreg:$0x4] =	wrdreg $0xC0  }
0xba: {  	_ =	task [dreg:s22], $0x5FFFF  }
0xbb: {  	[dreg:$0x1] =	wrdreg $0xFFFFFFFF  }
0xbc: {  	[dreg:$0x0] =	wrdreg $0x60  }
0xbd: {  	[dreg:$0x2] =	wrdreg s24  }
0xbe: {  	[dreg:$0x3] =	wrdreg $0xB0000  }
0xbf: {  	[dreg:$0x4] =	wrdreg $0xA  }
0xc0: {  	_ =	task.clear_ibuf [dreg:s22], $0x5FFFF;
	_ =	strace $0x9000004F  }
0xc1: {  	s29 =	simm.s32 $0xA;
	_ =	strace $0x80000051  }
0xc2: {  	_ =	swait.ge [sflag:s29], $0x1  }
0xc3: {  	[sflag:s29] =	ssyncadd.s32 $0xFFFFFFFF  }
0xc4: {  	_ =	strace $0x90000051  }
0xc5: {  	_ =	sfence  }
0xc6: {  	s30 =	sld [smem:$0x0];
	_ =	sdelay $0x2  }
0xc7: {  	s31 =	sshll.u32 s1, $0xD;
	s1 =	sshrl.u32 s1, $0x2  }
0xc8: {  	s4 =	sand.u32 $0x4000, s31;
	s1 =	sadd.s32 s1, s30  }
0xc9: {  	s0 =	sor.u32 s4, s0;
	s1 =	sshll.u32 s1, $0x11  }
0xca: {  	s0 =	sor.u32 s1, s0  }
0xcb: {  	s0 =	sadd.s32 $0x8F2B, s0  }
0xcc: {  	[sflag:s0] =	ssyncadd.remote.s32 $0x1  }
0xcd: {  	_ =	sfence.sel $0xFFFF  }
0xce: {  	[dreg:$0x0] =	wrdreg $0xFFFFFFFF;
	(pc) =	sbr.abs _section_cstart, $3  }
0xcf: {  	[dreg:$0x1] =	wrdreg $0xFFFFFFFF  }
0xd0: {  	_ =	task.clear_ibuf [dreg:s22], $0x2FFFF;
	_ =	strace $0x9FFFFFFF  }
0xd1: {  	(tm) =	ssettm $0x7FFFFFFF  }
tec
execute0_lowered:
.L_overlay_start_1:
0x0: {  	(tag) =	ssettag $0x1  }
0x1: {  	s0 =	rddreg [dreg:$0x0]  }
0x2: {  	s2 =	rddreg [dreg:$0x1];
	s3 =	simm.s32 $0x0;
	s7 =	stileid.u32  }
0x3: {  	s4 =	srdreg.scid;
	s11 =	simm.s32 $0x100;
	s13 =	simm.s32 $0x880  }
0x4: {  	s15 =	simm.s32 $0x180;
	s17 =	simm.s32 $0x900;
	s19 =	simm.s32 $0x200  }
0x5: {  	s20 =	simm.s32 $0x980;
	s28 =	simm.s32 $0x480;
	s29 =	simm.s32 $0xC00  }
0x6: {  	s30 =	simm.s32 $0x500;
	s31 =	simm.s32 $0xC80;
	[smem:$0x7FF] =	sst s3  }
0x7: {  	s1 =	smul.u32 $0xA00, s7;
	_ =	strace $0x80000050;
	[dreg:$0x5] =	wrdreg s11  }
0x8: {  	s5 =	sand.u32 $0x1, s4;
	s6 =	smul.u32 $0x50000, s7;
	[dreg:$0x6] =	wrdreg s13  }
0x9: {  	s7 =	smul.u32 $0x2800, s7;
	s4 =	sadd.s32 $0x17000, s0;
	[dreg:$0x7] =	wrdreg s15  }
0xa: {  	s8 =	ssub.s32 $0x2, s5;
	[dreg:$0x8] =	wrdreg s17;
	p0 =	sne.s32 s5, $0x0  }
0xb: {  	[dreg:$0x9] =	wrdreg s19;
	s1 =	sadd.s32 s1, s0;
	s0 =	sadd.s32 s7, s0  }
0xc: {  	[dreg:$0xa] =	wrdreg s20;
	s9 =	sshrl.u32 s8, $0x1;
	s0 =	sadd.s32 $0x3F000, s0  }
0xd: {  	s6 =	sshrl.u32 s6, $0x2;
	s26 =	sadd.s32 $0x3000, s1;
	[dreg:$0x12] =	wrdreg s0  }
0xe: {  	s21 =	ssub.s32 s8, s9;
	s9 =	sadd.s32 $0xD000, s1;
	[dreg:$0x3] =	wrdreg s26  }
0xf: {  	s19 =	simm.s32 $0x800;
	s6 =	sadd.s32 s6, s2;
	[dreg:$0x4] =	wrdreg s9  }
0x10: {  	s20 =	simm.s32 $0x80;
	s22 =	smax.u32 s21, $0x1;
	[dreg:$0x11] =	wrdreg s6  }
0x11: {  	s11 =	simm.s32 $0xE80;
	s23 =	sadd.s32 $0x2000, s6;
	[dreg:$0x13] =	wrdreg s22  }
0x12: {  	s13 =	simm.s32 $0xF00;
	s24 =	sadd.s32 $0x4000, s6;
	[dreg:$0x14] =	wrdreg s23  }
0x13: {  	s15 =	simm.s32 $0x0;
	s25 =	sadd.s32 $0x6000, s6;
	[dreg:$0x15] =	wrdreg s24  }
0x14: {  	s7 =	simm.s32 $0xD80;
	s8 =	sadd.s32 $0x8000, s6;
	[dreg:$0x16] =	wrdreg s25  }
0x15: {  	s1 =	simm.s32 $0xD00;
	s10 =	sadd.s32 $0xA000, s6;
	[dreg:$0x17] =	wrdreg s8  }
0x16: {  	s12 =	sadd.s32 $0xC000, s6;
	s14 =	sadd.s32 $0xE000, s6;
	[dreg:$0x18] =	wrdreg s10  }
0x17: {  	s16 =	sadd.s32 $0x10000, s6;
	s18 =	sadd.s32 $0x12000, s6;
	[dreg:$0x19] =	wrdreg s12  }
0x18: {  	s21 =	simm.s32 $0x280;
	s26 =	simm.s32 $0xB00;
	[dreg:$0x1a] =	wrdreg s14  }
0x19: {  	s0 =	simm.s32 $0x580;
	s6 =	simm.s32 $0x600;
	[dreg:$0x1b] =	wrdreg s16  }
0x1a: {  	s9 =	simm.s32 $0xE00;
	[dreg:$0x1c] =	wrdreg s18;
	s18 =	simm.s32 $0x3  }
0x1b: {  	[dreg:$0xb] =	wrdreg s21;
	s22 =	simm.s32 $0xA00;
	s23 =	simm.s32 $0x300  }
0x1c: {  	s24 =	simm.s32 $0xA80;
	s21 =	simm.s32 $0x1000;
	[dreg:$0x10] =	wrdreg s26  }
.Ltmp0:
0x1d: {  	s25 =	simm.s32 $0x380;
	[dreg:$0xc] =	wrdreg s22;
	(pc) =	sbr.rel .LBB2_1-.Ltmp0, $4  }
0x1e: {  	s26 =	simm.s32 $0xB80;
	s8 =	simm.s32 $0x680;
	[dreg:$0xd] =	wrdreg s23  }
0x1f: {  	s10 =	simm.s32 $0x700;
	s12 =	simm.s32 $0x780;
	[dreg:$0xe] =	wrdreg s24  }
0x20: {  	s14 =	simm.s32 $0xF80;
	s22 =	simm.s32 $0x5000;
	[dreg:$0xf] =	wrdreg s25  }
0x21: {  	v0 =	vimm.f32 $0.0e+00;
	s23 =	simm.s32 $0x1;
	s24 =	simm.s32 $0x2;
	s25 =	simm.s32 $0x400  }
.LBB2_7:
0x22: {  	[bflag:$0x0] =	sbarrier.arrive $0xFFFF  }
0x23: {  	s15 =	rddreg [dreg:$0x1d]  }
.LBB2_8:
0x24: {  	s15 =	sadd.s32 $0x1, s15;
	s5 =	rddreg [dreg:$0x13]  }
0x25: {  	p1 =	sne.s32 s15, s5  }
.Ltmp1:
0x26: {  	_ = 	snop;
	(pc) =	sbr.rel @!p1 .LBB2_9-.Ltmp1, $1  }
0x27: {  	_ =	sdelay $0x3  }
.LBB2_1:
0x28: {  	s5 =	sand.u32 $0x7E00, s3  }
0x29: {  	[dreg:$0x1d] =	wrdreg s15;
	s16 =	sand.u32 $0x70, s3;
	s17 =	sshrl.u32 s5, $0x2  }
0x2a: {  	s5 =	simm.s32 $0x40;
	s17 =	sor.u32 s16, s17;
	s16 =	simm.s32 $0x0  }
.LBB2_2:
0x2b: {  	p1 =	sne.s32 s5, $0x7FC0  }
0x2c: {  	[tilespmem:s17+$0x9000] =	vst v0;
	s16 =	sadd.s32 $0x10, s16;
	s17 =	smov.u32 s5;
	s5 =	sadd.s32 $0x40, s5  }
.Ltmp2:
0x2d: {  	(pc) =	sbr.rel @p1 .LBB2_2-.Ltmp2, $4  }
0x2e: {  	_ = 	snop  }
0x2f: {  	s17 =	sand.u32 $0x7E00, s17  }
0x30: {  	s15 =	sand.u32 $0x70, s16;
	s17 =	sshrl.u32 s17, $0x2  }
0x31: {  	s17 =	sor.u32 s15, s17  }
0x32: {  	[tilespmem:s17+$0x9000] =	vst v0;
	s5 =	rddreg [dreg:$0x11];
	s15 =	simm.s32 $0x9000  }
0x33: {  	[spmem:s5] =	stream.linear.scatter [tilespmem:s15], [sflag:$0x3], $0x2000, $0x38;
	[tilespmem:$0x1F000] =	vst v63  }
0x34: {  	_ =	swait.ge [sflag:s18], $0x2000  }
0x35: {  	[sflag:s18] =	ssyncset.done $0x0  }
0x36: {  	s17 =	rddreg [dreg:$0x14];
	[sflag:s18] =	ssyncadd.s32 $0xFFFFE000  }
0x37: {  	[spmem:s17] =	stream.linear.scatter [tilespmem:s15], [sflag:$0x3], $0x2000, $0x38;
	[tilespmem:$0x1F000] =	vst v63  }
0x38: {  	_ =	swait.ge [sflag:s18], $0x2000  }
0x39: {  	[sflag:s18] =	ssyncset.done $0x0  }
0x3a: {  	s16 =	rddreg [dreg:$0x15];
	[sflag:s18] =	ssyncadd.s32 $0xFFFFE000  }
0x3b: {  	[spmem:s16] =	stream.linear.scatter [tilespmem:s15], [sflag:$0x3], $0x2000, $0x38;
	[tilespmem:$0x1F000] =	vst v63  }
0x3c: {  	_ =	swait.ge [sflag:s18], $0x2000  }
0x3d: {  	[sflag:s18] =	ssyncset.done $0x0  }
0x3e: {  	s17 =	rddreg [dreg:$0x16];
	[sflag:s18] =	ssyncadd.s32 $0xFFFFE000  }
0x3f: {  	[spmem:s17] =	stream.linear.scatter [tilespmem:s15], [sflag:$0x3], $0x2000, $0x38;
	[tilespmem:$0x1F000] =	vst v63  }
0x40: {  	_ =	swait.ge [sflag:s18], $0x2000  }
0x41: {  	[sflag:s18] =	ssyncset.done $0x0  }
0x42: {  	s16 =	rddreg [dreg:$0x17];
	[sflag:s18] =	ssyncadd.s32 $0xFFFFE000  }
0x43: {  	[spmem:s16] =	stream.linear.scatter [tilespmem:s15], [sflag:$0x3], $0x2000, $0x38;
	[tilespmem:$0x1F000] =	vst v63  }
0x44: {  	_ =	swait.ge [sflag:s18], $0x2000  }
0x45: {  	[sflag:s18] =	ssyncset.done $0x0  }
0x46: {  	s17 =	rddreg [dreg:$0x18];
	[sflag:s18] =	ssyncadd.s32 $0xFFFFE000  }
0x47: {  	[spmem:s17] =	stream.linear.scatter [tilespmem:s15], [sflag:$0x3], $0x2000, $0x38;
	[tilespmem:$0x1F000] =	vst v63  }
0x48: {  	_ =	swait.ge [sflag:s18], $0x2000  }
0x49: {  	[sflag:s18] =	ssyncset.done $0x0  }
0x4a: {  	s16 =	rddreg [dreg:$0x19];
	[sflag:s18] =	ssyncadd.s32 $0xFFFFE000  }
0x4b: {  	[spmem:s16] =	stream.linear.scatter [tilespmem:s15], [sflag:$0x3], $0x2000, $0x38;
	[tilespmem:$0x1F000] =	vst v63  }
0x4c: {  	_ =	swait.ge [sflag:s18], $0x2000  }
0x4d: {  	[sflag:s18] =	ssyncset.done $0x0  }
0x4e: {  	s17 =	rddreg [dreg:$0x1a];
	[sflag:s18] =	ssyncadd.s32 $0xFFFFE000  }
0x4f: {  	[spmem:s17] =	stream.linear.scatter [tilespmem:s15], [sflag:$0x3], $0x2000, $0x38;
	[tilespmem:$0x1F000] =	vst v63  }
0x50: {  	_ =	swait.ge [sflag:s18], $0x2000  }
0x51: {  	[sflag:s18] =	ssyncset.done $0x0  }
0x52: {  	s16 =	rddreg [dreg:$0x1b];
	[sflag:s18] =	ssyncadd.s32 $0xFFFFE000  }
0x53: {  	[spmem:s16] =	stream.linear.scatter [tilespmem:s15], [sflag:$0x3], $0x2000, $0x38;
	[tilespmem:$0x1F000] =	vst v63  }
0x54: {  	_ =	swait.ge [sflag:s18], $0x2000  }
0x55: {  	[sflag:s18] =	ssyncset.done $0x0  }
0x56: {  	s17 =	rddreg [dreg:$0x1c];
	[sflag:s18] =	ssyncadd.s32 $0xFFFFE000  }
0x57: {  	[spmem:s17] =	stream.linear.scatter [tilespmem:s15], [sflag:$0x3], $0x2000, $0x38;
	[tilespmem:$0x1F000] =	vst v63  }
.Ltmp3:
0x58: {  	_ =	swait.ge [sflag:s18], $0x2000;
	(pc) =	sbr.rel @p0 .LBB2_7-.Ltmp3, $3  }
0x59: {  	[sflag:s18] =	ssyncset.done $0x0  }
0x5a: {  	[sflag:s18] =	ssyncadd.s32 $0xFFFFE000  }
0x5b: {  	[bflag:$0x0] =	sbarrier.arrive $0xFFFF;
	_ =	sdelay $0x1  }
0x5c: {  	s5 =	rddreg [dreg:$0x4]  }
0x5d: {  	s5 =	sadd.s32 $0x0, s5  }
0x5e: {  	[tilespmem:s3], [sflag:$0x3] =	stream.linear.gather [hbm4b:s5+s3], $0x800, $0x38;
	[tilespmem:$0x1F000] =	vst v63  }
0x5f: {  	_ =	swait.ge [sflag:s18], $0x800  }
0x60: {  	s17 =	rddreg [dreg:$0x3];
	[sflag:s18] =	ssyncset.done $0x0  }
0x61: {  	[sflag:s18] =	ssyncadd.s32 $0xFFFFF800;
	s5 =	sadd.s32 $0x0, s17  }
0x62: {  	[tilespmem:s19], [sflag:$0x3] =	stream.linear.gather [hbm4b:s5+s3], $0x800, $0x38;
	[tilespmem:$0x1F000] =	vst v63  }
0x63: {  	_ =	swait.ge [sflag:s18], $0x800  }
0x64: {  	[sflag:s18] =	ssyncset.done $0x0  }
0x65: {  	[sflag:s18] =	ssyncadd.s32 $0xFFFFF800  }
0x66: {  	[tilespmem:s21], [sflag:$0x1] =	stream.indirect.gather [hbm4b:s4+s20], $0x80, s3, s20, $0xb8;
	[tilespmem:$0x1F000] =	vst v63  }
0x67: {  	_ = 	snop  }
0x68: {  	[tilespmem:s22], [sflag:$0x2] =	stream.indirect.gather [hbm4b:s4+s20], $0x80, s20, s20, $0xb8;
	[tilespmem:$0x1F000] =	vst v63  }
0x69: {  	_ =	swait.ge [sflag:s23], $0x4000  }
0x6a: {  	[sflag:s23] =	ssyncset.done $0x0  }
0x6b: {  	[sflag:s23] =	ssyncadd.s32 $0xFFFFC000  }
0x6c: {  	[spmem:s2] =	stream.indirect.scatter.add.f32 [tilespmem:s21], [sflag:$0x3], $0x80, s19, s20, $0xb8;
	[tilespmem:$0x1F000] =	vst v63  }
0x6d: {  	_ =	swait.ge [sflag:s18], $0x4000  }
0x6e: {  	[sflag:s18] =	ssyncset.done $0x0  }
0x6f: {  	s15 =	rddreg [dreg:$0x5];
	[sflag:s18] =	ssyncadd.s32 $0xFFFFC000  }
0x70: {  	[tilespmem:s21], [sflag:$0x1] =	stream.indirect.gather [hbm4b:s4+s20], $0x80, s15, s20, $0xb8;
	[tilespmem:$0x1F000] =	vst v63  }
0x71: {  	_ =	swait.ge [sflag:s24], $0x4000  }
0x72: {  	[sflag:s24] =	ssyncset.done $0x0  }
0x73: {  	s16 =	rddreg [dreg:$0x6];
	[sflag:s24] =	ssyncadd.s32 $0xFFFFC000  }
0x74: {  	[spmem:s2] =	stream.indirect.scatter.add.f32 [tilespmem:s22], [sflag:$0x3], $0x80, s16, s20, $0xb8;
	[tilespmem:$0x1F000] =	vst v63  }
0x75: {  	_ =	swait.ge [sflag:s18], $0x4000  }
0x76: {  	[sflag:s18] =	ssyncset.done $0x0  }
0x77: {  	s17 =	rddreg [dreg:$0x7];
	[sflag:s18] =	ssyncadd.s32 $0xFFFFC000  }
0x78: {  	[tilespmem:s22], [sflag:$0x2] =	stream.indirect.gather [hbm4b:s4+s20], $0x80, s17, s20, $0xb8;
	[tilespmem:$0x1F000] =	vst v63  }
0x79: {  	_ =	swait.ge [sflag:s23], $0x4000  }
0x7a: {  	[sflag:s23] =	ssyncset.done $0x0  }
0x7b: {  	s15 =	rddreg [dreg:$0x8];
	[sflag:s23] =	ssyncadd.s32 $0xFFFFC000  }
0x7c: {  	[spmem:s2] =	stream.indirect.scatter.add.f32 [tilespmem:s21], [sflag:$0x3], $0x80, s15, s20, $0xb8;
	[tilespmem:$0x1F000] =	vst v63  }
0x7d: {  	_ =	swait.ge [sflag:s18], $0x4000  }
0x7e: {  	[sflag:s18] =	ssyncset.done $0x0  }
0x7f: {  	s16 =	rddreg [dreg:$0x9];
	[sflag:s18] =	ssyncadd.s32 $0xFFFFC000  }
0x80: {  	[tilespmem:s21], [sflag:$0x1] =	stream.indirect.gather [hbm4b:s4+s20], $0x80, s16, s20, $0xb8;
	[tilespmem:$0x1F000] =	vst v63  }
0x81: {  	_ =	swait.ge [sflag:s24], $0x4000  }
0x82: {  	[sflag:s24] =	ssyncset.done $0x0  }
0x83: {  	s17 =	rddreg [dreg:$0xa];
	[sflag:s24] =	ssyncadd.s32 $0xFFFFC000  }
0x84: {  	[spmem:s2] =	stream.indirect.scatter.add.f32 [tilespmem:s22], [sflag:$0x3], $0x80, s17, s20, $0xb8;
	[tilespmem:$0x1F000] =	vst v63  }
0x85: {  	_ =	swait.ge [sflag:s18], $0x4000  }
0x86: {  	[sflag:s18] =	ssyncset.done $0x0  }
0x87: {  	s15 =	rddreg [dreg:$0xb];
	[sflag:s18] =	ssyncadd.s32 $0xFFFFC000  }
0x88: {  	[tilespmem:s22], [sflag:$0x2] =	stream.indirect.gather [hbm4b:s4+s20], $0x80, s15, s20, $0xb8;
	[tilespmem:$0x1F000] =	vst v63  }
0x89: {  	_ =	swait.ge [sflag:s23], $0x4000  }
0x8a: {  	[sflag:s23] =	ssyncset.done $0x0  }
0x8b: {  	s16 =	rddreg [dreg:$0xc];
	[sflag:s23] =	ssyncadd.s32 $0xFFFFC000  }
0x8c: {  	[spmem:s2] =	stream.indirect.scatter.add.f32 [tilespmem:s21], [sflag:$0x3], $0x80, s16, s20, $0xb8;
	[tilespmem:$0x1F000] =	vst v63  }
0x8d: {  	_ =	swait.ge [sflag:s18], $0x4000  }
0x8e: {  	[sflag:s18] =	ssyncset.done $0x0  }
0x8f: {  	s17 =	rddreg [dreg:$0xd];
	[sflag:s18] =	ssyncadd.s32 $0xFFFFC000  }
0x90: {  	[tilespmem:s21], [sflag:$0x1] =	stream.indirect.gather [hbm4b:s4+s20], $0x80, s17, s20, $0xb8;
	[tilespmem:$0x1F000] =	vst v63  }
0x91: {  	_ =	swait.ge [sflag:s24], $0x4000  }
0x92: {  	[sflag:s24] =	ssyncset.done $0x0  }
0x93: {  	s15 =	rddreg [dreg:$0xe];
	[sflag:s24] =	ssyncadd.s32 $0xFFFFC000  }
0x94: {  	[spmem:s2] =	stream.indirect.scatter.add.f32 [tilespmem:s22], [sflag:$0x3], $0x80, s15, s20, $0xb8;
	[tilespmem:$0x1F000] =	vst v63  }
0x95: {  	_ =	swait.ge [sflag:s18], $0x4000  }
0x96: {  	[sflag:s18] =	ssyncset.done $0x0  }
0x97: {  	s16 =	rddreg [dreg:$0xf];
	[sflag:s18] =	ssyncadd.s32 $0xFFFFC000  }
0x98: {  	[tilespmem:s22], [sflag:$0x2] =	stream.indirect.gather [hbm4b:s4+s20], $0x80, s16, s20, $0xb8;
	[tilespmem:$0x1F000] =	vst v63  }
0x99: {  	_ =	swait.ge [sflag:s23], $0x4000  }
0x9a: {  	[sflag:s23] =	ssyncset.done $0x0  }
0x9b: {  	s17 =	rddreg [dreg:$0x10];
	[sflag:s23] =	ssyncadd.s32 $0xFFFFC000  }
0x9c: {  	[spmem:s2] =	stream.indirect.scatter.add.f32 [tilespmem:s21], [sflag:$0x3], $0x80, s17, s20, $0xb8;
	[tilespmem:$0x1F000] =	vst v63  }
0x9d: {  	_ =	swait.ge [sflag:s18], $0x4000  }
0x9e: {  	[sflag:s18] =	ssyncset.done $0x0  }
0x9f: {  	[sflag:s18] =	ssyncadd.s32 $0xFFFFC000  }
0xa0: {  	[tilespmem:s21], [sflag:$0x1] =	stream.indirect.gather [hbm4b:s4+s20], $0x80, s25, s20, $0xb8;
	[tilespmem:$0x1F000] =	vst v63  }
0xa1: {  	_ =	swait.ge [sflag:s24], $0x4000  }
0xa2: {  	[sflag:s24] =	ssyncset.done $0x0  }
0xa3: {  	[sflag:s24] =	ssyncadd.s32 $0xFFFFC000  }
0xa4: {  	[spmem:s2] =	stream.indirect.scatter.add.f32 [tilespmem:s22], [sflag:$0x3], $0x80, s26, s20, $0xb8;
	[tilespmem:$0x1F000] =	vst v63  }
0xa5: {  	_ =	swait.ge [sflag:s18], $0x4000  }
0xa6: {  	[sflag:s18] =	ssyncset.done $0x0  }
0xa7: {  	[sflag:s18] =	ssyncadd.s32 $0xFFFFC000  }
0xa8: {  	[tilespmem:s22], [sflag:$0x2] =	stream.indirect.gather [hbm4b:s4+s20], $0x80, s28, s20, $0xb8;
	[tilespmem:$0x1F000] =	vst v63  }
0xa9: {  	_ =	swait.ge [sflag:s23], $0x4000  }
0xaa: {  	[sflag:s23] =	ssyncset.done $0x0  }
0xab: {  	[sflag:s23] =	ssyncadd.s32 $0xFFFFC000  }
0xac: {  	[spmem:s2] =	stream.indirect.scatter.add.f32 [tilespmem:s21], [sflag:$0x3], $0x80, s29, s20, $0xb8;
	[tilespmem:$0x1F000] =	vst v63  }
0xad: {  	_ =	swait.ge [sflag:s18], $0x4000  }
0xae: {  	[sflag:s18] =	ssyncset.done $0x0  }
0xaf: {  	[sflag:s18] =	ssyncadd.s32 $0xFFFFC000  }
0xb0: {  	[tilespmem:s21], [sflag:$0x1] =	stream.indirect.gather [hbm4b:s4+s20], $0x80, s30, s20, $0xb8;
	[tilespmem:$0x1F000] =	vst v63  }
0xb1: {  	_ =	swait.ge [sflag:s24], $0x4000  }
0xb2: {  	[sflag:s24] =	ssyncset.done $0x0  }
0xb3: {  	[sflag:s24] =	ssyncadd.s32 $0xFFFFC000  }
0xb4: {  	[spmem:s2] =	stream.indirect.scatter.add.f32 [tilespmem:s22], [sflag:$0x3], $0x80, s31, s20, $0xb8;
	[tilespmem:$0x1F000] =	vst v63  }
0xb5: {  	_ =	swait.ge [sflag:s18], $0x4000  }
0xb6: {  	[sflag:s18] =	ssyncset.done $0x0  }
0xb7: {  	[sflag:s18] =	ssyncadd.s32 $0xFFFFC000  }
0xb8: {  	[tilespmem:s22], [sflag:$0x2] =	stream.indirect.gather [hbm4b:s4+s20], $0x80, s0, s20, $0xb8;
	[tilespmem:$0x1F000] =	vst v63  }
0xb9: {  	_ =	swait.ge [sflag:s23], $0x4000  }
0xba: {  	[sflag:s23] =	ssyncset.done $0x0  }
0xbb: {  	[sflag:s23] =	ssyncadd.s32 $0xFFFFC000  }
0xbc: {  	[spmem:s2] =	stream.indirect.scatter.add.f32 [tilespmem:s21], [sflag:$0x3], $0x80, s1, s20, $0xb8;
	[tilespmem:$0x1F000] =	vst v63  }
0xbd: {  	_ =	swait.ge [sflag:s18], $0x4000  }
0xbe: {  	[sflag:s18] =	ssyncset.done $0x0  }
0xbf: {  	[sflag:s18] =	ssyncadd.s32 $0xFFFFC000  }
0xc0: {  	[tilespmem:s21], [sflag:$0x1] =	stream.indirect.gather [hbm4b:s4+s20], $0x80, s6, s20, $0xb8;
	[tilespmem:$0x1F000] =	vst v63  }
0xc1: {  	_ =	swait.ge [sflag:s24], $0x4000  }
0xc2: {  	[sflag:s24] =	ssyncset.done $0x0  }
0xc3: {  	[sflag:s24] =	ssyncadd.s32 $0xFFFFC000  }
0xc4: {  	[spmem:s2] =	stream.indirect.scatter.add.f32 [tilespmem:s22], [sflag:$0x3], $0x80, s7, s20, $0xb8;
	[tilespmem:$0x1F000] =	vst v63  }
0xc5: {  	_ =	swait.ge [sflag:s18], $0x4000  }
0xc6: {  	[sflag:s18] =	ssyncset.done $0x0  }
0xc7: {  	[sflag:s18] =	ssyncadd.s32 $0xFFFFC000  }
0xc8: {  	[tilespmem:s22], [sflag:$0x2] =	stream.indirect.gather [hbm4b:s4+s20], $0x80, s8, s20, $0xb8;
	[tilespmem:$0x1F000] =	vst v63  }
0xc9: {  	_ =	swait.ge [sflag:s23], $0x4000  }
0xca: {  	[sflag:s23] =	ssyncset.done $0x0  }
0xcb: {  	[sflag:s23] =	ssyncadd.s32 $0xFFFFC000  }
0xcc: {  	[spmem:s2] =	stream.indirect.scatter.add.f32 [tilespmem:s21], [sflag:$0x3], $0x80, s9, s20, $0xb8;
	[tilespmem:$0x1F000] =	vst v63  }
0xcd: {  	_ =	swait.ge [sflag:s18], $0x4000  }
0xce: {  	[sflag:s18] =	ssyncset.done $0x0  }
0xcf: {  	[sflag:s18] =	ssyncadd.s32 $0xFFFFC000  }
0xd0: {  	[tilespmem:s21], [sflag:$0x1] =	stream.indirect.gather [hbm4b:s4+s20], $0x80, s10, s20, $0xb8;
	[tilespmem:$0x1F000] =	vst v63  }
0xd1: {  	_ =	swait.ge [sflag:s24], $0x4000  }
0xd2: {  	[sflag:s24] =	ssyncset.done $0x0  }
0xd3: {  	[sflag:s24] =	ssyncadd.s32 $0xFFFFC000  }
0xd4: {  	[spmem:s2] =	stream.indirect.scatter.add.f32 [tilespmem:s22], [sflag:$0x3], $0x80, s11, s20, $0xb8;
	[tilespmem:$0x1F000] =	vst v63  }
0xd5: {  	_ =	swait.ge [sflag:s18], $0x4000  }
0xd6: {  	[sflag:s18] =	ssyncset.done $0x0  }
0xd7: {  	[sflag:s18] =	ssyncadd.s32 $0xFFFFC000  }
0xd8: {  	[tilespmem:s22], [sflag:$0x2] =	stream.indirect.gather [hbm4b:s4+s20], $0x80, s12, s20, $0xb8;
	[tilespmem:$0x1F000] =	vst v63  }
0xd9: {  	_ =	swait.ge [sflag:s23], $0x4000  }
0xda: {  	[sflag:s23] =	ssyncset.done $0x0  }
0xdb: {  	[sflag:s23] =	ssyncadd.s32 $0xFFFFC000  }
0xdc: {  	[spmem:s2] =	stream.indirect.scatter.add.f32 [tilespmem:s21], [sflag:$0x3], $0x80, s13, s20, $0xb8;
	[tilespmem:$0x1F000] =	vst v63  }
0xdd: {  	_ =	swait.ge [sflag:s18], $0x4000  }
0xde: {  	[sflag:s18] =	ssyncset.done $0x0  }
0xdf: {  	[sflag:s18] =	ssyncadd.s32 $0xFFFFC000  }
0xe0: {  	_ =	swait.ge [sflag:s24], $0x4000  }
0xe1: {  	[sflag:s24] =	ssyncset.done $0x0  }
0xe2: {  	[sflag:s24] =	ssyncadd.s32 $0xFFFFC000  }
0xe3: {  	[spmem:s2] =	stream.indirect.scatter.add.f32 [tilespmem:s22], [sflag:$0x3], $0x80, s14, s20, $0xb8;
	[tilespmem:$0x1F000] =	vst v63  }
0xe4: {  	s5 =	simm.s32 $0x200;
	_ =	swait.ge [sflag:s18], $0x4000  }
0xe5: {  	s16 =	simm.s32 $0x100;
	s17 =	rddreg [dreg:$0x4];
	[sflag:s18] =	ssyncset.done $0x0  }
.LBB2_5:
0xe6: {  	[sflag:s18] =	ssyncadd.s32 $0xFFFFC000;
	s17 =	sadd.s32 s16, s17  }
0xe7: {  	[tilespmem:s3], [sflag:$0x3] =	stream.linear.gather [hbm4b:s17+s3], $0x800, $0x38;
	[tilespmem:$0x1F000] =	vst v63  }
0xe8: {  	_ =	swait.ge [sflag:s18], $0x800  }
0xe9: {  	s17 =	rddreg [dreg:$0x3];
	[sflag:s18] =	ssyncset.done $0x0  }
0xea: {  	[sflag:s18] =	ssyncadd.s32 $0xFFFFF800;
	s17 =	sadd.s32 s16, s17  }
0xeb: {  	[tilespmem:s19], [sflag:$0x3] =	stream.linear.gather [hbm4b:s17+s3], $0x800, $0x38;
	[tilespmem:$0x1F000] =	vst v63  }
0xec: {  	_ =	swait.ge [sflag:s18], $0x800  }
0xed: {  	[sflag:s18] =	ssyncset.done $0x0  }
0xee: {  	[sflag:s18] =	ssyncadd.s32 $0xFFFFF800  }
0xef: {  	[tilespmem:s21], [sflag:$0x1] =	stream.indirect.gather [hbm4b:s4+s20], $0x80, s3, s20, $0xb8;
	[tilespmem:$0x1F000] =	vst v63  }
0xf0: {  	_ = 	snop  }
0xf1: {  	[tilespmem:s22], [sflag:$0x2] =	stream.indirect.gather [hbm4b:s4+s20], $0x80, s20, s20, $0xb8;
	[tilespmem:$0x1F000] =	vst v63  }
0xf2: {  	_ =	swait.ge [sflag:s23], $0x4000  }
0xf3: {  	[sflag:s23] =	ssyncset.done $0x0  }
0xf4: {  	[sflag:s23] =	ssyncadd.s32 $0xFFFFC000  }
0xf5: {  	[spmem:s2] =	stream.indirect.scatter.add.f32 [tilespmem:s21], [sflag:$0x3], $0x80, s19, s20, $0xb8;
	[tilespmem:$0x1F000] =	vst v63  }
0xf6: {  	_ =	swait.ge [sflag:s18], $0x4000  }
0xf7: {  	[sflag:s18] =	ssyncset.done $0x0  }
0xf8: {  	s17 =	rddreg [dreg:$0x5];
	[sflag:s18] =	ssyncadd.s32 $0xFFFFC000  }
0xf9: {  	[tilespmem:s21], [sflag:$0x1] =	stream.indirect.gather [hbm4b:s4+s20], $0x80, s17, s20, $0xb8;
	[tilespmem:$0x1F000] =	vst v63  }
0xfa: {  	_ =	swait.ge [sflag:s24], $0x4000  }
0xfb: {  	[sflag:s24] =	ssyncset.done $0x0  }
0xfc: {  	s17 =	rddreg [dreg:$0x6];
	[sflag:s24] =	ssyncadd.s32 $0xFFFFC000  }
0xfd: {  	[spmem:s2] =	stream.indirect.scatter.add.f32 [tilespmem:s22], [sflag:$0x3], $0x80, s17, s20, $0xb8;
	[tilespmem:$0x1F000] =	vst v63  }
0xfe: {  	_ =	swait.ge [sflag:s18], $0x4000  }
0xff: {  	[sflag:s18] =	ssyncset.done $0x0  }
0x100: {  	s17 =	rddreg [dreg:$0x7];
	[sflag:s18] =	ssyncadd.s32 $0xFFFFC000  }
0x101: {  	[tilespmem:s22], [sflag:$0x2] =	stream.indirect.gather [hbm4b:s4+s20], $0x80, s17, s20, $0xb8;
	[tilespmem:$0x1F000] =	vst v63  }
0x102: {  	_ =	swait.ge [sflag:s23], $0x4000  }
0x103: {  	[sflag:s23] =	ssyncset.done $0x0  }
0x104: {  	s17 =	rddreg [dreg:$0x8];
	[sflag:s23] =	ssyncadd.s32 $0xFFFFC000  }
0x105: {  	[spmem:s2] =	stream.indirect.scatter.add.f32 [tilespmem:s21], [sflag:$0x3], $0x80, s17, s20, $0xb8;
	[tilespmem:$0x1F000] =	vst v63  }
0x106: {  	_ =	swait.ge [sflag:s18], $0x4000  }
0x107: {  	[sflag:s18] =	ssyncset.done $0x0  }
0x108: {  	s17 =	rddreg [dreg:$0x9];
	[sflag:s18] =	ssyncadd.s32 $0xFFFFC000  }
0x109: {  	[tilespmem:s21], [sflag:$0x1] =	stream.indirect.gather [hbm4b:s4+s20], $0x80, s17, s20, $0xb8;
	[tilespmem:$0x1F000] =	vst v63  }
0x10a: {  	_ =	swait.ge [sflag:s24], $0x4000  }
0x10b: {  	[sflag:s24] =	ssyncset.done $0x0  }
0x10c: {  	s17 =	rddreg [dreg:$0xa];
	[sflag:s24] =	ssyncadd.s32 $0xFFFFC000  }
0x10d: {  	[spmem:s2] =	stream.indirect.scatter.add.f32 [tilespmem:s22], [sflag:$0x3], $0x80, s17, s20, $0xb8;
	[tilespmem:$0x1F000] =	vst v63  }
0x10e: {  	_ =	swait.ge [sflag:s18], $0x4000  }
0x10f: {  	[sflag:s18] =	ssyncset.done $0x0  }
0x110: {  	s17 =	rddreg [dreg:$0xb];
	[sflag:s18] =	ssyncadd.s32 $0xFFFFC000  }
0x111: {  	[tilespmem:s22], [sflag:$0x2] =	stream.indirect.gather [hbm4b:s4+s20], $0x80, s17, s20, $0xb8;
	[tilespmem:$0x1F000] =	vst v63  }
0x112: {  	_ =	swait.ge [sflag:s23], $0x4000  }
0x113: {  	[sflag:s23] =	ssyncset.done $0x0  }
0x114: {  	s17 =	rddreg [dreg:$0xc];
	[sflag:s23] =	ssyncadd.s32 $0xFFFFC000  }
0x115: {  	[spmem:s2] =	stream.indirect.scatter.add.f32 [tilespmem:s21], [sflag:$0x3], $0x80, s17, s20, $0xb8;
	[tilespmem:$0x1F000] =	vst v63  }
0x116: {  	_ =	swait.ge [sflag:s18], $0x4000  }
0x117: {  	[sflag:s18] =	ssyncset.done $0x0  }
0x118: {  	s17 =	rddreg [dreg:$0xd];
	[sflag:s18] =	ssyncadd.s32 $0xFFFFC000  }
0x119: {  	[tilespmem:s21], [sflag:$0x1] =	stream.indirect.gather [hbm4b:s4+s20], $0x80, s17, s20, $0xb8;
	[tilespmem:$0x1F000] =	vst v63  }
0x11a: {  	_ =	swait.ge [sflag:s24], $0x4000  }
0x11b: {  	[sflag:s24] =	ssyncset.done $0x0  }
0x11c: {  	s17 =	rddreg [dreg:$0xe];
	[sflag:s24] =	ssyncadd.s32 $0xFFFFC000  }
0x11d: {  	[spmem:s2] =	stream.indirect.scatter.add.f32 [tilespmem:s22], [sflag:$0x3], $0x80, s17, s20, $0xb8;
	[tilespmem:$0x1F000] =	vst v63  }
0x11e: {  	_ =	swait.ge [sflag:s18], $0x4000  }
0x11f: {  	[sflag:s18] =	ssyncset.done $0x0  }
0x120: {  	s17 =	rddreg [dreg:$0xf];
	[sflag:s18] =	ssyncadd.s32 $0xFFFFC000  }
0x121: {  	[tilespmem:s22], [sflag:$0x2] =	stream.indirect.gather [hbm4b:s4+s20], $0x80, s17, s20, $0xb8;
	[tilespmem:$0x1F000] =	vst v63  }
0x122: {  	_ =	swait.ge [sflag:s23], $0x4000  }
0x123: {  	[sflag:s23] =	ssyncset.done $0x0  }
0x124: {  	s17 =	rddreg [dreg:$0x10];
	[sflag:s23] =	ssyncadd.s32 $0xFFFFC000  }
0x125: {  	[spmem:s2] =	stream.indirect.scatter.add.f32 [tilespmem:s21], [sflag:$0x3], $0x80, s17, s20, $0xb8;
	[tilespmem:$0x1F000] =	vst v63  }
0x126: {  	_ =	swait.ge [sflag:s18], $0x4000  }
0x127: {  	[sflag:s18] =	ssyncset.done $0x0  }
0x128: {  	[sflag:s18] =	ssyncadd.s32 $0xFFFFC000  }
0x129: {  	[tilespmem:s21], [sflag:$0x1] =	stream.indirect.gather [hbm4b:s4+s20], $0x80, s25, s20, $0xb8;
	[tilespmem:$0x1F000] =	vst v63  }
0x12a: {  	_ =	swait.ge [sflag:s24], $0x4000  }
0x12b: {  	[sflag:s24] =	ssyncset.done $0x0  }
0x12c: {  	[sflag:s24] =	ssyncadd.s32 $0xFFFFC000  }
0x12d: {  	[spmem:s2] =	stream.indirect.scatter.add.f32 [tilespmem:s22], [sflag:$0x3], $0x80, s26, s20, $0xb8;
	[tilespmem:$0x1F000] =	vst v63  }
0x12e: {  	_ =	swait.ge [sflag:s18], $0x4000  }
0x12f: {  	[sflag:s18] =	ssyncset.done $0x0  }
0x130: {  	[sflag:s18] =	ssyncadd.s32 $0xFFFFC000  }
0x131: {  	[tilespmem:s22], [sflag:$0x2] =	stream.indirect.gather [hbm4b:s4+s20], $0x80, s28, s20, $0xb8;
	[tilespmem:$0x1F000] =	vst v63  }
0x132: {  	_ =	swait.ge [sflag:s23], $0x4000  }
0x133: {  	[sflag:s23] =	ssyncset.done $0x0  }
0x134: {  	[sflag:s23] =	ssyncadd.s32 $0xFFFFC000  }
0x135: {  	[spmem:s2] =	stream.indirect.scatter.add.f32 [tilespmem:s21], [sflag:$0x3], $0x80, s29, s20, $0xb8;
	[tilespmem:$0x1F000] =	vst v63  }
0x136: {  	_ =	swait.ge [sflag:s18], $0x4000  }
0x137: {  	[sflag:s18] =	ssyncset.done $0x0  }
0x138: {  	[sflag:s18] =	ssyncadd.s32 $0xFFFFC000  }
0x139: {  	[tilespmem:s21], [sflag:$0x1] =	stream.indirect.gather [hbm4b:s4+s20], $0x80, s30, s20, $0xb8;
	[tilespmem:$0x1F000] =	vst v63  }
0x13a: {  	_ =	swait.ge [sflag:s24], $0x4000  }
0x13b: {  	[sflag:s24] =	ssyncset.done $0x0  }
0x13c: {  	[sflag:s24] =	ssyncadd.s32 $0xFFFFC000  }
0x13d: {  	[spmem:s2] =	stream.indirect.scatter.add.f32 [tilespmem:s22], [sflag:$0x3], $0x80, s31, s20, $0xb8;
	[tilespmem:$0x1F000] =	vst v63  }
0x13e: {  	_ =	swait.ge [sflag:s18], $0x4000  }
0x13f: {  	[sflag:s18] =	ssyncset.done $0x0  }
0x140: {  	[sflag:s18] =	ssyncadd.s32 $0xFFFFC000  }
0x141: {  	[tilespmem:s22], [sflag:$0x2] =	stream.indirect.gather [hbm4b:s4+s20], $0x80, s0, s20, $0xb8;
	[tilespmem:$0x1F000] =	vst v63  }
0x142: {  	_ =	swait.ge [sflag:s23], $0x4000  }
0x143: {  	[sflag:s23] =	ssyncset.done $0x0  }
0x144: {  	[sflag:s23] =	ssyncadd.s32 $0xFFFFC000  }
0x145: {  	[spmem:s2] =	stream.indirect.scatter.add.f32 [tilespmem:s21], [sflag:$0x3], $0x80, s1, s20, $0xb8;
	[tilespmem:$0x1F000] =	vst v63  }
0x146: {  	_ =	swait.ge [sflag:s18], $0x4000  }
0x147: {  	[sflag:s18] =	ssyncset.done $0x0  }
0x148: {  	[sflag:s18] =	ssyncadd.s32 $0xFFFFC000  }
0x149: {  	[tilespmem:s21], [sflag:$0x1] =	stream.indirect.gather [hbm4b:s4+s20], $0x80, s6, s20, $0xb8;
	[tilespmem:$0x1F000] =	vst v63  }
0x14a: {  	_ =	swait.ge [sflag:s24], $0x4000  }
0x14b: {  	[sflag:s24] =	ssyncset.done $0x0  }
0x14c: {  	[sflag:s24] =	ssyncadd.s32 $0xFFFFC000  }
0x14d: {  	[spmem:s2] =	stream.indirect.scatter.add.f32 [tilespmem:s22], [sflag:$0x3], $0x80, s7, s20, $0xb8;
	[tilespmem:$0x1F000] =	vst v63  }
0x14e: {  	_ =	swait.ge [sflag:s18], $0x4000  }
0x14f: {  	[sflag:s18] =	ssyncset.done $0x0  }
0x150: {  	[sflag:s18] =	ssyncadd.s32 $0xFFFFC000  }
0x151: {  	[tilespmem:s22], [sflag:$0x2] =	stream.indirect.gather [hbm4b:s4+s20], $0x80, s8, s20, $0xb8;
	[tilespmem:$0x1F000] =	vst v63  }
0x152: {  	_ =	swait.ge [sflag:s23], $0x4000  }
0x153: {  	[sflag:s23] =	ssyncset.done $0x0  }
0x154: {  	[sflag:s23] =	ssyncadd.s32 $0xFFFFC000  }
0x155: {  	[spmem:s2] =	stream.indirect.scatter.add.f32 [tilespmem:s21], [sflag:$0x3], $0x80, s9, s20, $0xb8;
	[tilespmem:$0x1F000] =	vst v63  }
0x156: {  	_ =	swait.ge [sflag:s18], $0x4000  }
0x157: {  	[sflag:s18] =	ssyncset.done $0x0  }
0x158: {  	[sflag:s18] =	ssyncadd.s32 $0xFFFFC000  }
0x159: {  	[tilespmem:s21], [sflag:$0x1] =	stream.indirect.gather [hbm4b:s4+s20], $0x80, s10, s20, $0xb8;
	[tilespmem:$0x1F000] =	vst v63  }
0x15a: {  	_ =	swait.ge [sflag:s24], $0x4000  }
0x15b: {  	[sflag:s24] =	ssyncset.done $0x0  }
0x15c: {  	[sflag:s24] =	ssyncadd.s32 $0xFFFFC000  }
0x15d: {  	[spmem:s2] =	stream.indirect.scatter.add.f32 [tilespmem:s22], [sflag:$0x3], $0x80, s11, s20, $0xb8;
	[tilespmem:$0x1F000] =	vst v63  }
0x15e: {  	_ =	swait.ge [sflag:s18], $0x4000  }
0x15f: {  	[sflag:s18] =	ssyncset.done $0x0  }
0x160: {  	[sflag:s18] =	ssyncadd.s32 $0xFFFFC000  }
0x161: {  	[tilespmem:s22], [sflag:$0x2] =	stream.indirect.gather [hbm4b:s4+s20], $0x80, s12, s20, $0xb8;
	[tilespmem:$0x1F000] =	vst v63  }
0x162: {  	_ =	swait.ge [sflag:s23], $0x4000  }
0x163: {  	[sflag:s23] =	ssyncset.done $0x0  }
0x164: {  	[sflag:s23] =	ssyncadd.s32 $0xFFFFC000  }
0x165: {  	[spmem:s2] =	stream.indirect.scatter.add.f32 [tilespmem:s21], [sflag:$0x3], $0x80, s13, s20, $0xb8;
	[tilespmem:$0x1F000] =	vst v63  }
0x166: {  	_ =	swait.ge [sflag:s18], $0x4000  }
0x167: {  	[sflag:s18] =	ssyncset.done $0x0  }
0x168: {  	[sflag:s18] =	ssyncadd.s32 $0xFFFFC000  }
0x169: {  	p1 =	sne.s32 s5, $0x900;
	_ =	swait.ge [sflag:s24], $0x4000  }
.Ltmp4:
0x16a: {  	[sflag:s24] =	ssyncset.done $0x0;
	(pc) =	sbr.rel @p1 .LBB2_5-.Ltmp4, $4  }
0x16b: {  	[sflag:s24] =	ssyncadd.s32 $0xFFFFC000  }
0x16c: {  	[spmem:s2] =	stream.indirect.scatter.add.f32 [tilespmem:s22], [sflag:$0x3], $0x80, s14, s20, $0xb8;
	[tilespmem:$0x1F000] =	vst v63  }
0x16d: {  	s15 =	smov.u32 s5;
	s5 =	sadd.s32 $0x100, s5;
	_ =	swait.ge [sflag:s18], $0x4000  }
0x16e: {  	s16 =	smov.u32 s15;
	s17 =	rddreg [dreg:$0x4];
	[sflag:s18] =	ssyncset.done $0x0  }
0x16f: {  	[sflag:s18] =	ssyncadd.s32 $0xFFFFC000;
	s5 =	sadd.s32 s16, s17  }
0x170: {  	[tilespmem:s3], [sflag:$0x3] =	stream.linear.gather [hbm4b:s5+s3], $0x800, $0x38;
	[tilespmem:$0x1F000] =	vst v63  }
0x171: {  	_ =	swait.ge [sflag:s18], $0x800  }
0x172: {  	s15 =	rddreg [dreg:$0x3];
	[sflag:s18] =	ssyncset.done $0x0  }
0x173: {  	[sflag:s18] =	ssyncadd.s32 $0xFFFFF800;
	s5 =	sadd.s32 s16, s15  }
0x174: {  	[tilespmem:s19], [sflag:$0x3] =	stream.linear.gather [hbm4b:s5+s3], $0x800, $0x38;
	[tilespmem:$0x1F000] =	vst v63  }
0x175: {  	_ =	swait.ge [sflag:s18], $0x800  }
0x176: {  	[sflag:s18] =	ssyncset.done $0x0  }
0x177: {  	[sflag:s18] =	ssyncadd.s32 $0xFFFFF800  }
0x178: {  	[tilespmem:s21], [sflag:$0x1] =	stream.indirect.gather [hbm4b:s4+s20], $0x80, s3, s20, $0xb8;
	[tilespmem:$0x1F000] =	vst v63  }
0x179: {  	_ = 	snop  }
0x17a: {  	[tilespmem:s22], [sflag:$0x2] =	stream.indirect.gather [hbm4b:s4+s20], $0x80, s20, s20, $0xb8;
	[tilespmem:$0x1F000] =	vst v63  }
0x17b: {  	_ =	swait.ge [sflag:s23], $0x4000  }
0x17c: {  	[sflag:s23] =	ssyncset.done $0x0  }
0x17d: {  	[sflag:s23] =	ssyncadd.s32 $0xFFFFC000  }
0x17e: {  	[spmem:s2] =	stream.indirect.scatter.add.f32 [tilespmem:s21], [sflag:$0x3], $0x80, s19, s20, $0xb8;
	[tilespmem:$0x1F000] =	vst v63  }
0x17f: {  	_ =	swait.ge [sflag:s18], $0x4000  }
0x180: {  	[sflag:s18] =	ssyncset.done $0x0  }
0x181: {  	s16 =	rddreg [dreg:$0x5];
	[sflag:s18] =	ssyncadd.s32 $0xFFFFC000  }
0x182: {  	[tilespmem:s21], [sflag:$0x1] =	stream.indirect.gather [hbm4b:s4+s20], $0x80, s16, s20, $0xb8;
	[tilespmem:$0x1F000] =	vst v63  }
0x183: {  	_ =	swait.ge [sflag:s24], $0x4000  }
0x184: {  	[sflag:s24] =	ssyncset.done $0x0  }
0x185: {  	s17 =	rddreg [dreg:$0x6];
	[sflag:s24] =	ssyncadd.s32 $0xFFFFC000  }
0x186: {  	[spmem:s2] =	stream.indirect.scatter.add.f32 [tilespmem:s22], [sflag:$0x3], $0x80, s17, s20, $0xb8;
	[tilespmem:$0x1F000] =	vst v63  }
0x187: {  	_ =	swait.ge [sflag:s18], $0x4000  }
0x188: {  	[sflag:s18] =	ssyncset.done $0x0  }
0x189: {  	s15 =	rddreg [dreg:$0x7];
	[sflag:s18] =	ssyncadd.s32 $0xFFFFC000  }
0x18a: {  	[tilespmem:s22], [sflag:$0x2] =	stream.indirect.gather [hbm4b:s4+s20], $0x80, s15, s20, $0xb8;
	[tilespmem:$0x1F000] =	vst v63  }
0x18b: {  	_ =	swait.ge [sflag:s23], $0x4000  }
0x18c: {  	[sflag:s23] =	ssyncset.done $0x0  }
0x18d: {  	s16 =	rddreg [dreg:$0x8];
	[sflag:s23] =	ssyncadd.s32 $0xFFFFC000  }
0x18e: {  	[spmem:s2] =	stream.indirect.scatter.add.f32 [tilespmem:s21], [sflag:$0x3], $0x80, s16, s20, $0xb8;
	[tilespmem:$0x1F000] =	vst v63  }
0x18f: {  	_ =	swait.ge [sflag:s18], $0x4000  }
0x190: {  	[sflag:s18] =	ssyncset.done $0x0  }
0x191: {  	s17 =	rddreg [dreg:$0x9];
	[sflag:s18] =	ssyncadd.s32 $0xFFFFC000  }
0x192: {  	[tilespmem:s21], [sflag:$0x1] =	stream.indirect.gather [hbm4b:s4+s20], $0x80, s17, s20, $0xb8;
	[tilespmem:$0x1F000] =	vst v63  }
0x193: {  	_ =	swait.ge [sflag:s24], $0x4000  }
0x194: {  	[sflag:s24] =	ssyncset.done $0x0  }
0x195: {  	s15 =	rddreg [dreg:$0xa];
	[sflag:s24] =	ssyncadd.s32 $0xFFFFC000  }
0x196: {  	[spmem:s2] =	stream.indirect.scatter.add.f32 [tilespmem:s22], [sflag:$0x3], $0x80, s15, s20, $0xb8;
	[tilespmem:$0x1F000] =	vst v63  }
0x197: {  	_ =	swait.ge [sflag:s18], $0x4000  }
0x198: {  	[sflag:s18] =	ssyncset.done $0x0  }
0x199: {  	s16 =	rddreg [dreg:$0xb];
	[sflag:s18] =	ssyncadd.s32 $0xFFFFC000  }
0x19a: {  	[tilespmem:s22], [sflag:$0x2] =	stream.indirect.gather [hbm4b:s4+s20], $0x80, s16, s20, $0xb8;
	[tilespmem:$0x1F000] =	vst v63  }
0x19b: {  	_ =	swait.ge [sflag:s23], $0x4000  }
0x19c: {  	[sflag:s23] =	ssyncset.done $0x0  }
0x19d: {  	s17 =	rddreg [dreg:$0xc];
	[sflag:s23] =	ssyncadd.s32 $0xFFFFC000  }
0x19e: {  	[spmem:s2] =	stream.indirect.scatter.add.f32 [tilespmem:s21], [sflag:$0x3], $0x80, s17, s20, $0xb8;
	[tilespmem:$0x1F000] =	vst v63  }
0x19f: {  	_ =	swait.ge [sflag:s18], $0x4000  }
0x1a0: {  	[sflag:s18] =	ssyncset.done $0x0  }
0x1a1: {  	s15 =	rddreg [dreg:$0xd];
	[sflag:s18] =	ssyncadd.s32 $0xFFFFC000  }
0x1a2: {  	[tilespmem:s21], [sflag:$0x1] =	stream.indirect.gather [hbm4b:s4+s20], $0x80, s15, s20, $0xb8;
	[tilespmem:$0x1F000] =	vst v63  }
0x1a3: {  	_ =	swait.ge [sflag:s24], $0x4000  }
0x1a4: {  	[sflag:s24] =	ssyncset.done $0x0  }
0x1a5: {  	s16 =	rddreg [dreg:$0xe];
	[sflag:s24] =	ssyncadd.s32 $0xFFFFC000  }
0x1a6: {  	[spmem:s2] =	stream.indirect.scatter.add.f32 [tilespmem:s22], [sflag:$0x3], $0x80, s16, s20, $0xb8;
	[tilespmem:$0x1F000] =	vst v63  }
0x1a7: {  	_ =	swait.ge [sflag:s18], $0x4000  }
0x1a8: {  	[sflag:s18] =	ssyncset.done $0x0  }
0x1a9: {  	s17 =	rddreg [dreg:$0xf];
	[sflag:s18] =	ssyncadd.s32 $0xFFFFC000  }
0x1aa: {  	[tilespmem:s22], [sflag:$0x2] =	stream.indirect.gather [hbm4b:s4+s20], $0x80, s17, s20, $0xb8;
	[tilespmem:$0x1F000] =	vst v63  }
0x1ab: {  	_ =	swait.ge [sflag:s23], $0x4000  }
0x1ac: {  	[sflag:s23] =	ssyncset.done $0x0  }
0x1ad: {  	s15 =	rddreg [dreg:$0x10];
	[sflag:s23] =	ssyncadd.s32 $0xFFFFC000  }
0x1ae: {  	[spmem:s2] =	stream.indirect.scatter.add.f32 [tilespmem:s21], [sflag:$0x3], $0x80, s15, s20, $0xb8;
	[tilespmem:$0x1F000] =	vst v63  }
0x1af: {  	_ =	swait.ge [sflag:s18], $0x4000  }
0x1b0: {  	[sflag:s18] =	ssyncset.done $0x0  }
0x1b1: {  	[sflag:s18] =	ssyncadd.s32 $0xFFFFC000  }
0x1b2: {  	[tilespmem:s21], [sflag:$0x1] =	stream.indirect.gather [hbm4b:s4+s20], $0x80, s25, s20, $0xb8;
	[tilespmem:$0x1F000] =	vst v63  }
0x1b3: {  	_ =	swait.ge [sflag:s24], $0x4000  }
0x1b4: {  	[sflag:s24] =	ssyncset.done $0x0  }
0x1b5: {  	[sflag:s24] =	ssyncadd.s32 $0xFFFFC000  }
0x1b6: {  	[spmem:s2] =	stream.indirect.scatter.add.f32 [tilespmem:s22], [sflag:$0x3], $0x80, s26, s20, $0xb8;
	[tilespmem:$0x1F000] =	vst v63  }
0x1b7: {  	_ =	swait.ge [sflag:s18], $0x4000  }
0x1b8: {  	[sflag:s18] =	ssyncset.done $0x0  }
0x1b9: {  	[sflag:s18] =	ssyncadd.s32 $0xFFFFC000  }
0x1ba: {  	[tilespmem:s22], [sflag:$0x2] =	stream.indirect.gather [hbm4b:s4+s20], $0x80, s28, s20, $0xb8;
	[tilespmem:$0x1F000] =	vst v63  }
0x1bb: {  	_ =	swait.ge [sflag:s23], $0x4000  }
0x1bc: {  	[sflag:s23] =	ssyncset.done $0x0  }
0x1bd: {  	[sflag:s23] =	ssyncadd.s32 $0xFFFFC000  }
0x1be: {  	[spmem:s2] =	stream.indirect.scatter.add.f32 [tilespmem:s21], [sflag:$0x3], $0x80, s29, s20, $0xb8;
	[tilespmem:$0x1F000] =	vst v63  }
0x1bf: {  	_ =	swait.ge [sflag:s18], $0x4000  }
0x1c0: {  	[sflag:s18] =	ssyncset.done $0x0  }
0x1c1: {  	[sflag:s18] =	ssyncadd.s32 $0xFFFFC000  }
0x1c2: {  	[tilespmem:s21], [sflag:$0x1] =	stream.indirect.gather [hbm4b:s4+s20], $0x80, s30, s20, $0xb8;
	[tilespmem:$0x1F000] =	vst v63  }
0x1c3: {  	_ =	swait.ge [sflag:s24], $0x4000  }
0x1c4: {  	[sflag:s24] =	ssyncset.done $0x0  }
0x1c5: {  	[sflag:s24] =	ssyncadd.s32 $0xFFFFC000  }
0x1c6: {  	[spmem:s2] =	stream.indirect.scatter.add.f32 [tilespmem:s22], [sflag:$0x3], $0x80, s31, s20, $0xb8;
	[tilespmem:$0x1F000] =	vst v63  }
0x1c7: {  	_ =	swait.ge [sflag:s18], $0x4000  }
0x1c8: {  	[sflag:s18] =	ssyncset.done $0x0  }
0x1c9: {  	[sflag:s18] =	ssyncadd.s32 $0xFFFFC000  }
0x1ca: {  	[tilespmem:s22], [sflag:$0x2] =	stream.indirect.gather [hbm4b:s4+s20], $0x80, s0, s20, $0xb8;
	[tilespmem:$0x1F000] =	vst v63  }
0x1cb: {  	_ =	swait.ge [sflag:s23], $0x4000  }
0x1cc: {  	[sflag:s23] =	ssyncset.done $0x0  }
0x1cd: {  	[sflag:s23] =	ssyncadd.s32 $0xFFFFC000  }
0x1ce: {  	[spmem:s2] =	stream.indirect.scatter.add.f32 [tilespmem:s21], [sflag:$0x3], $0x80, s1, s20, $0xb8;
	[tilespmem:$0x1F000] =	vst v63  }
0x1cf: {  	_ =	swait.ge [sflag:s18], $0x4000  }
0x1d0: {  	[sflag:s18] =	ssyncset.done $0x0  }
0x1d1: {  	[sflag:s18] =	ssyncadd.s32 $0xFFFFC000  }
0x1d2: {  	[tilespmem:s21], [sflag:$0x1] =	stream.indirect.gather [hbm4b:s4+s20], $0x80, s6, s20, $0xb8;
	[tilespmem:$0x1F000] =	vst v63  }
0x1d3: {  	_ =	swait.ge [sflag:s24], $0x4000  }
0x1d4: {  	[sflag:s24] =	ssyncset.done $0x0  }
0x1d5: {  	[sflag:s24] =	ssyncadd.s32 $0xFFFFC000  }
0x1d6: {  	[spmem:s2] =	stream.indirect.scatter.add.f32 [tilespmem:s22], [sflag:$0x3], $0x80, s7, s20, $0xb8;
	[tilespmem:$0x1F000] =	vst v63  }
0x1d7: {  	_ =	swait.ge [sflag:s18], $0x4000  }
0x1d8: {  	[sflag:s18] =	ssyncset.done $0x0  }
0x1d9: {  	[sflag:s18] =	ssyncadd.s32 $0xFFFFC000  }
0x1da: {  	[tilespmem:s22], [sflag:$0x2] =	stream.indirect.gather [hbm4b:s4+s20], $0x80, s8, s20, $0xb8;
	[tilespmem:$0x1F000] =	vst v63  }
0x1db: {  	_ =	swait.ge [sflag:s23], $0x4000  }
0x1dc: {  	[sflag:s23] =	ssyncset.done $0x0  }
0x1dd: {  	[sflag:s23] =	ssyncadd.s32 $0xFFFFC000  }
0x1de: {  	[spmem:s2] =	stream.indirect.scatter.add.f32 [tilespmem:s21], [sflag:$0x3], $0x80, s9, s20, $0xb8;
	[tilespmem:$0x1F000] =	vst v63  }
0x1df: {  	_ =	swait.ge [sflag:s18], $0x4000  }
0x1e0: {  	[sflag:s18] =	ssyncset.done $0x0  }
0x1e1: {  	[sflag:s18] =	ssyncadd.s32 $0xFFFFC000  }
0x1e2: {  	[tilespmem:s21], [sflag:$0x1] =	stream.indirect.gather [hbm4b:s4+s20], $0x80, s10, s20, $0xb8;
	[tilespmem:$0x1F000] =	vst v63  }
0x1e3: {  	_ =	swait.ge [sflag:s24], $0x4000  }
0x1e4: {  	[sflag:s24] =	ssyncset.done $0x0  }
0x1e5: {  	[sflag:s24] =	ssyncadd.s32 $0xFFFFC000  }
0x1e6: {  	[spmem:s2] =	stream.indirect.scatter.add.f32 [tilespmem:s22], [sflag:$0x3], $0x80, s11, s20, $0xb8;
	[tilespmem:$0x1F000] =	vst v63  }
0x1e7: {  	_ =	swait.ge [sflag:s18], $0x4000  }
0x1e8: {  	[sflag:s18] =	ssyncset.done $0x0  }
0x1e9: {  	[sflag:s18] =	ssyncadd.s32 $0xFFFFC000  }
0x1ea: {  	[tilespmem:s22], [sflag:$0x2] =	stream.indirect.gather [hbm4b:s4+s20], $0x80, s12, s20, $0xb8;
	[tilespmem:$0x1F000] =	vst v63  }
0x1eb: {  	_ =	swait.ge [sflag:s23], $0x4000  }
0x1ec: {  	[sflag:s23] =	ssyncset.done $0x0  }
0x1ed: {  	[sflag:s23] =	ssyncadd.s32 $0xFFFFC000  }
0x1ee: {  	[spmem:s2] =	stream.indirect.scatter.add.f32 [tilespmem:s21], [sflag:$0x3], $0x80, s13, s20, $0xb8;
	[tilespmem:$0x1F000] =	vst v63  }
0x1ef: {  	_ =	swait.ge [sflag:s18], $0x4000  }
0x1f0: {  	[sflag:s18] =	ssyncset.done $0x0  }
0x1f1: {  	[sflag:s18] =	ssyncadd.s32 $0xFFFFC000  }
0x1f2: {  	_ =	swait.ge [sflag:s24], $0x4000  }
0x1f3: {  	[sflag:s24] =	ssyncset.done $0x0  }
0x1f4: {  	[sflag:s24] =	ssyncadd.s32 $0xFFFFC000  }
0x1f5: {  	[spmem:s2] =	stream.indirect.scatter.add.f32 [tilespmem:s22], [sflag:$0x3], $0x80, s14, s20, $0xb8;
	[tilespmem:$0x1F000] =	vst v63  }
0x1f6: {  	_ =	swait.ge [sflag:s18], $0x4000  }
0x1f7: {  	[sflag:s18] =	ssyncset.done $0x0  }
0x1f8: {  	s16 =	stileid.u32;
	[sflag:s18] =	ssyncadd.s32 $0xFFFFC000  }
0x1f9: {  	s5 =	sshll.u32 s16, $0x6;
	[bflag:$0x0] =	sbarrier.arrive $0xFFFF  }
0x1fa: {  	s5 =	sor.u32 $0x1C03, s5;
	s15 =	rddreg [dreg:$0x11]  }
.Ltmp5:
0x1fb: {  	s17 =	rddreg [dreg:$0x12];
	s15 =	sshrl.u32 s15, $0x3;
	(pc) =	sbr.rel .LBB2_8-.Ltmp5, $4  }
0x1fc: {  	[hbm:s17], [sflag:s5] =	dma.local [spmem:s15], $0x2800  }
0x1fd: {  	_ =	swait.ge [sflag:s18], $0x2800  }
0x1fe: {  	[sflag:s18] =	ssyncset.done $0x0  }
0x1ff: {  	s15 =	rddreg [dreg:$0x1d];
	[sflag:s18] =	ssyncadd.s32 $0xFFFFD800  }
.LBB2_9:
0x200: {  	_ =	sfence.sel $0x180000  }
0x201: {  	[bflag:$0x0] =	sbarrier.arrive $0xFFFF  }
0x202: {  	_ =	strace $0x90000050  }
0x203: {  	s0 =	stileid.u32;
	[bflag:$0x2] =	sbarrier.arrive $0xFFFF  }
0x204: {  	p0 =	sne.s32 s0, $0x0;
	s0 =	rddreg [dreg:$0x2]  }
0x205: {  	s0 =	sadd.s32 @!p0 $0x100000, s0  }
0x206: {  	[sflag:s0] =	ssyncadd.tile.s32 @!p0 $0x1;
	_ =	shalt  }
.Lfunc_end2:
_tile_overlayer_lowered:
.L_overlay_start_2:
0x207: {  	(tag) =	ssettag $0x2  }
0x208: {  	s0 =	rddreg [dreg:$0x0];
	s2 =	stileid.u32  }
0x209: {  	s1 =	rddreg [dreg:$0x1];
	p0 =	sne.s32 s2, $0x0  }
0x20a: {  	s3 =	rddreg [dreg:$0x2];
	[bflag:$0x3] =	sbarrier.arrive $0xFFFF;
	s2 =	simm.s32 @!p0 $0x1C03  }
0x20b: {  	[timem:s3], [sflag:s2] =	dma.local @!p0 [hbm:s0], s1  }
0x20c: {  	s0 =	simm.s32 @!p0 $0x3  }
0x20d: {  	_ =	swait.ge @!p0 [sflag:s0], s1  }
0x20e: {  	s1 =	ssub.s32 @!p0 $0x0, s1;
	[sflag:s0] =	ssyncset.done @!p0 $0x0  }
0x20f: {  	[sflag:s0] =	ssyncadd.s32 @!p0 s1  }
0x210: {  	[bflag:$0x3] =	sbarrier.arrive $0xFFFF  }
0x211: {  	_ =	shalt  }

// kernel: kernel.9.cloned.1.call-start
scs
__scs_entry_jumppad:
0x0: {  	(pc) =	sbr.rel $0x88, $3  }
0x1: {  	(tag) =	ssettag $0x0;
	lr =	simm.s32 $0x1  }
0x2: {  	[smem:$0x3F95] =	sst lr;
	_ =	strace $0xD0000000  }
0x3: {  	_ = 	snop  }
0x4: {  	_ = 	snop  }
0x5: {  	_ = 	snop  }
0x6: {  	_ = 	snop  }
0x7: {  	_ = 	snop  }
__scs_overlays_trampoline_lowered:
0x8: {  	[smem:$0x3FA4] =	sst s0  }
0x9: {  	[smem:$0x3FA5] =	sst s1  }
0xa: {  	[smem:$0x3FA6] =	sst s2  }
0xb: {  	[smem:$0x3FA7] =	sst s3  }
0xc: {  	[smem:$0x3FA8] =	sst s4  }
0xd: {  	[smem:$0x3FA9] =	sst s5  }
0xe: {  	[smem:$0x3FAA] =	sst s6  }
0xf: {  	[smem:$0x3FAB] =	sst s7  }
0x10: {  	[smem:$0x3FAC] =	sst s8  }
0x11: {  	[smem:$0x3FAD] =	sst s9;
	s0 =	simm.s32 @!p0 $0x0  }
0x12: {  	s1 =	sld [smem:$0x3F93];
	s0 =	simm.s32 @p0 $0x1  }
0x13: {  	[smem:$0x3FAE] =	sst s0;
	s0 =	simm.s32 @!p1 $0x0  }
0x14: {  	s2 =	sld [smem:$0x3F92];
	s0 =	simm.s32 @p1 $0x1  }
0x15: {  	[smem:$0x3FAF] =	sst s0;
	s0 =	simm.s32 @!p2 $0x0  }
0x16: {  	s3 =	sld [smem:$0x3FDB];
	s0 =	simm.s32 @p2 $0x1  }
0x17: {  	s4 =	simm.s32 $0x1BF5;
	[smem:$0x3FB1] =	sst s0  }
0x18: {  	s0 =	sld [smem:$0x3F94];
	_ =	swait.ge [sflag:s4], $0x0  }
0x19: {  	s7 =	sld [smem:$0x3F95]  }
0x1a: {  	s8 =	sadd.s32 $0xFFFFE003, lr  }
0x1b: {  	s9 =	sadd.s32 $0xFFFFFEF7, lr;
	s5 =	simm.s32 $0xFFFFFFFF;
	p2 =	slt.u32 s8, $0xFFFFF086  }
0x1c: {  	p1 =	slt.u32 s9, $0xF7A;
	s5 =	simm.s32 @!p2 $0x0  }
0x1d: {  	s5 =	simm.s32 @p1 $0x1;
	p0 =	seq.s32 s7, s2  }
0x1e: {  	s7 =	smul.u32 @!p0 $0xF7A, s2;
	p2 =	seq.s32 @!p0 s5, $0x0  }
0x1f: {  	s9 =	smul.u32 $0xF7A, s1;
	s8 =	simm.s32 @!p0 $0x1BF5;
	p2 =	por !p2, p0  }
0x20: {  	[sflag:s8] =	ssyncset.s32 @!p0 $0xFFFFF086;
	s6 =	sadd.s32 @!p0 s3, s7;
	s7 =	simm.s32 @!p0 $0x108  }
0x21: {  	s3 =	sadd.s32 s3, s9;
	s6 =	sadd.s32 @!p0 $0x88, s6;
	s7 =	simm.s32 @p2 $0x1082  }
0x22: {  	[simem:s7], [sflag:s8] =	dma.local @!p0 [hbm:s6], $0xF7A  }
0x23: {  	s9 =	sor.u32 $0xD0000000, s2;
	s6 =	simm.s32 $0x108;
	_ =	swait.ge @!p0 [sflag:s8], $0x0  }
0x24: {  	s3 =	sadd.s32 $0x88, s3;
	s6 =	simm.s32 @!p1 $0x1082;
	[sflag:s4] =	ssyncset.s32 $0xFFFFF086  }
0x25: {  	[simem:s6], [sflag:s4] =	dma.local [hbm:s3], $0xF7A  }
0x26: {  	[smem:$0x3F95] =	sst s1;
	(tag) =	ssettag s2;
	_ =	strace s9  }
0x27: {  	s1 =	sld [smem:$0x3FA5]  }
0x28: {  	s2 =	sld [smem:$0x3FA6]  }
0x29: {  	s4 =	sld [smem:$0x3FA8]  }
0x2a: {  	p0 =	seq.s32 s5, $0x0;
	s5 =	sld [smem:$0x3FA9]  }
0x2b: {  	s6 =	sld [smem:$0x3FAA]  }
0x2c: {  	s7 =	sld [smem:$0x3FAB]  }
0x2d: {  	s3 =	simm.s32 $0x108;
	s8 =	sld [smem:$0x3FAC]  }
0x2e: {  	s3 =	simm.s32 @!p0 $0x1082;
	s9 =	sld [smem:$0x3FAD]  }
0x2f: {  	lr =	sadd.s32 s0, s3;
	s0 =	sld [smem:$0x3FA4]  }
0x30: {  	s3 =	sld [smem:$0x3FA7]  }
0x31: {  	[smem:$0x3FB0] =	sst s10  }
0x32: {  	s10 =	sld [smem:$0x3FAE];
	_ =	sdelay $0x3  }
0x33: {  	p0 =	seq.s32 s10, $0x1;
	s10 =	sld [smem:$0x3FB0];
	_ =	sdelay $0x3  }
0x34: {  	[smem:$0x3FB0] =	sst s10  }
0x35: {  	s10 =	sld [smem:$0x3FAF];
	_ =	sdelay $0x3  }
0x36: {  	p1 =	seq.s32 s10, $0x1;
	s10 =	sld [smem:$0x3FB0];
	_ =	sdelay $0x3  }
0x37: {  	[smem:$0x3FB0] =	sst s10  }
0x38: {  	s10 =	sld [smem:$0x3FB1]  }
0x39: {  	_ = 	snop;
	(pc) =	sbr.ind lr, $3  }
0x3a: {  	_ = 	snop  }
0x3b: {  	_ = 	snop  }
0x3c: {  	p2 =	seq.s32 s10, $0x1;
	s10 =	sld [smem:$0x3FB0]  }
0x3d: {  	_ =	shalt  }
0x3e: {  	_ =	shalt  }
0x3f: {  	_ =	shalt  }
0x40: {  	_ =	shalt  }
0x41: {  	_ =	shalt  }
0x42: {  	_ =	shalt  }
0x43: {  	_ =	shalt  }
0x44: {  	_ =	shalt  }
0x45: {  	_ =	shalt  }
0x46: {  	_ =	shalt  }
0x47: {  	_ =	shalt  }
0x48: {  	_ =	shalt  }
0x49: {  	_ =	shalt  }
0x4a: {  	_ =	shalt  }
0x4b: {  	_ =	shalt  }
0x4c: {  	_ =	shalt  }
0x4d: {  	_ =	shalt  }
0x4e: {  	_ =	shalt  }
0x4f: {  	_ =	shalt  }
0x50: {  	_ =	shalt  }
0x51: {  	_ =	shalt  }
0x52: {  	_ =	shalt  }
0x53: {  	_ =	shalt  }
0x54: {  	_ =	shalt  }
0x55: {  	_ =	shalt  }
0x56: {  	_ =	shalt  }
0x57: {  	_ =	shalt  }
0x58: {  	_ =	shalt  }
0x59: {  	_ =	shalt  }
0x5a: {  	_ =	shalt  }
0x5b: {  	_ =	shalt  }
0x5c: {  	_ =	shalt  }
0x5d: {  	_ =	shalt  }
0x5e: {  	_ =	shalt  }
0x5f: {  	_ =	shalt  }
0x60: {  	_ =	shalt  }
0x61: {  	_ =	shalt  }
0x62: {  	_ =	shalt  }
0x63: {  	_ =	shalt  }
0x64: {  	_ =	shalt  }
0x65: {  	_ =	shalt  }
0x66: {  	_ =	shalt  }
0x67: {  	_ =	shalt  }
0x68: {  	_ =	shalt  }
0x69: {  	_ =	shalt  }
0x6a: {  	_ =	shalt  }
0x6b: {  	_ =	shalt  }
0x6c: {  	_ =	shalt  }
0x6d: {  	_ =	shalt  }
0x6e: {  	_ =	shalt  }
0x6f: {  	_ =	shalt  }
0x70: {  	_ =	shalt  }
0x71: {  	_ =	shalt  }
0x72: {  	_ =	shalt  }
0x73: {  	_ =	shalt  }
0x74: {  	_ =	shalt  }
0x75: {  	_ =	shalt  }
0x76: {  	_ =	shalt  }
0x77: {  	_ =	shalt  }
0x78: {  	_ =	shalt  }
0x79: {  	_ =	shalt  }
0x7a: {  	_ =	shalt  }
0x7b: {  	_ =	shalt  }
0x7c: {  	_ =	shalt  }
0x7d: {  	_ =	shalt  }
0x7e: {  	_ =	shalt  }
0x7f: {  	_ =	shalt  }
0x80: {  	_ =	shalt  }
0x81: {  	_ =	shalt  }
0x82: {  	_ =	shalt  }
0x83: {  	_ =	shalt  }
0x84: {  	_ =	shalt  }
0x85: {  	_ =	shalt  }
0x86: {  	_ =	shalt  }
0x87: {  	_ =	shalt  }
.Lfunc_end0:
.L_simem_size_0:
called_computation_lowered:
.L_overlay_start_0:
0x88: {  	s2 =	sld [smem:$0x3FD9]  }
0x89: {  	s3 =	sld [smem:$0x3FFE];
	_ =	sdelay $0x1  }
0x8a: {  	s1 =	srdreg.scid  }
0x8b: {  	s0 =	sand.u32 $0x1, s1  }
0x8c: {  	s16 =	sshll.u32 s0, $0xA;
	s2 =	sadd.s32 s3, s2  }
0x8d: {  	s2 =	sadd.s32 s2, s16  }
0x8e: {  	[smem:$0x3FBC] =	sst s2  }
0x8f: {  	_ = 	snop  }
0x90: {  	(tm) =	ssettm $0x1  }
0x91: {  	s17 =	sld [smem:$0x3FFB];
	_ =	sdelay $0x3  }
0x92: {  	_ =	strace s17  }
0x93: {  	s2 =	sld [smem:$0x3FFC];
	_ =	sdelay $0x3  }
0x94: {  	_ =	strace s2  }
0x95: {  	s2 =	sld [smem:$0x3FFD];
	_ =	sdelay $0x3  }
0x96: {  	_ =	strace s2  }
0x97: {  	_ =	strace $0x8FFFFFFF  }
0x98: {  	s18 =	sld [smem:$0x3FDB];
	_ =	sdelay $0x1  }
0x99: {  	s19 =	simm.s32 $_scs_section_size  }
0x9a: {  	s4 =	simm.s32 $_size__tile_overlayer_lowered;
	s5 =	simm.s32 $_tile_overlayer_lowered  }
0x9b: {  	s22 =	simm.s32 $0x1BFF;
	s21 =	sshll.u32 s5, $0x1;
	s2 =	sadd.s32 s19, s18  }
0x9c: {  	s6 =	simm.s32 $0x0;
	s20 =	sshll.u32 s4, $0x1;
	s4 =	sadd.s32 s21, s2  }
0x9d: {  	[timem:s6], [sflag:s22] =	dma.local [hbm:s4], s20  }
0x9e: {  	_ =	swait.ge [sflag:s22], s20  }
0x9f: {  	s3 =	ssub.s32 $0x0, s20;
	[sflag:s22] =	ssyncset.done $0x0  }
0xa0: {  	[sflag:s22] =	ssyncadd.s32 s3;
	_ =	sdelay $0x1  }
0xa1: {  	s23 =	simm.s32 $0x1B8B  }
0xa2: {  	_ =	swait.ge [sflag:s23], $0x1  }
0xa3: {  	[sflag:s23] =	ssyncset.done $0x0  }
0xa4: {  	s25 =	simm.s32 $0x1B8E;
	s24 =	sld [smem:$0x3FFE];
	[sflag:s23] =	ssyncadd.s32 $0xFFFFFFFF  }
0xa5: {  	s26 =	simm.s32 $execute0_lowered;
	[smem:$0x3FD2] =	sst s25  }
0xa6: {  	s4 =	sshll.u32 s26, $0x1;
	_ =	strace $0x80000046;
	[dreg:$0x1] =	wrdreg $0xFFFFFFFF  }
0xa7: {  	s28 =	simm.s32 $_size_execute0_lowered;
	s2 =	sadd.s32 s2, s4;
	[dreg:$0x0] =	wrdreg $0x0  }
0xa8: {  	s4 =	sshll.u32 s28, $0x1;
	[dreg:$0x2] =	wrdreg s2  }
0xa9: {  	[dreg:$0x3] =	wrdreg s4  }
0xaa: {  	[dreg:$0x4] =	wrdreg $0xC0  }
0xab: {  	_ =	task [dreg:s6], $0x5FFFF  }
0xac: {  	[dreg:$0x1] =	wrdreg $0xFFFFFFFF  }
0xad: {  	[dreg:$0x0] =	wrdreg $0x60  }
0xae: {  	[dreg:$0x2] =	wrdreg s24  }
0xaf: {  	[dreg:$0x3] =	wrdreg $0x9  }
0xb0: {  	_ =	task.clear_ibuf [dreg:s6], $0x4FFFF;
	_ =	strace $0x90000046  }
0xb1: {  	s29 =	simm.s32 $0x9;
	_ =	strace $0x80000048  }
0xb2: {  	_ =	swait.ge [sflag:s29], $0x1  }
0xb3: {  	[sflag:s29] =	ssyncadd.s32 $0xFFFFFFFF  }
0xb4: {  	_ =	strace $0x90000048  }
0xb5: {  	_ =	sfence  }
0xb6: {  	s30 =	sld [smem:$0x0];
	_ =	sdelay $0x2  }
0xb7: {  	s31 =	sshll.u32 s1, $0xD;
	s1 =	sshrl.u32 s1, $0x2  }
0xb8: {  	s3 =	sand.u32 $0x4000, s31;
	s1 =	sadd.s32 s1, s30  }
0xb9: {  	s0 =	sor.u32 s3, s0;
	s1 =	sshll.u32 s1, $0x11  }
0xba: {  	s0 =	sor.u32 s1, s0  }
0xbb: {  	s0 =	sadd.s32 $0x8F2B, s0  }
0xbc: {  	[sflag:s0] =	ssyncadd.remote.s32 $0x1  }
0xbd: {  	_ =	sfence.sel $0xFFFF  }
0xbe: {  	[dreg:$0x0] =	wrdreg $0xFFFFFFFF;
	(pc) =	sbr.abs _section_cstart, $3  }
0xbf: {  	[dreg:$0x1] =	wrdreg $0xFFFFFFFF  }
0xc0: {  	_ =	task.clear_ibuf [dreg:s6], $0x2FFFF;
	_ =	strace $0x9FFFFFFF  }
0xc1: {  	(tm) =	ssettm $0x7FFFFFFF  }
tec
execute0_lowered:
.L_overlay_start_1:
0x0: {  	(tag) =	ssettag $0x1  }
0x1: {  	s3 =	rddreg [dreg:$0x0]  }
0x2: {  	s0 =	rddreg [dreg:$0x1];
	s2 =	simm.s32 $0x0;
	s4 =	srdreg.scid  }
0x3: {  	s1 =	stileid.u32;
	s10 =	simm.s32 $0x1;
	s11 =	simm.s32 $0x800  }
0x4: {  	s12 =	simm.s32 $0x80;
	s13 =	simm.s32 $0x400;
	[smem:$0x7FF] =	sst s2  }
0x5: {  	s4 =	sand.u32 $0x1, s4;
	s5 =	smul.u32 $0x2800, s1;
	s6 =	sshrl.u32 s1, $0x2  }
0x6: {  	s7 =	sshll.u32 s1, $0x8;
	s6 =	smul.u32 $0x14000, s6;
	s8 =	sshll.u32 s4, $0x7  }
0x7: {  	s7 =	sand.u32 $0x300, s7;
	_ =	strace $0x80000047;
	p0 =	seq.s32 s4, $0x0  }
0x8: {  	s4 =	ssub.s32 $0x2, s4;
	s7 =	sor.u32 s8, s7;
	s8 =	sadd.s32 $0x28000, s5  }
0x9: {  	s30 =	sshrl.u32 s4, $0x1;
	s6 =	sor.u32 s6, s7;
	s8 =	smov.u32 @p0 s5  }
0xa: {  	s4 =	ssub.s32 s4, s30;
	s29 =	sshrl.u32 s6, $0x3;
	s31 =	sshrl.u32 s8, $0x3  }
0xb: {  	s4 =	smax.u32 s4, $0x1;
	s5 =	sadd.s32 s29, s3;
	s9 =	sadd.s32 s31, s3  }
0xc: {  	s3 =	sadd.s32 $0x17000, s5;
	s5 =	sadd.s32 $0x3000, s9;
	s6 =	sadd.s32 $0x3100, s9  }
0xd: {  	v0 =	vimm.f32 $0.0e+00;
	v1 =	vimm.f32 $1.000000000e+00;
	s7 =	sadd.s32 $0x3200, s9;
	s8 =	sadd.s32 $0x3300, s9;
	s9 =	sadd.s32 $0x3400, s9  }
.LBB2_1:
0xe: {  	s14 =	simm.s32 $0x40;
	s15 =	simm.s32 $0x0  }
.LBB2_2:
0xf: {  	p0 =	sne.s32 s14, $0x9FC0;
	[tilespmem:s15+$0x800] =	vst v0;
	s15 =	smov.u32 s14;
	s14 =	sadd.s32 $0x40, s14  }
.Ltmp0:
0x10: {  	(pc) =	sbr.rel @p0 .LBB2_2-.Ltmp0, $2  }
0x11: {  	_ =	sdelay $0x2  }
0x12: {  	s15 =	sshra.s32 s15, $0x2  }
0x13: {  	[tilespmem:s15+$0x800] =	vst v0;
	s14 =	simm.s32 $0x0  }
0x14: {  	[tilespmem:s14], [sflag:$0x1] =	stream.linear.gather [hbm4b:s5+s14], $0x800, $0x38;
	[tilespmem:$0x3000] =	vst v63  }
0x15: {  	s31 =	sand.u32 $0x1E00, s14;
	_ =	swait.ge [sflag:s10], $0x800  }
0x16: {  	s14 =	sand.u32 $0x70, s14;
	s15 =	sshrl.u32 s31, $0x2;
	[sflag:s10] =	ssyncset.done $0x0  }
0x17: {  	s14 =	sor.u32 s14, s15;
	[sflag:s10] =	ssyncadd.s32 $0xFFFFF800  }
0x18: {  	v2 =	vld [tilespmem:s14+$0x0];
	_ =	sdelay $0x4  }
0x19: {  	s16 =	simm.s32 $0x40  }
0x1a: {  	s16 =	sand.u32 $0x1E00, s16;
	s15 =	simm.s32 $0x80;
	s14 =	simm.s32 $0x10  }
.LBB2_4:
0x1b: {  	p0 =	sne.s32 s15, $0x1FC0;
	s17 =	sand.u32 $0x70, s14;
	s16 =	sshrl.u32 s16, $0x2  }
0x1c: {  	s16 =	sor.u32 s17, s16;
	[tilespmem:v2+s11+$0x0] =	vst.idx.add.f32.msk $0xffff, v1  }
0x1d: {  	v2 =	vld [tilespmem:s16+$0x0];
	_ =	sdelay $0x1  }
.Ltmp1:
0x1e: {  	(pc) =	sbr.rel @p0 .LBB2_4-.Ltmp1, $2  }
0x1f: {  	_ =	sdelay $0x2  }
0x20: {  	s14 =	sadd.s32 $0x10, s14;
	s16 =	sand.u32 $0x1E00, s15;
	s15 =	sadd.s32 $0x40, s15  }
0x21: {  	_ =	sdelay $0x2  }
0x22: {  	s14 =	sand.u32 $0x70, s14;
	s15 =	sshrl.u32 s16, $0x2  }
0x23: {  	[tilespmem:v2+s11+$0x0] =	vst.idx.add.f32.msk $0xffff, v1;
	s14 =	sor.u32 s14, s15  }
0x24: {  	v2 =	vld [tilespmem:s14+$0x0];
	_ =	sdelay $0x7  }
0x25: {  	s30 =	simm.s32 $0x0;
	[tilespmem:v2+s11+$0x0] =	vst.idx.add.f32.msk $0xffff, v1  }
0x26: {  	[tilespmem:s30], [sflag:$0x1] =	stream.linear.gather [hbm4b:s6+s30], $0x800, $0x38;
	[tilespmem:$0x3000] =	vst v63  }
0x27: {  	s31 =	sand.u32 $0x1E00, s30;
	_ =	swait.ge [sflag:s10], $0x800  }
0x28: {  	s14 =	sand.u32 $0x70, s30;
	s15 =	sshrl.u32 s31, $0x2;
	[sflag:s10] =	ssyncset.done $0x0  }
0x29: {  	s15 =	sor.u32 s14, s15;
	[sflag:s10] =	ssyncadd.s32 $0xFFFFF800  }
0x2a: {  	v2 =	vld [tilespmem:s15+$0x0];
	_ =	sdelay $0x4  }
0x2b: {  	s14 =	simm.s32 $0x40  }
0x2c: {  	s16 =	simm.s32 $0x10;
	s17 =	sand.u32 $0x1E00, s14;
	s15 =	simm.s32 $0x20  }
.LBB2_6:
0x2d: {  	p0 =	sne.s32 s15, $0x7F0;
	s16 =	sand.u32 $0x70, s16;
	s17 =	sshrl.u32 s17, $0x2  }
0x2e: {  	s17 =	sor.u32 s16, s17;
	[tilespmem:v2+s11+$0x0] =	vst.idx.add.f32.msk $0xffff, v1;
	s16 =	smov.u32 s15  }
0x2f: {  	v2 =	vld [tilespmem:s17+$0x0];
	_ =	sdelay $0x1  }
.Ltmp2:
0x30: {  	(pc) =	sbr.rel @p0 .LBB2_6-.Ltmp2, $3  }
0x31: {  	_ =	sdelay $0x1  }
0x32: {  	s14 =	sadd.s32 $0x40, s14  }
0x33: {  	s15 =	sadd.s32 $0x10, s15;
	s17 =	sand.u32 $0x1E00, s14  }
0x34: {  	_ =	sdelay $0x2  }
0x35: {  	s14 =	sand.u32 $0x70, s16;
	s15 =	sshrl.u32 s17, $0x2  }
0x36: {  	[tilespmem:v2+s11+$0x0] =	vst.idx.add.f32.msk $0xffff, v1;
	s14 =	sor.u32 s14, s15  }
0x37: {  	v2 =	vld [tilespmem:s14+$0x0];
	_ =	sdelay $0x7  }
0x38: {  	s30 =	simm.s32 $0x0;
	[tilespmem:v2+s11+$0x0] =	vst.idx.add.f32.msk $0xffff, v1  }
0x39: {  	[tilespmem:s30], [sflag:$0x1] =	stream.linear.gather [hbm4b:s7+s30], $0x800, $0x38;
	[tilespmem:$0x3000] =	vst v63  }
0x3a: {  	s31 =	sand.u32 $0x1E00, s30;
	_ =	swait.ge [sflag:s10], $0x800  }
0x3b: {  	s14 =	sand.u32 $0x70, s30;
	s15 =	sshrl.u32 s31, $0x2;
	[sflag:s10] =	ssyncset.done $0x0  }
0x3c: {  	s15 =	sor.u32 s14, s15;
	[sflag:s10] =	ssyncadd.s32 $0xFFFFF800  }
0x3d: {  	v2 =	vld [tilespmem:s15+$0x0];
	_ =	sdelay $0x4  }
0x3e: {  	s14 =	simm.s32 $0x40  }
0x3f: {  	s16 =	simm.s32 $0x10;
	s17 =	sand.u32 $0x1E00, s14;
	s15 =	simm.s32 $0x20  }
.LBB2_8:
0x40: {  	p0 =	sne.s32 s15, $0x7F0;
	s16 =	sand.u32 $0x70, s16;
	s17 =	sshrl.u32 s17, $0x2  }
0x41: {  	s17 =	sor.u32 s16, s17;
	[tilespmem:v2+s11+$0x0] =	vst.idx.add.f32.msk $0xffff, v1;
	s16 =	smov.u32 s15  }
0x42: {  	v2 =	vld [tilespmem:s17+$0x0];
	_ =	sdelay $0x1  }
.Ltmp3:
0x43: {  	(pc) =	sbr.rel @p0 .LBB2_8-.Ltmp3, $3  }
0x44: {  	_ =	sdelay $0x1  }
0x45: {  	s14 =	sadd.s32 $0x40, s14  }
0x46: {  	s15 =	sadd.s32 $0x10, s15;
	s17 =	sand.u32 $0x1E00, s14  }
0x47: {  	_ =	sdelay $0x2  }
0x48: {  	s14 =	sand.u32 $0x70, s16;
	s15 =	sshrl.u32 s17, $0x2  }
0x49: {  	[tilespmem:v2+s11+$0x0] =	vst.idx.add.f32.msk $0xffff, v1;
	s14 =	sor.u32 s14, s15  }
0x4a: {  	v2 =	vld [tilespmem:s14+$0x0];
	_ =	sdelay $0x7  }
0x4b: {  	s30 =	simm.s32 $0x0;
	[tilespmem:v2+s11+$0x0] =	vst.idx.add.f32.msk $0xffff, v1  }
0x4c: {  	[tilespmem:s30], [sflag:$0x1] =	stream.linear.gather [hbm4b:s8+s30], $0x800, $0x38;
	[tilespmem:$0x3000] =	vst v63  }
0x4d: {  	s31 =	sand.u32 $0x1E00, s30;
	_ =	swait.ge [sflag:s10], $0x800  }
0x4e: {  	s14 =	sand.u32 $0x70, s30;
	s15 =	sshrl.u32 s31, $0x2;
	[sflag:s10] =	ssyncset.done $0x0  }
0x4f: {  	s15 =	sor.u32 s14, s15;
	[sflag:s10] =	ssyncadd.s32 $0xFFFFF800  }
0x50: {  	v2 =	vld [tilespmem:s15+$0x0];
	_ =	sdelay $0x4  }
0x51: {  	s14 =	simm.s32 $0x40  }
0x52: {  	s16 =	simm.s32 $0x10;
	s17 =	sand.u32 $0x1E00, s14;
	s15 =	simm.s32 $0x20  }
.LBB2_10:
0x53: {  	p0 =	sne.s32 s15, $0x7F0;
	s16 =	sand.u32 $0x70, s16;
	s17 =	sshrl.u32 s17, $0x2  }
0x54: {  	s17 =	sor.u32 s16, s17;
	[tilespmem:v2+s11+$0x0] =	vst.idx.add.f32.msk $0xffff, v1;
	s16 =	smov.u32 s15  }
0x55: {  	v2 =	vld [tilespmem:s17+$0x0];
	_ =	sdelay $0x1  }
.Ltmp4:
0x56: {  	(pc) =	sbr.rel @p0 .LBB2_10-.Ltmp4, $3  }
0x57: {  	_ =	sdelay $0x1  }
0x58: {  	s14 =	sadd.s32 $0x40, s14  }
0x59: {  	s15 =	sadd.s32 $0x10, s15;
	s17 =	sand.u32 $0x1E00, s14  }
0x5a: {  	_ =	sdelay $0x2  }
0x5b: {  	s14 =	sand.u32 $0x70, s16;
	s15 =	sshrl.u32 s17, $0x2  }
0x5c: {  	[tilespmem:v2+s11+$0x0] =	vst.idx.add.f32.msk $0xffff, v1;
	s14 =	sor.u32 s14, s15  }
0x5d: {  	v2 =	vld [tilespmem:s14+$0x0];
	_ =	sdelay $0x7  }
0x5e: {  	s30 =	simm.s32 $0x0;
	[tilespmem:v2+s11+$0x0] =	vst.idx.add.f32.msk $0xffff, v1  }
0x5f: {  	[tilespmem:s30], [sflag:$0x1] =	stream.linear.gather [hbm4b:s9+s30], $0x800, $0x38;
	[tilespmem:$0x3000] =	vst v63  }
0x60: {  	s31 =	sand.u32 $0x1E00, s30;
	_ =	swait.ge [sflag:s10], $0x800  }
0x61: {  	s14 =	sand.u32 $0x70, s30;
	s15 =	sshrl.u32 s31, $0x2;
	[sflag:s10] =	ssyncset.done $0x0  }
0x62: {  	s15 =	sor.u32 s14, s15;
	[sflag:s10] =	ssyncadd.s32 $0xFFFFF800  }
0x63: {  	v2 =	vld [tilespmem:s15+$0x0];
	_ =	sdelay $0x4  }
0x64: {  	s14 =	simm.s32 $0x40  }
0x65: {  	s16 =	simm.s32 $0x10;
	s17 =	sand.u32 $0x1E00, s14;
	s15 =	simm.s32 $0x20  }
.LBB2_12:
0x66: {  	p0 =	sne.s32 s15, $0x7F0;
	s16 =	sand.u32 $0x70, s16;
	s17 =	sshrl.u32 s17, $0x2  }
0x67: {  	s17 =	sor.u32 s16, s17;
	[tilespmem:v2+s11+$0x0] =	vst.idx.add.f32.msk $0xffff, v1;
	s16 =	smov.u32 s15  }
0x68: {  	v2 =	vld [tilespmem:s17+$0x0];
	_ =	sdelay $0x1  }
.Ltmp5:
0x69: {  	(pc) =	sbr.rel @p0 .LBB2_12-.Ltmp5, $3  }
0x6a: {  	_ =	sdelay $0x1  }
0x6b: {  	s14 =	sadd.s32 $0x40, s14  }
0x6c: {  	s15 =	sadd.s32 $0x10, s15;
	s17 =	sand.u32 $0x1E00, s14  }
0x6d: {  	_ =	sdelay $0x2  }
0x6e: {  	s14 =	sand.u32 $0x70, s16;
	s15 =	sshrl.u32 s17, $0x2  }
0x6f: {  	[tilespmem:v2+s11+$0x0] =	vst.idx.add.f32.msk $0xffff, v1;
	s14 =	sor.u32 s14, s15  }
0x70: {  	v2 =	vld [tilespmem:s14+$0x0];
	_ =	sdelay $0x5  }
0x71: {  	s2 =	sadd.s32 $0x1, s2  }
0x72: {  	p0 =	sne.s32 s2, s4  }
.Ltmp6:
0x73: {  	[tilespmem:v2+s11+$0x0] =	vst.idx.add.f32.msk $0xffff, v1;
	(pc) =	sbr.rel @p0 .LBB2_1-.Ltmp6, $4  }
0x74: {  	[hbm4b:s3+s12] =	stream.strided.scatter [tilespmem:s11], [sflag:$0x1], $0x2800, s13, s12, $0x38;
	[tilespmem:$0x3000] =	vst v63  }
0x75: {  	_ =	swait.ge [sflag:s10], $0x2800  }
0x76: {  	[sflag:s10] =	ssyncset.done $0x0  }
0x77: {  	[sflag:s10] =	ssyncadd.s32 $0xFFFFD800  }
0x78: {  	_ =	sfence.sel $0x180000  }
0x79: {  	[bflag:$0x0] =	sbarrier.arrive $0xFFFF  }
0x7a: {  	p0 =	sne.s32 s1, $0x0;
	_ =	strace $0x90000047  }
0x7b: {  	s0 =	sadd.s32 @!p0 $0x100000, s0;
	[bflag:$0x2] =	sbarrier.arrive $0xFFFF  }
0x7c: {  	[sflag:s0] =	ssyncadd.tile.s32 @!p0 $0x1;
	_ =	shalt  }
.Lfunc_end2:
_tile_overlayer_lowered:
.L_overlay_start_2:
0x7d: {  	(tag) =	ssettag $0x2  }
0x7e: {  	s0 =	rddreg [dreg:$0x0];
	s2 =	stileid.u32  }
0x7f: {  	s1 =	rddreg [dreg:$0x1];
	p0 =	sne.s32 s2, $0x0  }
0x80: {  	s3 =	rddreg [dreg:$0x2];
	[bflag:$0x3] =	sbarrier.arrive $0xFFFF;
	s2 =	simm.s32 @!p0 $0x1C01  }
0x81: {  	[timem:s3], [sflag:s2] =	dma.local @!p0 [hbm:s0], s1  }
0x82: {  	s0 =	simm.s32 @!p0 $0x1  }
0x83: {  	_ =	swait.ge @!p0 [sflag:s0], s1  }
0x84: {  	s1 =	ssub.s32 @!p0 $0x0, s1;
	[sflag:s0] =	ssyncset.done @!p0 $0x0  }
0x85: {  	[sflag:s0] =	ssyncadd.s32 @!p0 s1  }
0x86: {  	[bflag:$0x3] =	sbarrier.arrive $0xFFFF  }
0x87: {  	_ =	shalt  }

</sc_bundles>
